<compile_context>
chip_gen: v7x
topology: tpu7x:2x2x1
jax: 0.10.2.dev20260603
libtpu: 0.0.44.dev20260713+nightly
codegen_flags: <defaults>
</compile_context>

<pallas_src>
import functools

import jax
import jax.numpy as jnp
from jax import lax
from jax.experimental import pallas as pl
from jax.experimental.pallas import tpu as pltpu
from jax.experimental.pallas import tpu_sc as plsc

EMB_DIM = 64
BATCH = 4096
HIST = 200
NC = 2
NS = 16
NW = NC * NS
K = 4
OUT_PAD = 16
TC_BLK = 512
NSPLIT = 1


def _sc_sum_kernel(tokens_hbm, emb_hbm, out_hbm,
                   tok0, tok1, rows0, rows1, out0, out1,
                   sg0, sg1, st0, st1, so0, so1):
    nb = tokens_hbm.shape[0]
    rows_per_w = nb // NW
    ng = rows_per_w // K
    wid = lax.axis_index("s") * NC + lax.axis_index("c")
    row0 = wid * rows_per_w
    toks = (tok0, tok1)
    rows = (rows0, rows1)
    outs = (out0, out1)
    sgs = (sg0, sg1)
    sts = (st0, st1)
    sos = (so0, so1)

    def fire_gathers(g, buf):
        for r in range(K):
            pltpu.async_copy(emb_hbm.at[toks[buf].at[r]],
                             rows[buf].at[pl.ds(r * HIST, HIST)], sgs[buf])

    def drain_gathers(buf):
        pltpu.make_async_copy(
            emb_hbm.at[pl.ds(0, K * HIST)], rows[buf], sgs[buf]).wait()

    def fire_tokens(g, buf):
        pltpu.async_copy(
            tokens_hbm.at[pl.ds(row0 + g * K, K)], toks[buf], sts[buf])

    def drain_tokens(buf):
        pltpu.make_async_copy(
            tokens_hbm.at[pl.ds(0, K)], toks[buf], sts[buf]).wait()

    def fire_out(g, buf):
        pltpu.async_copy(outs[buf],
                         out_hbm.at[pl.ds(row0 + g * K, K)], sos[buf])

    def drain_out(buf):
        pltpu.make_async_copy(outs[buf],
                              out_hbm.at[pl.ds(0, K)], sos[buf]).wait()

    def sum_group(buf):
        rv = rows[buf]
        for r in range(K):
            def sum_body(i, acc):
                rb = r * HIST + 2 * i
                return (acc[0] + rv[rb, pl.ds(0, 16)]
                        + rv[rb + 1, pl.ds(0, 16)],
                        acc[1] + rv[rb, pl.ds(16, 16)]
                        + rv[rb + 1, pl.ds(16, 16)],
                        acc[2] + rv[rb, pl.ds(32, 16)]
                        + rv[rb + 1, pl.ds(32, 16)],
                        acc[3] + rv[rb, pl.ds(48, 16)]
                        + rv[rb + 1, pl.ds(48, 16)])

            z = jnp.zeros((16,), jnp.float32)
            acc = lax.fori_loop(0, HIST // 2, sum_body, (z, z, z, z),
                                unroll=4)
            for c in range(4):
                outs[buf][r, pl.ds(16 * c, 16)] = acc[c]

    fire_tokens(0, 0)
    drain_tokens(0)
    fire_gathers(0, 0)
    fire_tokens(1, 1)
    drain_tokens(1)
    fire_gathers(1, 1)

    def pair_body(gg, carry):
        for buf in range(2):
            g = 2 * gg + buf
            drain_gathers(buf)
            @pl.when(g + 2 < ng)
            def _():
                fire_tokens(g + 2, buf)
            @pl.when(g >= 2)
            def _():
                drain_out(buf)
            sum_group(buf)
            fire_out(g, buf)
            @pl.when(g + 2 < ng)
            def _():
                drain_tokens(buf)
                fire_gathers(g + 2, buf)
        return carry

    lax.fori_loop(0, ng // 2, pair_body, 0)
    drain_out(0)
    drain_out(1)


def _tc_finish_kernel(tokens_ref, sums_ref, e0_ref, wt_ref, b_ref, out_ref):
    nz = jnp.sum((tokens_ref[...] == 0).astype(jnp.float32), axis=1,
                 keepdims=True)
    s = sums_ref[...] - nz * e0_ref[...]
    inv = 1.0 / (jnp.float32(HIST) - nz)
    dots = jnp.dot(s, wt_ref[...], preferred_element_type=jnp.float32)
    out_ref[...] = dots * inv + b_ref[...]


def _sc_call(tokens_half, emb):
    mesh = plsc.VectorSubcoreMesh(core_axis_name="c", subcore_axis_name="s",
                                  num_cores=NC, num_subcores=NS)
    return pl.kernel(
        _sc_sum_kernel,
        out_type=jax.ShapeDtypeStruct((tokens_half.shape[0], EMB_DIM),
                                      jnp.float32),
        mesh=mesh,
        scratch_types=[
            pltpu.VMEM((K, HIST), jnp.int32),
            pltpu.VMEM((K, HIST), jnp.int32),
            pltpu.VMEM((K * HIST, EMB_DIM), jnp.float32),
            pltpu.VMEM((K * HIST, EMB_DIM), jnp.float32),
            pltpu.VMEM((K, EMB_DIM), jnp.float32),
            pltpu.VMEM((K, EMB_DIM), jnp.float32),
            pltpu.SemaphoreType.DMA,
            pltpu.SemaphoreType.DMA,
            pltpu.SemaphoreType.DMA,
            pltpu.SemaphoreType.DMA,
            pltpu.SemaphoreType.DMA,
            pltpu.SemaphoreType.DMA,
        ],
        compiler_params=pltpu.CompilerParams(use_tc_tiling_on_sc=False),
    )(tokens_half, emb)


@jax.jit
def _run(tokens_i, emb, wt_pad, b_pad, e0):
    half = BATCH // NSPLIT
    sums = jnp.concatenate(
        [_sc_call(lax.slice_in_dim(tokens_i, i * half, (i + 1) * half), emb)
         for i in range(NSPLIT)], axis=0)

    out = pl.pallas_call(
        _tc_finish_kernel,
        out_shape=jax.ShapeDtypeStruct((BATCH, OUT_PAD), jnp.float32),
        grid=(BATCH // TC_BLK,),
        in_specs=[
            pl.BlockSpec((TC_BLK, HIST), lambda i: (i, 0)),
            pl.BlockSpec((TC_BLK, EMB_DIM), lambda i: (i, 0)),
            pl.BlockSpec((1, EMB_DIM), lambda i: (0, 0)),
            pl.BlockSpec((EMB_DIM, OUT_PAD), lambda i: (0, 0)),
            pl.BlockSpec((1, OUT_PAD), lambda i: (0, 0)),
        ],
        out_specs=pl.BlockSpec((TC_BLK, OUT_PAD), lambda i: (i, 0)),
    )(tokens_i, sums, e0, wt_pad, b_pad)
    return out


def kernel(tokens, emb, W, b):
    tokens_i = tokens.astype(jnp.int32)
    wt_pad = jnp.pad(W, ((0, OUT_PAD - W.shape[0]), (0, 0))).T
    b_pad = jnp.pad(b, (0, OUT_PAD - b.shape[0]))[None, :]
    e0 = emb[0][None, :]
    out = _run(tokens_i, emb, wt_pad, b_pad, e0)
    return out[:, :5]

# --- scband reference (transcript-rebuilt; emitter-appended) ---
"""Pipeline reference for scband-personality-classifier-34437047780094 (READ-ONLY COPY).

The authoritative reference and input builder live on the scoring server;
editing this copy changes nothing except your own understanding.
"""

import jax, jax.numpy as jnp
import numpy as np

EMB_DIM = 64
H_DIM = 64
N_TOKENS = 1000000
PAD_TOKEN = 0
BATCH = 4096
HIST = 200

def setup_inputs(seed: int = 0) -> dict:
    key = jax.random.key(seed)
    k_tok, k_emb, k_w, k_b = jax.random.split(key, 4)
    tokens = jax.random.randint(k_tok, (BATCH, HIST), 0, N_TOKENS, dtype=jnp.int64 if jax.config.jax_enable_x64 else jnp.int32)
    emb = jax.random.normal(k_emb, (N_TOKENS, EMB_DIM), dtype=jnp.float32) * 0.02
    W = jax.random.normal(k_w, (5, H_DIM), dtype=jnp.float32) * (1.0 / np.sqrt(H_DIM))
    b = jnp.zeros((5,), dtype=jnp.float32)
    return {"tokens": tokens, "emb": emb, "W": W, "b": b}

def reference(tokens, emb, W, b):
    mask = (tokens != PAD_TOKEN)
    gathered = jnp.take(emb, tokens, axis=0)  # [B, L, D]
    maskf = mask.astype(jnp.float32)
    summed = jnp.sum(gathered * maskf[:, :, None], axis=1)  # [B, D]
    counts = jnp.sum(maskf, axis=1)[:, None]  # [B, 1]
    avg_emb = summed / counts
    out = avg_emb @ W.T + b  # [B, 5]
    return out

if __name__ == "__main__":
    import jax
    _d = setup_inputs()
    print(jax.jit(kernel)(*tuple(_d.values())))

</pallas_src>

<mosaic_0001>
#map = affine_map<(d0, d1) -> (0, 0)>
module attributes {stable_mosaic.version = 14 : i64} {
  func.func @_sc_sum_kernel(%arg0: i32, %arg1: i32, %arg2: memref<4096x200xi32, #tpu.memory_space<hbm>>, %arg3: memref<1000000x64xf32, #tpu.memory_space<hbm>>, %arg4: memref<4096x64xf32, #tpu.memory_space<hbm>>, %arg5: memref<4x200xi32, #tpu.memory_space<vmem>>, %arg6: memref<4x200xi32, #tpu.memory_space<vmem>>, %arg7: memref<800x64xf32, #tpu.memory_space<vmem>>, %arg8: memref<800x64xf32, #tpu.memory_space<vmem>>, %arg9: memref<4x64xf32, #tpu.memory_space<vmem>>, %arg10: memref<4x64xf32, #tpu.memory_space<vmem>>, %arg11: memref<!tpu.dma_semaphore, #tpu.memory_space<semaphore_mem>>, %arg12: memref<!tpu.dma_semaphore, #tpu.memory_space<semaphore_mem>>, %arg13: memref<!tpu.dma_semaphore, #tpu.memory_space<semaphore_mem>>, %arg14: memref<!tpu.dma_semaphore, #tpu.memory_space<semaphore_mem>>, %arg15: memref<!tpu.dma_semaphore, #tpu.memory_space<semaphore_mem>>, %arg16: memref<!tpu.dma_semaphore, #tpu.memory_space<semaphore_mem>>) attributes {dimension_semantics = [#tpu.dimension_semantics<core_parallel>, #tpu.dimension_semantics<subcore_parallel>], iteration_bounds = array<i64: 2, 16>, scalar_prefetch = 0 : i64, scratch_operands = 12 : i64, tpu.core_type = #tpu.core_type<sc_vector_subcore>, window_params = [{transform_indices = #map}, {transform_indices = #map}, {transform_indices = #map}]} {
    %mul3A = arith.constant 2 : i32
    %mul3A_0 = arith.muli %arg1, %mul3A : i32
    %add3A = arith.addi %mul3A_0, %arg0 : i32
    %mul3A_1 = arith.constant 128 : i32
    %mul3A_2 = arith.muli %add3A, %mul3A_1 : i32
    %add3A_3 = arith.constant 0 : i32
    %add3A_4 = arith.addi %mul3A_2, %add3A_3 : i32
    %dma_start3A = arith.constant 0 : i32
    %dma_start3A_5 = tpu.memref_slice %arg2[%add3A_4, %dma_start3A] : memref<4096x200xi32, #tpu.memory_space<hbm>> -> memref<4x200xi32, #tpu.memory_space<hbm>>
    %dma_start3A_6 = arith.constant 0 : i32
    %dma_start3A_7 = tpu.memref_slice %arg2[%add3A_4, %dma_start3A_6] : memref<4096x200xi32, #tpu.memory_space<hbm>> -> memref<4x200xi32, #tpu.memory_space<hbm>>
    tpu.enqueue_dma source(%dma_start3A_7 : memref<4x200xi32, #tpu.memory_space<hbm>>) target(%arg5 : memref<4x200xi32, #tpu.memory_space<vmem>>) target_semaphore(%arg13 : memref<!tpu.dma_semaphore, #tpu.memory_space<semaphore_mem>>)
    %dma_wait3A = arith.constant 0 : i32
    %dma_wait3A_8 = arith.constant 0 : i32
    %dma_wait3A_9 = tpu.memref_slice %arg2[%dma_wait3A, %dma_wait3A_8] : memref<4096x200xi32, #tpu.memory_space<hbm>> -> memref<4x200xi32, #tpu.memory_space<hbm>>
    %dma_wait3A_10 = arith.constant 0 : i32
    %dma_wait3A_11 = arith.constant 0 : i32
    %dma_wait3A_12 = tpu.memref_slice %arg2[%dma_wait3A_10, %dma_wait3A_11] : memref<4096x200xi32, #tpu.memory_space<hbm>> -> memref<4x200xi32, #tpu.memory_space<hbm>>
    tpu.wait_dma2 semaphore(%arg13 : memref<!tpu.dma_semaphore, #tpu.memory_space<semaphore_mem>>) src(%dma_wait3A_12 : memref<4x200xi32, #tpu.memory_space<hbm>>) dst(%arg5 : memref<4x200xi32, #tpu.memory_space<vmem>>)
    %dma_start3A_13 = arith.constant 0 : i32
    %dma_start3A_14 = arith.constant 0 : i32
    %dma_start3A_15 = arith.constant 0 : i32
    %dma_start3A_16 = tpu.memref_slice %arg7[%dma_start3A_14, %dma_start3A_15] : memref<800x64xf32, #tpu.memory_space<vmem>> -> memref<200x64xf32, #tpu.memory_space<vmem>>
    %dma_start3A_17 = arith.constant 0 : i32
    %dma_start3A_18 = tpu.memref_slice %arg5[%dma_start3A_13, %dma_start3A_17] : memref<4x200xi32, #tpu.memory_space<vmem>> -> memref<1x200xi32, #tpu.memory_space<vmem>>
    %dma_start3A_19 = tpu.memref_squeeze %dma_start3A_18 : memref<1x200xi32, #tpu.memory_space<vmem>> -> memref<200xi32, #tpu.memory_space<vmem>>
    %dma_start3A_20 = arith.constant 0 : i32
    %dma_start3A_21 = arith.constant 0 : i32
    %dma_start3A_22 = tpu.memref_slice %arg3[%dma_start3A_20, %dma_start3A_21] : memref<1000000x64xf32, #tpu.memory_space<hbm>> -> memref<1000000x64xf32, #tpu.memory_space<hbm>>
    tpu.enqueue_indirect_dma source(%dma_start3A_22 : memref<1000000x64xf32, #tpu.memory_space<hbm>>) target(%dma_start3A_16 : memref<200x64xf32, #tpu.memory_space<vmem>>) offsets(%dma_start3A_19 : memref<200xi32, #tpu.memory_space<vmem>>) semaphore(%arg11 : memref<!tpu.dma_semaphore, #tpu.memory_space<semaphore_mem>>)
    %dma_start3A_23 = arith.constant 1 : i32
    %dma_start3A_24 = arith.constant 200 : i32
    %dma_start3A_25 = arith.constant 0 : i32
    %dma_start3A_26 = tpu.memref_slice %arg7[%dma_start3A_24, %dma_start3A_25] : memref<800x64xf32, #tpu.memory_space<vmem>> -> memref<200x64xf32, #tpu.memory_space<vmem>>
    %dma_start3A_27 = arith.constant 0 : i32
    %dma_start3A_28 = tpu.memref_slice %arg5[%dma_start3A_23, %dma_start3A_27] : memref<4x200xi32, #tpu.memory_space<vmem>> -> memref<1x200xi32, #tpu.memory_space<vmem>>
    %dma_start3A_29 = tpu.memref_squeeze %dma_start3A_28 : memref<1x200xi32, #tpu.memory_space<vmem>> -> memref<200xi32, #tpu.memory_space<vmem>>
    %dma_start3A_30 = arith.constant 0 : i32
    %dma_start3A_31 = arith.constant 0 : i32
    %dma_start3A_32 = tpu.memref_slice %arg3[%dma_start3A_30, %dma_start3A_31] : memref<1000000x64xf32, #tpu.memory_space<hbm>> -> memref<1000000x64xf32, #tpu.memory_space<hbm>>
    tpu.enqueue_indirect_dma source(%dma_start3A_32 : memref<1000000x64xf32, #tpu.memory_space<hbm>>) target(%dma_start3A_26 : memref<200x64xf32, #tpu.memory_space<vmem>>) offsets(%dma_start3A_29 : memref<200xi32, #tpu.memory_space<vmem>>) semaphore(%arg11 : memref<!tpu.dma_semaphore, #tpu.memory_space<semaphore_mem>>)
    %dma_start3A_33 = arith.constant 2 : i32
    %dma_start3A_34 = arith.constant 400 : i32
    %dma_start3A_35 = arith.constant 0 : i32
    %dma_start3A_36 = tpu.memref_slice %arg7[%dma_start3A_34, %dma_start3A_35] : memref<800x64xf32, #tpu.memory_space<vmem>> -> memref<200x64xf32, #tpu.memory_space<vmem>>
    %dma_start3A_37 = arith.constant 0 : i32
    %dma_start3A_38 = tpu.memref_slice %arg5[%dma_start3A_33, %dma_start3A_37] : memref<4x200xi32, #tpu.memory_space<vmem>> -> memref<1x200xi32, #tpu.memory_space<vmem>>
    %dma_start3A_39 = tpu.memref_squeeze %dma_start3A_38 : memref<1x200xi32, #tpu.memory_space<vmem>> -> memref<200xi32, #tpu.memory_space<vmem>>
    %dma_start3A_40 = arith.constant 0 : i32
    %dma_start3A_41 = arith.constant 0 : i32
    %dma_start3A_42 = tpu.memref_slice %arg3[%dma_start3A_40, %dma_start3A_41] : memref<1000000x64xf32, #tpu.memory_space<hbm>> -> memref<1000000x64xf32, #tpu.memory_space<hbm>>
    tpu.enqueue_indirect_dma source(%dma_start3A_42 : memref<1000000x64xf32, #tpu.memory_space<hbm>>) target(%dma_start3A_36 : memref<200x64xf32, #tpu.memory_space<vmem>>) offsets(%dma_start3A_39 : memref<200xi32, #tpu.memory_space<vmem>>) semaphore(%arg11 : memref<!tpu.dma_semaphore, #tpu.memory_space<semaphore_mem>>)
    %dma_start3A_43 = arith.constant 3 : i32
    %dma_start3A_44 = arith.constant 600 : i32
    %dma_start3A_45 = arith.constant 0 : i32
    %dma_start3A_46 = tpu.memref_slice %arg7[%dma_start3A_44, %dma_start3A_45] : memref<800x64xf32, #tpu.memory_space<vmem>> -> memref<200x64xf32, #tpu.memory_space<vmem>>
    %dma_start3A_47 = arith.constant 0 : i32
    %dma_start3A_48 = tpu.memref_slice %arg5[%dma_start3A_43, %dma_start3A_47] : memref<4x200xi32, #tpu.memory_space<vmem>> -> memref<1x200xi32, #tpu.memory_space<vmem>>
    %dma_start3A_49 = tpu.memref_squeeze %dma_start3A_48 : memref<1x200xi32, #tpu.memory_space<vmem>> -> memref<200xi32, #tpu.memory_space<vmem>>
    %dma_start3A_50 = arith.constant 0 : i32
    %dma_start3A_51 = arith.constant 0 : i32
    %dma_start3A_52 = tpu.memref_slice %arg3[%dma_start3A_50, %dma_start3A_51] : memref<1000000x64xf32, #tpu.memory_space<hbm>> -> memref<1000000x64xf32, #tpu.memory_space<hbm>>
    tpu.enqueue_indirect_dma source(%dma_start3A_52 : memref<1000000x64xf32, #tpu.memory_space<hbm>>) target(%dma_start3A_46 : memref<200x64xf32, #tpu.memory_space<vmem>>) offsets(%dma_start3A_49 : memref<200xi32, #tpu.memory_space<vmem>>) semaphore(%arg11 : memref<!tpu.dma_semaphore, #tpu.memory_space<semaphore_mem>>)
    %add3A_53 = arith.constant 4 : i32
    %add3A_54 = arith.addi %mul3A_2, %add3A_53 : i32
    %dma_start3A_55 = arith.constant 0 : i32
    %dma_start3A_56 = tpu.memref_slice %arg2[%add3A_54, %dma_start3A_55] : memref<4096x200xi32, #tpu.memory_space<hbm>> -> memref<4x200xi32, #tpu.memory_space<hbm>>
    %dma_start3A_57 = arith.constant 0 : i32
    %dma_start3A_58 = tpu.memref_slice %arg2[%add3A_54, %dma_start3A_57] : memref<4096x200xi32, #tpu.memory_space<hbm>> -> memref<4x200xi32, #tpu.memory_space<hbm>>
    tpu.enqueue_dma source(%dma_start3A_58 : memref<4x200xi32, #tpu.memory_space<hbm>>) target(%arg6 : memref<4x200xi32, #tpu.memory_space<vmem>>) target_semaphore(%arg14 : memref<!tpu.dma_semaphore, #tpu.memory_space<semaphore_mem>>)
    %dma_wait3A_59 = arith.constant 0 : i32
    %dma_wait3A_60 = arith.constant 0 : i32
    %dma_wait3A_61 = tpu.memref_slice %arg2[%dma_wait3A_59, %dma_wait3A_60] : memref<4096x200xi32, #tpu.memory_space<hbm>> -> memref<4x200xi32, #tpu.memory_space<hbm>>
    %dma_wait3A_62 = arith.constant 0 : i32
    %dma_wait3A_63 = arith.constant 0 : i32
    %dma_wait3A_64 = tpu.memref_slice %arg2[%dma_wait3A_62, %dma_wait3A_63] : memref<4096x200xi32, #tpu.memory_space<hbm>> -> memref<4x200xi32, #tpu.memory_space<hbm>>
    tpu.wait_dma2 semaphore(%arg14 : memref<!tpu.dma_semaphore, #tpu.memory_space<semaphore_mem>>) src(%dma_wait3A_64 : memref<4x200xi32, #tpu.memory_space<hbm>>) dst(%arg6 : memref<4x200xi32, #tpu.memory_space<vmem>>)
    %dma_start3A_65 = arith.constant 0 : i32
    %dma_start3A_66 = arith.constant 0 : i32
    %dma_start3A_67 = arith.constant 0 : i32
    %dma_start3A_68 = tpu.memref_slice %arg8[%dma_start3A_66, %dma_start3A_67] : memref<800x64xf32, #tpu.memory_space<vmem>> -> memref<200x64xf32, #tpu.memory_space<vmem>>
    %dma_start3A_69 = arith.constant 0 : i32
    %dma_start3A_70 = tpu.memref_slice %arg6[%dma_start3A_65, %dma_start3A_69] : memref<4x200xi32, #tpu.memory_space<vmem>> -> memref<1x200xi32, #tpu.memory_space<vmem>>
    %dma_start3A_71 = tpu.memref_squeeze %dma_start3A_70 : memref<1x200xi32, #tpu.memory_space<vmem>> -> memref<200xi32, #tpu.memory_space<vmem>>
    %dma_start3A_72 = arith.constant 0 : i32
    %dma_start3A_73 = arith.constant 0 : i32
    %dma_start3A_74 = tpu.memref_slice %arg3[%dma_start3A_72, %dma_start3A_73] : memref<1000000x64xf32, #tpu.memory_space<hbm>> -> memref<1000000x64xf32, #tpu.memory_space<hbm>>
    tpu.enqueue_indirect_dma source(%dma_start3A_74 : memref<1000000x64xf32, #tpu.memory_space<hbm>>) target(%dma_start3A_68 : memref<200x64xf32, #tpu.memory_space<vmem>>) offsets(%dma_start3A_71 : memref<200xi32, #tpu.memory_space<vmem>>) semaphore(%arg12 : memref<!tpu.dma_semaphore, #tpu.memory_space<semaphore_mem>>)
    %dma_start3A_75 = arith.constant 1 : i32
    %dma_start3A_76 = arith.constant 200 : i32
    %dma_start3A_77 = arith.constant 0 : i32
    %dma_start3A_78 = tpu.memref_slice %arg8[%dma_start3A_76, %dma_start3A_77] : memref<800x64xf32, #tpu.memory_space<vmem>> -> memref<200x64xf32, #tpu.memory_space<vmem>>
    %dma_start3A_79 = arith.constant 0 : i32
    %dma_start3A_80 = tpu.memref_slice %arg6[%dma_start3A_75, %dma_start3A_79] : memref<4x200xi32, #tpu.memory_space<vmem>> -> memref<1x200xi32, #tpu.memory_space<vmem>>
    %dma_start3A_81 = tpu.memref_squeeze %dma_start3A_80 : memref<1x200xi32, #tpu.memory_space<vmem>> -> memref<200xi32, #tpu.memory_space<vmem>>
    %dma_start3A_82 = arith.constant 0 : i32
    %dma_start3A_83 = arith.constant 0 : i32
    %dma_start3A_84 = tpu.memref_slice %arg3[%dma_start3A_82, %dma_start3A_83] : memref<1000000x64xf32, #tpu.memory_space<hbm>> -> memref<1000000x64xf32, #tpu.memory_space<hbm>>
    tpu.enqueue_indirect_dma source(%dma_start3A_84 : memref<1000000x64xf32, #tpu.memory_space<hbm>>) target(%dma_start3A_78 : memref<200x64xf32, #tpu.memory_space<vmem>>) offsets(%dma_start3A_81 : memref<200xi32, #tpu.memory_space<vmem>>) semaphore(%arg12 : memref<!tpu.dma_semaphore, #tpu.memory_space<semaphore_mem>>)
    %dma_start3A_85 = arith.constant 2 : i32
    %dma_start3A_86 = arith.constant 400 : i32
    %dma_start3A_87 = arith.constant 0 : i32
    %dma_start3A_88 = tpu.memref_slice %arg8[%dma_start3A_86, %dma_start3A_87] : memref<800x64xf32, #tpu.memory_space<vmem>> -> memref<200x64xf32, #tpu.memory_space<vmem>>
    %dma_start3A_89 = arith.constant 0 : i32
    %dma_start3A_90 = tpu.memref_slice %arg6[%dma_start3A_85, %dma_start3A_89] : memref<4x200xi32, #tpu.memory_space<vmem>> -> memref<1x200xi32, #tpu.memory_space<vmem>>
    %dma_start3A_91 = tpu.memref_squeeze %dma_start3A_90 : memref<1x200xi32, #tpu.memory_space<vmem>> -> memref<200xi32, #tpu.memory_space<vmem>>
    %dma_start3A_92 = arith.constant 0 : i32
    %dma_start3A_93 = arith.constant 0 : i32
    %dma_start3A_94 = tpu.memref_slice %arg3[%dma_start3A_92, %dma_start3A_93] : memref<1000000x64xf32, #tpu.memory_space<hbm>> -> memref<1000000x64xf32, #tpu.memory_space<hbm>>
    tpu.enqueue_indirect_dma source(%dma_start3A_94 : memref<1000000x64xf32, #tpu.memory_space<hbm>>) target(%dma_start3A_88 : memref<200x64xf32, #tpu.memory_space<vmem>>) offsets(%dma_start3A_91 : memref<200xi32, #tpu.memory_space<vmem>>) semaphore(%arg12 : memref<!tpu.dma_semaphore, #tpu.memory_space<semaphore_mem>>)
    %dma_start3A_95 = arith.constant 3 : i32
    %dma_start3A_96 = arith.constant 600 : i32
    %dma_start3A_97 = arith.constant 0 : i32
    %dma_start3A_98 = tpu.memref_slice %arg8[%dma_start3A_96, %dma_start3A_97] : memref<800x64xf32, #tpu.memory_space<vmem>> -> memref<200x64xf32, #tpu.memory_space<vmem>>
    %dma_start3A_99 = arith.constant 0 : i32
    %dma_start3A_100 = tpu.memref_slice %arg6[%dma_start3A_95, %dma_start3A_99] : memref<4x200xi32, #tpu.memory_space<vmem>> -> memref<1x200xi32, #tpu.memory_space<vmem>>
    %dma_start3A_101 = tpu.memref_squeeze %dma_start3A_100 : memref<1x200xi32, #tpu.memory_space<vmem>> -> memref<200xi32, #tpu.memory_space<vmem>>
    %dma_start3A_102 = arith.constant 0 : i32
    %dma_start3A_103 = arith.constant 0 : i32
    %dma_start3A_104 = tpu.memref_slice %arg3[%dma_start3A_102, %dma_start3A_103] : memref<1000000x64xf32, #tpu.memory_space<hbm>> -> memref<1000000x64xf32, #tpu.memory_space<hbm>>
    tpu.enqueue_indirect_dma source(%dma_start3A_104 : memref<1000000x64xf32, #tpu.memory_space<hbm>>) target(%dma_start3A_98 : memref<200x64xf32, #tpu.memory_space<vmem>>) offsets(%dma_start3A_101 : memref<200xi32, #tpu.memory_space<vmem>>) semaphore(%arg12 : memref<!tpu.dma_semaphore, #tpu.memory_space<semaphore_mem>>)
    %scan3A = arith.constant 0 : i32
    %scan3A_105 = arith.constant 0 : i32
    %scan3A_106 = arith.constant 16 : i32
    %scan3A_107 = arith.addi %scan3A_105, %scan3A_106 : i32
    %scan3A_108 = arith.constant 1 : i32
    scf.for %scan3A_122 = %scan3A_105 to %scan3A_107 step %scan3A_108  : i32 {
      %mul3A_123 = arith.constant 2 : i32
      %mul3A_124 = arith.muli %mul3A_123, %scan3A_122 : i32
      %add3A_125 = arith.constant 0 : i32
      %add3A_126 = arith.addi %mul3A_124, %add3A_125 : i32
      %dma_wait3A_127 = arith.constant 0 : i32
      %dma_wait3A_128 = arith.constant 0 : i32
      %dma_wait3A_129 = tpu.memref_slice %arg3[%dma_wait3A_127, %dma_wait3A_128] : memref<1000000x64xf32, #tpu.memory_space<hbm>> -> memref<800x64xf32, #tpu.memory_space<hbm>>
      %dma_wait3A_130 = arith.constant 0 : i32
      %dma_wait3A_131 = arith.constant 0 : i32
      %dma_wait3A_132 = tpu.memref_slice %arg3[%dma_wait3A_130, %dma_wait3A_131] : memref<1000000x64xf32, #tpu.memory_space<hbm>> -> memref<800x64xf32, #tpu.memory_space<hbm>>
      tpu.wait_dma2 semaphore(%arg11 : memref<!tpu.dma_semaphore, #tpu.memory_space<semaphore_mem>>) src(%dma_wait3A_132 : memref<800x64xf32, #tpu.memory_space<hbm>>) dst(%arg7 : memref<800x64xf32, #tpu.memory_space<vmem>>)
      %add3A_133 = arith.constant 2 : i32
      %add3A_134 = arith.addi %add3A_126, %add3A_133 : i32
      %lt3A = arith.constant 32 : i32
      %lt3A_135 = arith.cmpi slt, %add3A_134, %lt3A : i32
      %convert_element_type3A = arith.extui %lt3A_135 : i1 to i32
      %cond3A = arith.constant 0 : i32
      %cond3A_136 = arith.cmpi ne, %convert_element_type3A, %cond3A : i32
      scf.if %cond3A_136 {
        %add3A_445 = arith.constant 2 : i32
        %add3A_446 = arith.addi %add3A_126, %add3A_445 : i32
        %mul3A_447 = arith.constant 4 : i32
        %mul3A_448 = arith.muli %add3A_446, %mul3A_447 : i32
        %add3A_449 = arith.addi %mul3A_2, %mul3A_448 : i32
        %dma_start3A_450 = arith.constant 0 : i32
        %dma_start3A_451 = tpu.memref_slice %arg2[%add3A_449, %dma_start3A_450] : memref<4096x200xi32, #tpu.memory_space<hbm>> -> memref<4x200xi32, #tpu.memory_space<hbm>>
        %dma_start3A_452 = arith.constant 0 : i32
        %dma_start3A_453 = tpu.memref_slice %arg2[%add3A_449, %dma_start3A_452] : memref<4096x200xi32, #tpu.memory_space<hbm>> -> memref<4x200xi32, #tpu.memory_space<hbm>>
        tpu.enqueue_dma source(%dma_start3A_453 : memref<4x200xi32, #tpu.memory_space<hbm>>) target(%arg5 : memref<4x200xi32, #tpu.memory_space<vmem>>) target_semaphore(%arg13 : memref<!tpu.dma_semaphore, #tpu.memory_space<semaphore_mem>>)
      } else {
      }
      %ge3A = arith.constant 2 : i32
      %ge3A_137 = arith.cmpi sge, %add3A_126, %ge3A : i32
      %convert_element_type3A_138 = arith.extui %ge3A_137 : i1 to i32
      %cond3A_139 = arith.constant 0 : i32
      %cond3A_140 = arith.cmpi ne, %convert_element_type3A_138, %cond3A_139 : i32
      scf.if %cond3A_140 {
        %dma_wait3A_445 = arith.constant 0 : i32
        %dma_wait3A_446 = arith.constant 0 : i32
        %dma_wait3A_447 = tpu.memref_slice %arg4[%dma_wait3A_445, %dma_wait3A_446] : memref<4096x64xf32, #tpu.memory_space<hbm>> -> memref<4x64xf32, #tpu.memory_space<hbm>>
        %dma_wait3A_448 = arith.constant 0 : i32
        %dma_wait3A_449 = arith.constant 0 : i32
        %dma_wait3A_450 = tpu.memref_slice %arg4[%dma_wait3A_448, %dma_wait3A_449] : memref<4096x64xf32, #tpu.memory_space<hbm>> -> memref<4x64xf32, #tpu.memory_space<hbm>>
        tpu.wait_dma2 semaphore(%arg15 : memref<!tpu.dma_semaphore, #tpu.memory_space<semaphore_mem>>) src(%arg9 : memref<4x64xf32, #tpu.memory_space<vmem>>) dst(%dma_wait3A_450 : memref<4x64xf32, #tpu.memory_space<hbm>>)
      } else {
      }
      %broadcast_in_dim3A = arith.constant 0.000000e+00 : f32
      %broadcast_in_dim3A_141 = vector.broadcast %broadcast_in_dim3A : f32 to vector<16xf32>
      %scan3A_142 = arith.constant 0 : i32
      %scan3A_143 = arith.constant 100 : i32
      %scan3A_144 = arith.addi %scan3A_142, %scan3A_143 : i32
      %scan3A_145 = arith.constant 4 : i32
      %scan3A_146:4 = scf.for %scan3A_445 = %scan3A_142 to %scan3A_144 step %scan3A_145 iter_args(%scan3A_446 = %broadcast_in_dim3A_141, %scan3A_447 = %broadcast_in_dim3A_141, %scan3A_448 = %broadcast_in_dim3A_141, %scan3A_449 = %broadcast_in_dim3A_141) -> (vector<16xf32>, vector<16xf32>, vector<16xf32>, vector<16xf32>)  : i32 {
        %mul3A_450 = arith.constant 2 : i32
        %mul3A_451 = arith.muli %mul3A_450, %scan3A_445 : i32
        %add3A_452 = arith.constant 0 : i32
        %add3A_453 = arith.addi %add3A_452, %mul3A_451 : i32
        %get3A = arith.index_cast %add3A_453 : i32 to index
        %get3A_454 = arith.constant 0 : index
        %get3A_455 = tpu.vector_load %arg7[%get3A, %get3A_454] {strides = array<i32>} : memref<800x64xf32, #tpu.memory_space<vmem>>, vector<1x16xf32>,
        %get3A_456 = vector.shape_cast %get3A_455 : vector<1x16xf32> to vector<16xf32>
        %add3A_457 = arith.addf %scan3A_446, %get3A_456 : vector<16xf32>
        %add3A_458 = arith.constant 1 : i32
        %add3A_459 = arith.addi %add3A_453, %add3A_458 : i32
        %get3A_460 = arith.index_cast %add3A_459 : i32 to index
        %get3A_461 = arith.constant 0 : index
        %get3A_462 = tpu.vector_load %arg7[%get3A_460, %get3A_461] {strides = array<i32>} : memref<800x64xf32, #tpu.memory_space<vmem>>, vector<1x16xf32>,
        %get3A_463 = vector.shape_cast %get3A_462 : vector<1x16xf32> to vector<16xf32>
        %add3A_464 = arith.addf %add3A_457, %get3A_463 : vector<16xf32>
        %get3A_465 = arith.index_cast %add3A_453 : i32 to index
        %get3A_466 = arith.constant 16 : index
        %get3A_467 = tpu.vector_load %arg7[%get3A_465, %get3A_466] {strides = array<i32>} : memref<800x64xf32, #tpu.memory_space<vmem>>, vector<1x16xf32>,
        %get3A_468 = vector.shape_cast %get3A_467 : vector<1x16xf32> to vector<16xf32>
        %add3A_469 = arith.addf %scan3A_447, %get3A_468 : vector<16xf32>
        %add3A_470 = arith.constant 1 : i32
        %add3A_471 = arith.addi %add3A_453, %add3A_470 : i32
        %get3A_472 = arith.index_cast %add3A_471 : i32 to index
        %get3A_473 = arith.constant 16 : index
        %get3A_474 = tpu.vector_load %arg7[%get3A_472, %get3A_473] {strides = array<i32>} : memref<800x64xf32, #tpu.memory_space<vmem>>, vector<1x16xf32>,
        %get3A_475 = vector.shape_cast %get3A_474 : vector<1x16xf32> to vector<16xf32>
        %add3A_476 = arith.addf %add3A_469, %get3A_475 : vector<16xf32>
        %get3A_477 = arith.index_cast %add3A_453 : i32 to index
        %get3A_478 = arith.constant 32 : index
        %get3A_479 = tpu.vector_load %arg7[%get3A_477, %get3A_478] {strides = array<i32>} : memref<800x64xf32, #tpu.memory_space<vmem>>, vector<1x16xf32>,
        %get3A_480 = vector.shape_cast %get3A_479 : vector<1x16xf32> to vector<16xf32>
        %add3A_481 = arith.addf %scan3A_448, %get3A_480 : vector<16xf32>
        %add3A_482 = arith.constant 1 : i32
        %add3A_483 = arith.addi %add3A_453, %add3A_482 : i32
        %get3A_484 = arith.index_cast %add3A_483 : i32 to index
        %get3A_485 = arith.constant 32 : index
        %get3A_486 = tpu.vector_load %arg7[%get3A_484, %get3A_485] {strides = array<i32>} : memref<800x64xf32, #tpu.memory_space<vmem>>, vector<1x16xf32>,
        %get3A_487 = vector.shape_cast %get3A_486 : vector<1x16xf32> to vector<16xf32>
        %add3A_488 = arith.addf %add3A_481, %get3A_487 : vector<16xf32>
        %get3A_489 = arith.index_cast %add3A_453 : i32 to index
        %get3A_490 = arith.constant 48 : index
        %get3A_491 = tpu.vector_load %arg7[%get3A_489, %get3A_490] {strides = array<i32>} : memref<800x64xf32, #tpu.memory_space<vmem>>, vector<1x16xf32>,
        %get3A_492 = vector.shape_cast %get3A_491 : vector<1x16xf32> to vector<16xf32>
        %add3A_493 = arith.addf %scan3A_449, %get3A_492 : vector<16xf32>
        %add3A_494 = arith.constant 1 : i32
        %add3A_495 = arith.addi %add3A_453, %add3A_494 : i32
        %get3A_496 = arith.index_cast %add3A_495 : i32 to index
        %get3A_497 = arith.constant 48 : index
        %get3A_498 = tpu.vector_load %arg7[%get3A_496, %get3A_497] {strides = array<i32>} : memref<800x64xf32, #tpu.memory_space<vmem>>, vector<1x16xf32>,
        %get3A_499 = vector.shape_cast %get3A_498 : vector<1x16xf32> to vector<16xf32>
        %add3A_500 = arith.addf %add3A_493, %get3A_499 : vector<16xf32>
        %scan3A_501 = arith.constant 1 : i32
        %scan3A_502 = arith.addi %scan3A_445, %scan3A_501 : i32
        %mul3A_503 = arith.constant 2 : i32
        %mul3A_504 = arith.muli %mul3A_503, %scan3A_502 : i32
        %add3A_505 = arith.constant 0 : i32
        %add3A_506 = arith.addi %add3A_505, %mul3A_504 : i32
        %get3A_507 = arith.index_cast %add3A_506 : i32 to index
        %get3A_508 = arith.constant 0 : index
        %get3A_509 = tpu.vector_load %arg7[%get3A_507, %get3A_508] {strides = array<i32>} : memref<800x64xf32, #tpu.memory_space<vmem>>, vector<1x16xf32>,
        %get3A_510 = vector.shape_cast %get3A_509 : vector<1x16xf32> to vector<16xf32>
        %add3A_511 = arith.addf %add3A_464, %get3A_510 : vector<16xf32>
        %add3A_512 = arith.constant 1 : i32
        %add3A_513 = arith.addi %add3A_506, %add3A_512 : i32
        %get3A_514 = arith.index_cast %add3A_513 : i32 to index
        %get3A_515 = arith.constant 0 : index
        %get3A_516 = tpu.vector_load %arg7[%get3A_514, %get3A_515] {strides = array<i32>} : memref<800x64xf32, #tpu.memory_space<vmem>>, vector<1x16xf32>,
        %get3A_517 = vector.shape_cast %get3A_516 : vector<1x16xf32> to vector<16xf32>
        %add3A_518 = arith.addf %add3A_511, %get3A_517 : vector<16xf32>
        %get3A_519 = arith.index_cast %add3A_506 : i32 to index
        %get3A_520 = arith.constant 16 : index
        %get3A_521 = tpu.vector_load %arg7[%get3A_519, %get3A_520] {strides = array<i32>} : memref<800x64xf32, #tpu.memory_space<vmem>>, vector<1x16xf32>,
        %get3A_522 = vector.shape_cast %get3A_521 : vector<1x16xf32> to vector<16xf32>
        %add3A_523 = arith.addf %add3A_476, %get3A_522 : vector<16xf32>
        %add3A_524 = arith.constant 1 : i32
        %add3A_525 = arith.addi %add3A_506, %add3A_524 : i32
        %get3A_526 = arith.index_cast %add3A_525 : i32 to index
        %get3A_527 = arith.constant 16 : index
        %get3A_528 = tpu.vector_load %arg7[%get3A_526, %get3A_527] {strides = array<i32>} : memref<800x64xf32, #tpu.memory_space<vmem>>, vector<1x16xf32>,
        %get3A_529 = vector.shape_cast %get3A_528 : vector<1x16xf32> to vector<16xf32>
        %add3A_530 = arith.addf %add3A_523, %get3A_529 : vector<16xf32>
        %get3A_531 = arith.index_cast %add3A_506 : i32 to index
        %get3A_532 = arith.constant 32 : index
        %get3A_533 = tpu.vector_load %arg7[%get3A_531, %get3A_532] {strides = array<i32>} : memref<800x64xf32, #tpu.memory_space<vmem>>, vector<1x16xf32>,
        %get3A_534 = vector.shape_cast %get3A_533 : vector<1x16xf32> to vector<16xf32>
        %add3A_535 = arith.addf %add3A_488, %get3A_534 : vector<16xf32>
        %add3A_536 = arith.constant 1 : i32
        %add3A_537 = arith.addi %add3A_506, %add3A_536 : i32
        %get3A_538 = arith.index_cast %add3A_537 : i32 to index
        %get3A_539 = arith.constant 32 : index
        %get3A_540 = tpu.vector_load %arg7[%get3A_538, %get3A_539] {strides = array<i32>} : memref<800x64xf32, #tpu.memory_space<vmem>>, vector<1x16xf32>,
        %get3A_541 = vector.shape_cast %get3A_540 : vector<1x16xf32> to vector<16xf32>
        %add3A_542 = arith.addf %add3A_535, %get3A_541 : vector<16xf32>
        %get3A_543 = arith.index_cast %add3A_506 : i32 to index
        %get3A_544 = arith.constant 48 : index
        %get3A_545 = tpu.vector_load %arg7[%get3A_543, %get3A_544] {strides = array<i32>} : memref<800x64xf32, #tpu.memory_space<vmem>>, vector<1x16xf32>,
        %get3A_546 = vector.shape_cast %get3A_545 : vector<1x16xf32> to vector<16xf32>
        %add3A_547 = arith.addf %add3A_500, %get3A_546 : vector<16xf32>
        %add3A_548 = arith.constant 1 : i32
        %add3A_549 = arith.addi %add3A_506, %add3A_548 : i32
        %get3A_550 = arith.index_cast %add3A_549 : i32 to index
        %get3A_551 = arith.constant 48 : index
        %get3A_552 = tpu.vector_load %arg7[%get3A_550, %get3A_551] {strides = array<i32>} : memref<800x64xf32, #tpu.memory_space<vmem>>, vector<1x16xf32>,
        %get3A_553 = vector.shape_cast %get3A_552 : vector<1x16xf32> to vector<16xf32>
        %add3A_554 = arith.addf %add3A_547, %get3A_553 : vector<16xf32>
        %scan3A_555 = arith.constant 2 : i32
        %scan3A_556 = arith.addi %scan3A_445, %scan3A_555 : i32
        %mul3A_557 = arith.constant 2 : i32
        %mul3A_558 = arith.muli %mul3A_557, %scan3A_556 : i32
        %add3A_559 = arith.constant 0 : i32
        %add3A_560 = arith.addi %add3A_559, %mul3A_558 : i32
        %get3A_561 = arith.index_cast %add3A_560 : i32 to index
        %get3A_562 = arith.constant 0 : index
        %get3A_563 = tpu.vector_load %arg7[%get3A_561, %get3A_562] {strides = array<i32>} : memref<800x64xf32, #tpu.memory_space<vmem>>, vector<1x16xf32>,
        %get3A_564 = vector.shape_cast %get3A_563 : vector<1x16xf32> to vector<16xf32>
        %add3A_565 = arith.addf %add3A_518, %get3A_564 : vector<16xf32>
        %add3A_566 = arith.constant 1 : i32
        %add3A_567 = arith.addi %add3A_560, %add3A_566 : i32
        %get3A_568 = arith.index_cast %add3A_567 : i32 to index
        %get3A_569 = arith.constant 0 : index
        %get3A_570 = tpu.vector_load %arg7[%get3A_568, %get3A_569] {strides = array<i32>} : memref<800x64xf32, #tpu.memory_space<vmem>>, vector<1x16xf32>,
        %get3A_571 = vector.shape_cast %get3A_570 : vector<1x16xf32> to vector<16xf32>
        %add3A_572 = arith.addf %add3A_565, %get3A_571 : vector<16xf32>
        %get3A_573 = arith.index_cast %add3A_560 : i32 to index
        %get3A_574 = arith.constant 16 : index
        %get3A_575 = tpu.vector_load %arg7[%get3A_573, %get3A_574] {strides = array<i32>} : memref<800x64xf32, #tpu.memory_space<vmem>>, vector<1x16xf32>,
        %get3A_576 = vector.shape_cast %get3A_575 : vector<1x16xf32> to vector<16xf32>
        %add3A_577 = arith.addf %add3A_530, %get3A_576 : vector<16xf32>
        %add3A_578 = arith.constant 1 : i32
        %add3A_579 = arith.addi %add3A_560, %add3A_578 : i32
        %get3A_580 = arith.index_cast %add3A_579 : i32 to index
        %get3A_581 = arith.constant 16 : index
        %get3A_582 = tpu.vector_load %arg7[%get3A_580, %get3A_581] {strides = array<i32>} : memref<800x64xf32, #tpu.memory_space<vmem>>, vector<1x16xf32>,
        %get3A_583 = vector.shape_cast %get3A_582 : vector<1x16xf32> to vector<16xf32>
        %add3A_584 = arith.addf %add3A_577, %get3A_583 : vector<16xf32>
        %get3A_585 = arith.index_cast %add3A_560 : i32 to index
        %get3A_586 = arith.constant 32 : index
        %get3A_587 = tpu.vector_load %arg7[%get3A_585, %get3A_586] {strides = array<i32>} : memref<800x64xf32, #tpu.memory_space<vmem>>, vector<1x16xf32>,
        %get3A_588 = vector.shape_cast %get3A_587 : vector<1x16xf32> to vector<16xf32>
        %add3A_589 = arith.addf %add3A_542, %get3A_588 : vector<16xf32>
        %add3A_590 = arith.constant 1 : i32
        %add3A_591 = arith.addi %add3A_560, %add3A_590 : i32
        %get3A_592 = arith.index_cast %add3A_591 : i32 to index
        %get3A_593 = arith.constant 32 : index
        %get3A_594 = tpu.vector_load %arg7[%get3A_592, %get3A_593] {strides = array<i32>} : memref<800x64xf32, #tpu.memory_space<vmem>>, vector<1x16xf32>,
        %get3A_595 = vector.shape_cast %get3A_594 : vector<1x16xf32> to vector<16xf32>
        %add3A_596 = arith.addf %add3A_589, %get3A_595 : vector<16xf32>
        %get3A_597 = arith.index_cast %add3A_560 : i32 to index
        %get3A_598 = arith.constant 48 : index
        %get3A_599 = tpu.vector_load %arg7[%get3A_597, %get3A_598] {strides = array<i32>} : memref<800x64xf32, #tpu.memory_space<vmem>>, vector<1x16xf32>,
        %get3A_600 = vector.shape_cast %get3A_599 : vector<1x16xf32> to vector<16xf32>
        %add3A_601 = arith.addf %add3A_554, %get3A_600 : vector<16xf32>
        %add3A_602 = arith.constant 1 : i32
        %add3A_603 = arith.addi %add3A_560, %add3A_602 : i32
        %get3A_604 = arith.index_cast %add3A_603 : i32 to index
        %get3A_605 = arith.constant 48 : index
        %get3A_606 = tpu.vector_load %arg7[%get3A_604, %get3A_605] {strides = array<i32>} : memref<800x64xf32, #tpu.memory_space<vmem>>, vector<1x16xf32>,
        %get3A_607 = vector.shape_cast %get3A_606 : vector<1x16xf32> to vector<16xf32>
        %add3A_608 = arith.addf %add3A_601, %get3A_607 : vector<16xf32>
        %scan3A_609 = arith.constant 3 : i32
        %scan3A_610 = arith.addi %scan3A_445, %scan3A_609 : i32
        %mul3A_611 = arith.constant 2 : i32
        %mul3A_612 = arith.muli %mul3A_611, %scan3A_610 : i32
        %add3A_613 = arith.constant 0 : i32
        %add3A_614 = arith.addi %add3A_613, %mul3A_612 : i32
        %get3A_615 = arith.index_cast %add3A_614 : i32 to index
        %get3A_616 = arith.constant 0 : index
        %get3A_617 = tpu.vector_load %arg7[%get3A_615, %get3A_616] {strides = array<i32>} : memref<800x64xf32, #tpu.memory_space<vmem>>, vector<1x16xf32>,
        %get3A_618 = vector.shape_cast %get3A_617 : vector<1x16xf32> to vector<16xf32>
        %add3A_619 = arith.addf %add3A_572, %get3A_618 : vector<16xf32>
        %add3A_620 = arith.constant 1 : i32
        %add3A_621 = arith.addi %add3A_614, %add3A_620 : i32
        %get3A_622 = arith.index_cast %add3A_621 : i32 to index
        %get3A_623 = arith.constant 0 : index
        %get3A_624 = tpu.vector_load %arg7[%get3A_622, %get3A_623] {strides = array<i32>} : memref<800x64xf32, #tpu.memory_space<vmem>>, vector<1x16xf32>,
        %get3A_625 = vector.shape_cast %get3A_624 : vector<1x16xf32> to vector<16xf32>
        %add3A_626 = arith.addf %add3A_619, %get3A_625 : vector<16xf32>
        %get3A_627 = arith.index_cast %add3A_614 : i32 to index
        %get3A_628 = arith.constant 16 : index
        %get3A_629 = tpu.vector_load %arg7[%get3A_627, %get3A_628] {strides = array<i32>} : memref<800x64xf32, #tpu.memory_space<vmem>>, vector<1x16xf32>,
        %get3A_630 = vector.shape_cast %get3A_629 : vector<1x16xf32> to vector<16xf32>
        %add3A_631 = arith.addf %add3A_584, %get3A_630 : vector<16xf32>
        %add3A_632 = arith.constant 1 : i32
        %add3A_633 = arith.addi %add3A_614, %add3A_632 : i32
        %get3A_634 = arith.index_cast %add3A_633 : i32 to index
        %get3A_635 = arith.constant 16 : index
        %get3A_636 = tpu.vector_load %arg7[%get3A_634, %get3A_635] {strides = array<i32>} : memref<800x64xf32, #tpu.memory_space<vmem>>, vector<1x16xf32>,
        %get3A_637 = vector.shape_cast %get3A_636 : vector<1x16xf32> to vector<16xf32>
        %add3A_638 = arith.addf %add3A_631, %get3A_637 : vector<16xf32>
        %get3A_639 = arith.index_cast %add3A_614 : i32 to index
        %get3A_640 = arith.constant 32 : index
        %get3A_641 = tpu.vector_load %arg7[%get3A_639, %get3A_640] {strides = array<i32>} : memref<800x64xf32, #tpu.memory_space<vmem>>, vector<1x16xf32>,
        %get3A_642 = vector.shape_cast %get3A_641 : vector<1x16xf32> to vector<16xf32>
        %add3A_643 = arith.addf %add3A_596, %get3A_642 : vector<16xf32>
        %add3A_644 = arith.constant 1 : i32
        %add3A_645 = arith.addi %add3A_614, %add3A_644 : i32
        %get3A_646 = arith.index_cast %add3A_645 : i32 to index
        %get3A_647 = arith.constant 32 : index
        %get3A_648 = tpu.vector_load %arg7[%get3A_646, %get3A_647] {strides = array<i32>} : memref<800x64xf32, #tpu.memory_space<vmem>>, vector<1x16xf32>,
        %get3A_649 = vector.shape_cast %get3A_648 : vector<1x16xf32> to vector<16xf32>
        %add3A_650 = arith.addf %add3A_643, %get3A_649 : vector<16xf32>
        %get3A_651 = arith.index_cast %add3A_614 : i32 to index
        %get3A_652 = arith.constant 48 : index
        %get3A_653 = tpu.vector_load %arg7[%get3A_651, %get3A_652] {strides = array<i32>} : memref<800x64xf32, #tpu.memory_space<vmem>>, vector<1x16xf32>,
        %get3A_654 = vector.shape_cast %get3A_653 : vector<1x16xf32> to vector<16xf32>
        %add3A_655 = arith.addf %add3A_608, %get3A_654 : vector<16xf32>
        %add3A_656 = arith.constant 1 : i32
        %add3A_657 = arith.addi %add3A_614, %add3A_656 : i32
        %get3A_658 = arith.index_cast %add3A_657 : i32 to index
        %get3A_659 = arith.constant 48 : index
        %get3A_660 = tpu.vector_load %arg7[%get3A_658, %get3A_659] {strides = array<i32>} : memref<800x64xf32, #tpu.memory_space<vmem>>, vector<1x16xf32>,
        %get3A_661 = vector.shape_cast %get3A_660 : vector<1x16xf32> to vector<16xf32>
        %add3A_662 = arith.addf %add3A_655, %get3A_661 : vector<16xf32>
        scf.yield %add3A_626, %add3A_638, %add3A_650, %add3A_662 : vector<16xf32>, vector<16xf32>, vector<16xf32>, vector<16xf32>
      }
      %scan3A_147 = arith.constant 100 : i32
      %swap3A = arith.constant 0 : i32
      %swap3A_148 = arith.index_cast %swap3A : i32 to index
      %swap3A_149 = arith.constant 0 : index
      %swap3A_150 = tpu.vector_load %arg9[%swap3A_148, %swap3A_149] {strides = array<i32>} : memref<4x64xf32, #tpu.memory_space<vmem>>, vector<1x16xf32>,
      %swap3A_151 = vector.shape_cast %swap3A_150 : vector<1x16xf32> to vector<16xf32>
      %swap3A_152 = vector.shape_cast %scan3A_146#0 : vector<16xf32> to vector<1x16xf32>
      tpu.vector_store %arg9[%swap3A_148, %swap3A_149], %swap3A_152 {strides = array<i32>} : memref<4x64xf32, #tpu.memory_space<vmem>>, vector<1x16xf32>,
      %swap3A_153 = arith.constant 0 : i32
      %swap3A_154 = arith.index_cast %swap3A_153 : i32 to index
      %swap3A_155 = arith.constant 16 : index
      %swap3A_156 = tpu.vector_load %arg9[%swap3A_154, %swap3A_155] {strides = array<i32>} : memref<4x64xf32, #tpu.memory_space<vmem>>, vector<1x16xf32>,
      %swap3A_157 = vector.shape_cast %swap3A_156 : vector<1x16xf32> to vector<16xf32>
      %swap3A_158 = vector.shape_cast %scan3A_146#1 : vector<16xf32> to vector<1x16xf32>
      tpu.vector_store %arg9[%swap3A_154, %swap3A_155], %swap3A_158 {strides = array<i32>} : memref<4x64xf32, #tpu.memory_space<vmem>>, vector<1x16xf32>,
      %swap3A_159 = arith.constant 0 : i32
      %swap3A_160 = arith.index_cast %swap3A_159 : i32 to index
      %swap3A_161 = arith.constant 32 : index
      %swap3A_162 = tpu.vector_load %arg9[%swap3A_160, %swap3A_161] {strides = array<i32>} : memref<4x64xf32, #tpu.memory_space<vmem>>, vector<1x16xf32>,
      %swap3A_163 = vector.shape_cast %swap3A_162 : vector<1x16xf32> to vector<16xf32>
      %swap3A_164 = vector.shape_cast %scan3A_146#2 : vector<16xf32> to vector<1x16xf32>
      tpu.vector_store %arg9[%swap3A_160, %swap3A_161], %swap3A_164 {strides = array<i32>} : memref<4x64xf32, #tpu.memory_space<vmem>>, vector<1x16xf32>,
      %swap3A_165 = arith.constant 0 : i32
      %swap3A_166 = arith.index_cast %swap3A_165 : i32 to index
      %swap3A_167 = arith.constant 48 : index
      %swap3A_168 = tpu.vector_load %arg9[%swap3A_166, %swap3A_167] {strides = array<i32>} : memref<4x64xf32, #tpu.memory_space<vmem>>, vector<1x16xf32>,
      %swap3A_169 = vector.shape_cast %swap3A_168 : vector<1x16xf32> to vector<16xf32>
      %swap3A_170 = vector.shape_cast %scan3A_146#3 : vector<16xf32> to vector<1x16xf32>
      tpu.vector_store %arg9[%swap3A_166, %swap3A_167], %swap3A_170 {strides = array<i32>} : memref<4x64xf32, #tpu.memory_space<vmem>>, vector<1x16xf32>,
      %broadcast_in_dim3A_171 = arith.constant 0.000000e+00 : f32
      %broadcast_in_dim3A_172 = vector.broadcast %broadcast_in_dim3A_171 : f32 to vector<16xf32>
      %scan3A_173 = arith.constant 0 : i32
      %scan3A_174 = arith.constant 100 : i32
      %scan3A_175 = arith.addi %scan3A_173, %scan3A_174 : i32
      %scan3A_176 = arith.constant 4 : i32
      %scan3A_177:4 = scf.for %scan3A_445 = %scan3A_173 to %scan3A_175 step %scan3A_176 iter_args(%scan3A_446 = %broadcast_in_dim3A_172, %scan3A_447 = %broadcast_in_dim3A_172, %scan3A_448 = %broadcast_in_dim3A_172, %scan3A_449 = %broadcast_in_dim3A_172) -> (vector<16xf32>, vector<16xf32>, vector<16xf32>, vector<16xf32>)  : i32 {
        %mul3A_450 = arith.constant 2 : i32
        %mul3A_451 = arith.muli %mul3A_450, %scan3A_445 : i32
        %add3A_452 = arith.constant 200 : i32
        %add3A_453 = arith.addi %add3A_452, %mul3A_451 : i32
        %get3A = arith.index_cast %add3A_453 : i32 to index
        %get3A_454 = arith.constant 0 : index
        %get3A_455 = tpu.vector_load %arg7[%get3A, %get3A_454] {strides = array<i32>} : memref<800x64xf32, #tpu.memory_space<vmem>>, vector<1x16xf32>,
        %get3A_456 = vector.shape_cast %get3A_455 : vector<1x16xf32> to vector<16xf32>
        %add3A_457 = arith.addf %scan3A_446, %get3A_456 : vector<16xf32>
        %add3A_458 = arith.constant 1 : i32
        %add3A_459 = arith.addi %add3A_453, %add3A_458 : i32
        %get3A_460 = arith.index_cast %add3A_459 : i32 to index
        %get3A_461 = arith.constant 0 : index
        %get3A_462 = tpu.vector_load %arg7[%get3A_460, %get3A_461] {strides = array<i32>} : memref<800x64xf32, #tpu.memory_space<vmem>>, vector<1x16xf32>,
        %get3A_463 = vector.shape_cast %get3A_462 : vector<1x16xf32> to vector<16xf32>
        %add3A_464 = arith.addf %add3A_457, %get3A_463 : vector<16xf32>
        %get3A_465 = arith.index_cast %add3A_453 : i32 to index
        %get3A_466 = arith.constant 16 : index
        %get3A_467 = tpu.vector_load %arg7[%get3A_465, %get3A_466] {strides = array<i32>} : memref<800x64xf32, #tpu.memory_space<vmem>>, vector<1x16xf32>,
        %get3A_468 = vector.shape_cast %get3A_467 : vector<1x16xf32> to vector<16xf32>
        %add3A_469 = arith.addf %scan3A_447, %get3A_468 : vector<16xf32>
        %add3A_470 = arith.constant 1 : i32
        %add3A_471 = arith.addi %add3A_453, %add3A_470 : i32
        %get3A_472 = arith.index_cast %add3A_471 : i32 to index
        %get3A_473 = arith.constant 16 : index
        %get3A_474 = tpu.vector_load %arg7[%get3A_472, %get3A_473] {strides = array<i32>} : memref<800x64xf32, #tpu.memory_space<vmem>>, vector<1x16xf32>,
        %get3A_475 = vector.shape_cast %get3A_474 : vector<1x16xf32> to vector<16xf32>
        %add3A_476 = arith.addf %add3A_469, %get3A_475 : vector<16xf32>
        %get3A_477 = arith.index_cast %add3A_453 : i32 to index
        %get3A_478 = arith.constant 32 : index
        %get3A_479 = tpu.vector_load %arg7[%get3A_477, %get3A_478] {strides = array<i32>} : memref<800x64xf32, #tpu.memory_space<vmem>>, vector<1x16xf32>,
        %get3A_480 = vector.shape_cast %get3A_479 : vector<1x16xf32> to vector<16xf32>
        %add3A_481 = arith.addf %scan3A_448, %get3A_480 : vector<16xf32>
        %add3A_482 = arith.constant 1 : i32
        %add3A_483 = arith.addi %add3A_453, %add3A_482 : i32
        %get3A_484 = arith.index_cast %add3A_483 : i32 to index
        %get3A_485 = arith.constant 32 : index
        %get3A_486 = tpu.vector_load %arg7[%get3A_484, %get3A_485] {strides = array<i32>} : memref<800x64xf32, #tpu.memory_space<vmem>>, vector<1x16xf32>,
        %get3A_487 = vector.shape_cast %get3A_486 : vector<1x16xf32> to vector<16xf32>
        %add3A_488 = arith.addf %add3A_481, %get3A_487 : vector<16xf32>
        %get3A_489 = arith.index_cast %add3A_453 : i32 to index
        %get3A_490 = arith.constant 48 : index
        %get3A_491 = tpu.vector_load %arg7[%get3A_489, %get3A_490] {strides = array<i32>} : memref<800x64xf32, #tpu.memory_space<vmem>>, vector<1x16xf32>,
        %get3A_492 = vector.shape_cast %get3A_491 : vector<1x16xf32> to vector<16xf32>
        %add3A_493 = arith.addf %scan3A_449, %get3A_492 : vector<16xf32>
        %add3A_494 = arith.constant 1 : i32
        %add3A_495 = arith.addi %add3A_453, %add3A_494 : i32
        %get3A_496 = arith.index_cast %add3A_495 : i32 to index
        %get3A_497 = arith.constant 48 : index
        %get3A_498 = tpu.vector_load %arg7[%get3A_496, %get3A_497] {strides = array<i32>} : memref<800x64xf32, #tpu.memory_space<vmem>>, vector<1x16xf32>,
        %get3A_499 = vector.shape_cast %get3A_498 : vector<1x16xf32> to vector<16xf32>
        %add3A_500 = arith.addf %add3A_493, %get3A_499 : vector<16xf32>
        %scan3A_501 = arith.constant 1 : i32
        %scan3A_502 = arith.addi %scan3A_445, %scan3A_501 : i32
        %mul3A_503 = arith.constant 2 : i32
        %mul3A_504 = arith.muli %mul3A_503, %scan3A_502 : i32
        %add3A_505 = arith.constant 200 : i32
        %add3A_506 = arith.addi %add3A_505, %mul3A_504 : i32
        %get3A_507 = arith.index_cast %add3A_506 : i32 to index
        %get3A_508 = arith.constant 0 : index
        %get3A_509 = tpu.vector_load %arg7[%get3A_507, %get3A_508] {strides = array<i32>} : memref<800x64xf32, #tpu.memory_space<vmem>>, vector<1x16xf32>,
        %get3A_510 = vector.shape_cast %get3A_509 : vector<1x16xf32> to vector<16xf32>
        %add3A_511 = arith.addf %add3A_464, %get3A_510 : vector<16xf32>
        %add3A_512 = arith.constant 1 : i32
        %add3A_513 = arith.addi %add3A_506, %add3A_512 : i32
        %get3A_514 = arith.index_cast %add3A_513 : i32 to index
        %get3A_515 = arith.constant 0 : index
        %get3A_516 = tpu.vector_load %arg7[%get3A_514, %get3A_515] {strides = array<i32>} : memref<800x64xf32, #tpu.memory_space<vmem>>, vector<1x16xf32>,
        %get3A_517 = vector.shape_cast %get3A_516 : vector<1x16xf32> to vector<16xf32>
        %add3A_518 = arith.addf %add3A_511, %get3A_517 : vector<16xf32>
        %get3A_519 = arith.index_cast %add3A_506 : i32 to index
        %get3A_520 = arith.constant 16 : index
        %get3A_521 = tpu.vector_load %arg7[%get3A_519, %get3A_520] {strides = array<i32>} : memref<800x64xf32, #tpu.memory_space<vmem>>, vector<1x16xf32>,
        %get3A_522 = vector.shape_cast %get3A_521 : vector<1x16xf32> to vector<16xf32>
        %add3A_523 = arith.addf %add3A_476, %get3A_522 : vector<16xf32>
        %add3A_524 = arith.constant 1 : i32
        %add3A_525 = arith.addi %add3A_506, %add3A_524 : i32
        %get3A_526 = arith.index_cast %add3A_525 : i32 to index
        %get3A_527 = arith.constant 16 : index
        %get3A_528 = tpu.vector_load %arg7[%get3A_526, %get3A_527] {strides = array<i32>} : memref<800x64xf32, #tpu.memory_space<vmem>>, vector<1x16xf32>,
        %get3A_529 = vector.shape_cast %get3A_528 : vector<1x16xf32> to vector<16xf32>
        %add3A_530 = arith.addf %add3A_523, %get3A_529 : vector<16xf32>
        %get3A_531 = arith.index_cast %add3A_506 : i32 to index
        %get3A_532 = arith.constant 32 : index
        %get3A_533 = tpu.vector_load %arg7[%get3A_531, %get3A_532] {strides = array<i32>} : memref<800x64xf32, #tpu.memory_space<vmem>>, vector<1x16xf32>,
        %get3A_534 = vector.shape_cast %get3A_533 : vector<1x16xf32> to vector<16xf32>
        %add3A_535 = arith.addf %add3A_488, %get3A_534 : vector<16xf32>
        %add3A_536 = arith.constant 1 : i32
        %add3A_537 = arith.addi %add3A_506, %add3A_536 : i32
        %get3A_538 = arith.index_cast %add3A_537 : i32 to index
        %get3A_539 = arith.constant 32 : index
        %get3A_540 = tpu.vector_load %arg7[%get3A_538, %get3A_539] {strides = array<i32>} : memref<800x64xf32, #tpu.memory_space<vmem>>, vector<1x16xf32>,
        %get3A_541 = vector.shape_cast %get3A_540 : vector<1x16xf32> to vector<16xf32>
        %add3A_542 = arith.addf %add3A_535, %get3A_541 : vector<16xf32>
        %get3A_543 = arith.index_cast %add3A_506 : i32 to index
        %get3A_544 = arith.constant 48 : index
        %get3A_545 = tpu.vector_load %arg7[%get3A_543, %get3A_544] {strides = array<i32>} : memref<800x64xf32, #tpu.memory_space<vmem>>, vector<1x16xf32>,
        %get3A_546 = vector.shape_cast %get3A_545 : vector<1x16xf32> to vector<16xf32>
        %add3A_547 = arith.addf %add3A_500, %get3A_546 : vector<16xf32>
        %add3A_548 = arith.constant 1 : i32
        %add3A_549 = arith.addi %add3A_506, %add3A_548 : i32
        %get3A_550 = arith.index_cast %add3A_549 : i32 to index
        %get3A_551 = arith.constant 48 : index
        %get3A_552 = tpu.vector_load %arg7[%get3A_550, %get3A_551] {strides = array<i32>} : memref<800x64xf32, #tpu.memory_space<vmem>>, vector<1x16xf32>,
        %get3A_553 = vector.shape_cast %get3A_552 : vector<1x16xf32> to vector<16xf32>
        %add3A_554 = arith.addf %add3A_547, %get3A_553 : vector<16xf32>
        %scan3A_555 = arith.constant 2 : i32
        %scan3A_556 = arith.addi %scan3A_445, %scan3A_555 : i32
        %mul3A_557 = arith.constant 2 : i32
        %mul3A_558 = arith.muli %mul3A_557, %scan3A_556 : i32
        %add3A_559 = arith.constant 200 : i32
        %add3A_560 = arith.addi %add3A_559, %mul3A_558 : i32
        %get3A_561 = arith.index_cast %add3A_560 : i32 to index
        %get3A_562 = arith.constant 0 : index
        %get3A_563 = tpu.vector_load %arg7[%get3A_561, %get3A_562] {strides = array<i32>} : memref<800x64xf32, #tpu.memory_space<vmem>>, vector<1x16xf32>,
        %get3A_564 = vector.shape_cast %get3A_563 : vector<1x16xf32> to vector<16xf32>
        %add3A_565 = arith.addf %add3A_518, %get3A_564 : vector<16xf32>
        %add3A_566 = arith.constant 1 : i32
        %add3A_567 = arith.addi %add3A_560, %add3A_566 : i32
        %get3A_568 = arith.index_cast %add3A_567 : i32 to index
        %get3A_569 = arith.constant 0 : index
        %get3A_570 = tpu.vector_load %arg7[%get3A_568, %get3A_569] {strides = array<i32>} : memref<800x64xf32, #tpu.memory_space<vmem>>, vector<1x16xf32>,
        %get3A_571 = vector.shape_cast %get3A_570 : vector<1x16xf32> to vector<16xf32>
        %add3A_572 = arith.addf %add3A_565, %get3A_571 : vector<16xf32>
        %get3A_573 = arith.index_cast %add3A_560 : i32 to index
        %get3A_574 = arith.constant 16 : index
        %get3A_575 = tpu.vector_load %arg7[%get3A_573, %get3A_574] {strides = array<i32>} : memref<800x64xf32, #tpu.memory_space<vmem>>, vector<1x16xf32>,
        %get3A_576 = vector.shape_cast %get3A_575 : vector<1x16xf32> to vector<16xf32>
        %add3A_577 = arith.addf %add3A_530, %get3A_576 : vector<16xf32>
        %add3A_578 = arith.constant 1 : i32
        %add3A_579 = arith.addi %add3A_560, %add3A_578 : i32
        %get3A_580 = arith.index_cast %add3A_579 : i32 to index
        %get3A_581 = arith.constant 16 : index
        %get3A_582 = tpu.vector_load %arg7[%get3A_580, %get3A_581] {strides = array<i32>} : memref<800x64xf32, #tpu.memory_space<vmem>>, vector<1x16xf32>,
        %get3A_583 = vector.shape_cast %get3A_582 : vector<1x16xf32> to vector<16xf32>
        %add3A_584 = arith.addf %add3A_577, %get3A_583 : vector<16xf32>
        %get3A_585 = arith.index_cast %add3A_560 : i32 to index
        %get3A_586 = arith.constant 32 : index
        %get3A_587 = tpu.vector_load %arg7[%get3A_585, %get3A_586] {strides = array<i32>} : memref<800x64xf32, #tpu.memory_space<vmem>>, vector<1x16xf32>,
        %get3A_588 = vector.shape_cast %get3A_587 : vector<1x16xf32> to vector<16xf32>
        %add3A_589 = arith.addf %add3A_542, %get3A_588 : vector<16xf32>
        %add3A_590 = arith.constant 1 : i32
        %add3A_591 = arith.addi %add3A_560, %add3A_590 : i32
        %get3A_592 = arith.index_cast %add3A_591 : i32 to index
        %get3A_593 = arith.constant 32 : index
        %get3A_594 = tpu.vector_load %arg7[%get3A_592, %get3A_593] {strides = array<i32>} : memref<800x64xf32, #tpu.memory_space<vmem>>, vector<1x16xf32>,
        %get3A_595 = vector.shape_cast %get3A_594 : vector<1x16xf32> to vector<16xf32>
        %add3A_596 = arith.addf %add3A_589, %get3A_595 : vector<16xf32>
        %get3A_597 = arith.index_cast %add3A_560 : i32 to index
        %get3A_598 = arith.constant 48 : index
        %get3A_599 = tpu.vector_load %arg7[%get3A_597, %get3A_598] {strides = array<i32>} : memref<800x64xf32, #tpu.memory_space<vmem>>, vector<1x16xf32>,
        %get3A_600 = vector.shape_cast %get3A_599 : vector<1x16xf32> to vector<16xf32>
        %add3A_601 = arith.addf %add3A_554, %get3A_600 : vector<16xf32>
        %add3A_602 = arith.constant 1 : i32
        %add3A_603 = arith.addi %add3A_560, %add3A_602 : i32
        %get3A_604 = arith.index_cast %add3A_603 : i32 to index
        %get3A_605 = arith.constant 48 : index
        %get3A_606 = tpu.vector_load %arg7[%get3A_604, %get3A_605] {strides = array<i32>} : memref<800x64xf32, #tpu.memory_space<vmem>>, vector<1x16xf32>,
        %get3A_607 = vector.shape_cast %get3A_606 : vector<1x16xf32> to vector<16xf32>
        %add3A_608 = arith.addf %add3A_601, %get3A_607 : vector<16xf32>
        %scan3A_609 = arith.constant 3 : i32
        %scan3A_610 = arith.addi %scan3A_445, %scan3A_609 : i32
        %mul3A_611 = arith.constant 2 : i32
        %mul3A_612 = arith.muli %mul3A_611, %scan3A_610 : i32
        %add3A_613 = arith.constant 200 : i32
        %add3A_614 = arith.addi %add3A_613, %mul3A_612 : i32
        %get3A_615 = arith.index_cast %add3A_614 : i32 to index
        %get3A_616 = arith.constant 0 : index
        %get3A_617 = tpu.vector_load %arg7[%get3A_615, %get3A_616] {strides = array<i32>} : memref<800x64xf32, #tpu.memory_space<vmem>>, vector<1x16xf32>,
        %get3A_618 = vector.shape_cast %get3A_617 : vector<1x16xf32> to vector<16xf32>
        %add3A_619 = arith.addf %add3A_572, %get3A_618 : vector<16xf32>
        %add3A_620 = arith.constant 1 : i32
        %add3A_621 = arith.addi %add3A_614, %add3A_620 : i32
        %get3A_622 = arith.index_cast %add3A_621 : i32 to index
        %get3A_623 = arith.constant 0 : index
        %get3A_624 = tpu.vector_load %arg7[%get3A_622, %get3A_623] {strides = array<i32>} : memref<800x64xf32, #tpu.memory_space<vmem>>, vector<1x16xf32>,
        %get3A_625 = vector.shape_cast %get3A_624 : vector<1x16xf32> to vector<16xf32>
        %add3A_626 = arith.addf %add3A_619, %get3A_625 : vector<16xf32>
        %get3A_627 = arith.index_cast %add3A_614 : i32 to index
        %get3A_628 = arith.constant 16 : index
        %get3A_629 = tpu.vector_load %arg7[%get3A_627, %get3A_628] {strides = array<i32>} : memref<800x64xf32, #tpu.memory_space<vmem>>, vector<1x16xf32>,
        %get3A_630 = vector.shape_cast %get3A_629 : vector<1x16xf32> to vector<16xf32>
        %add3A_631 = arith.addf %add3A_584, %get3A_630 : vector<16xf32>
        %add3A_632 = arith.constant 1 : i32
        %add3A_633 = arith.addi %add3A_614, %add3A_632 : i32
        %get3A_634 = arith.index_cast %add3A_633 : i32 to index
        %get3A_635 = arith.constant 16 : index
        %get3A_636 = tpu.vector_load %arg7[%get3A_634, %get3A_635] {strides = array<i32>} : memref<800x64xf32, #tpu.memory_space<vmem>>, vector<1x16xf32>,
        %get3A_637 = vector.shape_cast %get3A_636 : vector<1x16xf32> to vector<16xf32>
        %add3A_638 = arith.addf %add3A_631, %get3A_637 : vector<16xf32>
        %get3A_639 = arith.index_cast %add3A_614 : i32 to index
        %get3A_640 = arith.constant 32 : index
        %get3A_641 = tpu.vector_load %arg7[%get3A_639, %get3A_640] {strides = array<i32>} : memref<800x64xf32, #tpu.memory_space<vmem>>, vector<1x16xf32>,
        %get3A_642 = vector.shape_cast %get3A_641 : vector<1x16xf32> to vector<16xf32>
        %add3A_643 = arith.addf %add3A_596, %get3A_642 : vector<16xf32>
        %add3A_644 = arith.constant 1 : i32
        %add3A_645 = arith.addi %add3A_614, %add3A_644 : i32
        %get3A_646 = arith.index_cast %add3A_645 : i32 to index
        %get3A_647 = arith.constant 32 : index
        %get3A_648 = tpu.vector_load %arg7[%get3A_646, %get3A_647] {strides = array<i32>} : memref<800x64xf32, #tpu.memory_space<vmem>>, vector<1x16xf32>,
        %get3A_649 = vector.shape_cast %get3A_648 : vector<1x16xf32> to vector<16xf32>
        %add3A_650 = arith.addf %add3A_643, %get3A_649 : vector<16xf32>
        %get3A_651 = arith.index_cast %add3A_614 : i32 to index
        %get3A_652 = arith.constant 48 : index
        %get3A_653 = tpu.vector_load %arg7[%get3A_651, %get3A_652] {strides = array<i32>} : memref<800x64xf32, #tpu.memory_space<vmem>>, vector<1x16xf32>,
        %get3A_654 = vector.shape_cast %get3A_653 : vector<1x16xf32> to vector<16xf32>
        %add3A_655 = arith.addf %add3A_608, %get3A_654 : vector<16xf32>
        %add3A_656 = arith.constant 1 : i32
        %add3A_657 = arith.addi %add3A_614, %add3A_656 : i32
        %get3A_658 = arith.index_cast %add3A_657 : i32 to index
        %get3A_659 = arith.constant 48 : index
        %get3A_660 = tpu.vector_load %arg7[%get3A_658, %get3A_659] {strides = array<i32>} : memref<800x64xf32, #tpu.memory_space<vmem>>, vector<1x16xf32>,
        %get3A_661 = vector.shape_cast %get3A_660 : vector<1x16xf32> to vector<16xf32>
        %add3A_662 = arith.addf %add3A_655, %get3A_661 : vector<16xf32>
        scf.yield %add3A_626, %add3A_638, %add3A_650, %add3A_662 : vector<16xf32>, vector<16xf32>, vector<16xf32>, vector<16xf32>
      }
      %scan3A_178 = arith.constant 100 : i32
      %swap3A_179 = arith.constant 1 : i32
      %swap3A_180 = arith.index_cast %swap3A_179 : i32 to index
      %swap3A_181 = arith.constant 0 : index
      %swap3A_182 = tpu.vector_load %arg9[%swap3A_180, %swap3A_181] {strides = array<i32>} : memref<4x64xf32, #tpu.memory_space<vmem>>, vector<1x16xf32>,
      %swap3A_183 = vector.shape_cast %swap3A_182 : vector<1x16xf32> to vector<16xf32>
      %swap3A_184 = vector.shape_cast %scan3A_177#0 : vector<16xf32> to vector<1x16xf32>
      tpu.vector_store %arg9[%swap3A_180, %swap3A_181], %swap3A_184 {strides = array<i32>} : memref<4x64xf32, #tpu.memory_space<vmem>>, vector<1x16xf32>,
      %swap3A_185 = arith.constant 1 : i32
      %swap3A_186 = arith.index_cast %swap3A_185 : i32 to index
      %swap3A_187 = arith.constant 16 : index
      %swap3A_188 = tpu.vector_load %arg9[%swap3A_186, %swap3A_187] {strides = array<i32>} : memref<4x64xf32, #tpu.memory_space<vmem>>, vector<1x16xf32>,
      %swap3A_189 = vector.shape_cast %swap3A_188 : vector<1x16xf32> to vector<16xf32>
      %swap3A_190 = vector.shape_cast %scan3A_177#1 : vector<16xf32> to vector<1x16xf32>
      tpu.vector_store %arg9[%swap3A_186, %swap3A_187], %swap3A_190 {strides = array<i32>} : memref<4x64xf32, #tpu.memory_space<vmem>>, vector<1x16xf32>,
      %swap3A_191 = arith.constant 1 : i32
      %swap3A_192 = arith.index_cast %swap3A_191 : i32 to index
      %swap3A_193 = arith.constant 32 : index
      %swap3A_194 = tpu.vector_load %arg9[%swap3A_192, %swap3A_193] {strides = array<i32>} : memref<4x64xf32, #tpu.memory_space<vmem>>, vector<1x16xf32>,
      %swap3A_195 = vector.shape_cast %swap3A_194 : vector<1x16xf32> to vector<16xf32>
      %swap3A_196 = vector.shape_cast %scan3A_177#2 : vector<16xf32> to vector<1x16xf32>
      tpu.vector_store %arg9[%swap3A_192, %swap3A_193], %swap3A_196 {strides = array<i32>} : memref<4x64xf32, #tpu.memory_space<vmem>>, vector<1x16xf32>,
      %swap3A_197 = arith.constant 1 : i32
      %swap3A_198 = arith.index_cast %swap3A_197 : i32 to index
      %swap3A_199 = arith.constant 48 : index
      %swap3A_200 = tpu.vector_load %arg9[%swap3A_198, %swap3A_199] {strides = array<i32>} : memref<4x64xf32, #tpu.memory_space<vmem>>, vector<1x16xf32>,
      %swap3A_201 = vector.shape_cast %swap3A_200 : vector<1x16xf32> to vector<16xf32>
      %swap3A_202 = vector.shape_cast %scan3A_177#3 : vector<16xf32> to vector<1x16xf32>
      tpu.vector_store %arg9[%swap3A_198, %swap3A_199], %swap3A_202 {strides = array<i32>} : memref<4x64xf32, #tpu.memory_space<vmem>>, vector<1x16xf32>,
      %broadcast_in_dim3A_203 = arith.constant 0.000000e+00 : f32
      %broadcast_in_dim3A_204 = vector.broadcast %broadcast_in_dim3A_203 : f32 to vector<16xf32>
      %scan3A_205 = arith.constant 0 : i32
      %scan3A_206 = arith.constant 100 : i32
      %scan3A_207 = arith.addi %scan3A_205, %scan3A_206 : i32
      %scan3A_208 = arith.constant 4 : i32
      %scan3A_209:4 = scf.for %scan3A_445 = %scan3A_205 to %scan3A_207 step %scan3A_208 iter_args(%scan3A_446 = %broadcast_in_dim3A_204, %scan3A_447 = %broadcast_in_dim3A_204, %scan3A_448 = %broadcast_in_dim3A_204, %scan3A_449 = %broadcast_in_dim3A_204) -> (vector<16xf32>, vector<16xf32>, vector<16xf32>, vector<16xf32>)  : i32 {
        %mul3A_450 = arith.constant 2 : i32
        %mul3A_451 = arith.muli %mul3A_450, %scan3A_445 : i32
        %add3A_452 = arith.constant 400 : i32
        %add3A_453 = arith.addi %add3A_452, %mul3A_451 : i32
        %get3A = arith.index_cast %add3A_453 : i32 to index
        %get3A_454 = arith.constant 0 : index
        %get3A_455 = tpu.vector_load %arg7[%get3A, %get3A_454] {strides = array<i32>} : memref<800x64xf32, #tpu.memory_space<vmem>>, vector<1x16xf32>,
        %get3A_456 = vector.shape_cast %get3A_455 : vector<1x16xf32> to vector<16xf32>
        %add3A_457 = arith.addf %scan3A_446, %get3A_456 : vector<16xf32>
        %add3A_458 = arith.constant 1 : i32
        %add3A_459 = arith.addi %add3A_453, %add3A_458 : i32
        %get3A_460 = arith.index_cast %add3A_459 : i32 to index
        %get3A_461 = arith.constant 0 : index
        %get3A_462 = tpu.vector_load %arg7[%get3A_460, %get3A_461] {strides = array<i32>} : memref<800x64xf32, #tpu.memory_space<vmem>>, vector<1x16xf32>,
        %get3A_463 = vector.shape_cast %get3A_462 : vector<1x16xf32> to vector<16xf32>
        %add3A_464 = arith.addf %add3A_457, %get3A_463 : vector<16xf32>
        %get3A_465 = arith.index_cast %add3A_453 : i32 to index
        %get3A_466 = arith.constant 16 : index
        %get3A_467 = tpu.vector_load %arg7[%get3A_465, %get3A_466] {strides = array<i32>} : memref<800x64xf32, #tpu.memory_space<vmem>>, vector<1x16xf32>,
        %get3A_468 = vector.shape_cast %get3A_467 : vector<1x16xf32> to vector<16xf32>
        %add3A_469 = arith.addf %scan3A_447, %get3A_468 : vector<16xf32>
        %add3A_470 = arith.constant 1 : i32
        %add3A_471 = arith.addi %add3A_453, %add3A_470 : i32
        %get3A_472 = arith.index_cast %add3A_471 : i32 to index
        %get3A_473 = arith.constant 16 : index
        %get3A_474 = tpu.vector_load %arg7[%get3A_472, %get3A_473] {strides = array<i32>} : memref<800x64xf32, #tpu.memory_space<vmem>>, vector<1x16xf32>,
        %get3A_475 = vector.shape_cast %get3A_474 : vector<1x16xf32> to vector<16xf32>
        %add3A_476 = arith.addf %add3A_469, %get3A_475 : vector<16xf32>
        %get3A_477 = arith.index_cast %add3A_453 : i32 to index
        %get3A_478 = arith.constant 32 : index
        %get3A_479 = tpu.vector_load %arg7[%get3A_477, %get3A_478] {strides = array<i32>} : memref<800x64xf32, #tpu.memory_space<vmem>>, vector<1x16xf32>,
        %get3A_480 = vector.shape_cast %get3A_479 : vector<1x16xf32> to vector<16xf32>
        %add3A_481 = arith.addf %scan3A_448, %get3A_480 : vector<16xf32>
        %add3A_482 = arith.constant 1 : i32
        %add3A_483 = arith.addi %add3A_453, %add3A_482 : i32
        %get3A_484 = arith.index_cast %add3A_483 : i32 to index
        %get3A_485 = arith.constant 32 : index
        %get3A_486 = tpu.vector_load %arg7[%get3A_484, %get3A_485] {strides = array<i32>} : memref<800x64xf32, #tpu.memory_space<vmem>>, vector<1x16xf32>,
        %get3A_487 = vector.shape_cast %get3A_486 : vector<1x16xf32> to vector<16xf32>
        %add3A_488 = arith.addf %add3A_481, %get3A_487 : vector<16xf32>
        %get3A_489 = arith.index_cast %add3A_453 : i32 to index
        %get3A_490 = arith.constant 48 : index
        %get3A_491 = tpu.vector_load %arg7[%get3A_489, %get3A_490] {strides = array<i32>} : memref<800x64xf32, #tpu.memory_space<vmem>>, vector<1x16xf32>,
        %get3A_492 = vector.shape_cast %get3A_491 : vector<1x16xf32> to vector<16xf32>
        %add3A_493 = arith.addf %scan3A_449, %get3A_492 : vector<16xf32>
        %add3A_494 = arith.constant 1 : i32
        %add3A_495 = arith.addi %add3A_453, %add3A_494 : i32
        %get3A_496 = arith.index_cast %add3A_495 : i32 to index
        %get3A_497 = arith.constant 48 : index
        %get3A_498 = tpu.vector_load %arg7[%get3A_496, %get3A_497] {strides = array<i32>} : memref<800x64xf32, #tpu.memory_space<vmem>>, vector<1x16xf32>,
        %get3A_499 = vector.shape_cast %get3A_498 : vector<1x16xf32> to vector<16xf32>
        %add3A_500 = arith.addf %add3A_493, %get3A_499 : vector<16xf32>
        %scan3A_501 = arith.constant 1 : i32
        %scan3A_502 = arith.addi %scan3A_445, %scan3A_501 : i32
        %mul3A_503 = arith.constant 2 : i32
        %mul3A_504 = arith.muli %mul3A_503, %scan3A_502 : i32
        %add3A_505 = arith.constant 400 : i32
        %add3A_506 = arith.addi %add3A_505, %mul3A_504 : i32
        %get3A_507 = arith.index_cast %add3A_506 : i32 to index
        %get3A_508 = arith.constant 0 : index
        %get3A_509 = tpu.vector_load %arg7[%get3A_507, %get3A_508] {strides = array<i32>} : memref<800x64xf32, #tpu.memory_space<vmem>>, vector<1x16xf32>,
        %get3A_510 = vector.shape_cast %get3A_509 : vector<1x16xf32> to vector<16xf32>
        %add3A_511 = arith.addf %add3A_464, %get3A_510 : vector<16xf32>
        %add3A_512 = arith.constant 1 : i32
        %add3A_513 = arith.addi %add3A_506, %add3A_512 : i32
        %get3A_514 = arith.index_cast %add3A_513 : i32 to index
        %get3A_515 = arith.constant 0 : index
        %get3A_516 = tpu.vector_load %arg7[%get3A_514, %get3A_515] {strides = array<i32>} : memref<800x64xf32, #tpu.memory_space<vmem>>, vector<1x16xf32>,
        %get3A_517 = vector.shape_cast %get3A_516 : vector<1x16xf32> to vector<16xf32>
        %add3A_518 = arith.addf %add3A_511, %get3A_517 : vector<16xf32>
        %get3A_519 = arith.index_cast %add3A_506 : i32 to index
        %get3A_520 = arith.constant 16 : index
        %get3A_521 = tpu.vector_load %arg7[%get3A_519, %get3A_520] {strides = array<i32>} : memref<800x64xf32, #tpu.memory_space<vmem>>, vector<1x16xf32>,
        %get3A_522 = vector.shape_cast %get3A_521 : vector<1x16xf32> to vector<16xf32>
        %add3A_523 = arith.addf %add3A_476, %get3A_522 : vector<16xf32>
        %add3A_524 = arith.constant 1 : i32
        %add3A_525 = arith.addi %add3A_506, %add3A_524 : i32
        %get3A_526 = arith.index_cast %add3A_525 : i32 to index
        %get3A_527 = arith.constant 16 : index
        %get3A_528 = tpu.vector_load %arg7[%get3A_526, %get3A_527] {strides = array<i32>} : memref<800x64xf32, #tpu.memory_space<vmem>>, vector<1x16xf32>,
        %get3A_529 = vector.shape_cast %get3A_528 : vector<1x16xf32> to vector<16xf32>
        %add3A_530 = arith.addf %add3A_523, %get3A_529 : vector<16xf32>
        %get3A_531 = arith.index_cast %add3A_506 : i32 to index
        %get3A_532 = arith.constant 32 : index
        %get3A_533 = tpu.vector_load %arg7[%get3A_531, %get3A_532] {strides = array<i32>} : memref<800x64xf32, #tpu.memory_space<vmem>>, vector<1x16xf32>,
        %get3A_534 = vector.shape_cast %get3A_533 : vector<1x16xf32> to vector<16xf32>
        %add3A_535 = arith.addf %add3A_488, %get3A_534 : vector<16xf32>
        %add3A_536 = arith.constant 1 : i32
        %add3A_537 = arith.addi %add3A_506, %add3A_536 : i32
        %get3A_538 = arith.index_cast %add3A_537 : i32 to index
        %get3A_539 = arith.constant 32 : index
        %get3A_540 = tpu.vector_load %arg7[%get3A_538, %get3A_539] {strides = array<i32>} : memref<800x64xf32, #tpu.memory_space<vmem>>, vector<1x16xf32>,
        %get3A_541 = vector.shape_cast %get3A_540 : vector<1x16xf32> to vector<16xf32>
        %add3A_542 = arith.addf %add3A_535, %get3A_541 : vector<16xf32>
        %get3A_543 = arith.index_cast %add3A_506 : i32 to index
        %get3A_544 = arith.constant 48 : index
        %get3A_545 = tpu.vector_load %arg7[%get3A_543, %get3A_544] {strides = array<i32>} : memref<800x64xf32, #tpu.memory_space<vmem>>, vector<1x16xf32>,
        %get3A_546 = vector.shape_cast %get3A_545 : vector<1x16xf32> to vector<16xf32>
        %add3A_547 = arith.addf %add3A_500, %get3A_546 : vector<16xf32>
        %add3A_548 = arith.constant 1 : i32
        %add3A_549 = arith.addi %add3A_506, %add3A_548 : i32
        %get3A_550 = arith.index_cast %add3A_549 : i32 to index
        %get3A_551 = arith.constant 48 : index
        %get3A_552 = tpu.vector_load %arg7[%get3A_550, %get3A_551] {strides = array<i32>} : memref<800x64xf32, #tpu.memory_space<vmem>>, vector<1x16xf32>,
        %get3A_553 = vector.shape_cast %get3A_552 : vector<1x16xf32> to vector<16xf32>
        %add3A_554 = arith.addf %add3A_547, %get3A_553 : vector<16xf32>
        %scan3A_555 = arith.constant 2 : i32
        %scan3A_556 = arith.addi %scan3A_445, %scan3A_555 : i32
        %mul3A_557 = arith.constant 2 : i32
        %mul3A_558 = arith.muli %mul3A_557, %scan3A_556 : i32
        %add3A_559 = arith.constant 400 : i32
        %add3A_560 = arith.addi %add3A_559, %mul3A_558 : i32
        %get3A_561 = arith.index_cast %add3A_560 : i32 to index
        %get3A_562 = arith.constant 0 : index
        %get3A_563 = tpu.vector_load %arg7[%get3A_561, %get3A_562] {strides = array<i32>} : memref<800x64xf32, #tpu.memory_space<vmem>>, vector<1x16xf32>,
        %get3A_564 = vector.shape_cast %get3A_563 : vector<1x16xf32> to vector<16xf32>
        %add3A_565 = arith.addf %add3A_518, %get3A_564 : vector<16xf32>
        %add3A_566 = arith.constant 1 : i32
        %add3A_567 = arith.addi %add3A_560, %add3A_566 : i32
        %get3A_568 = arith.index_cast %add3A_567 : i32 to index
        %get3A_569 = arith.constant 0 : index
        %get3A_570 = tpu.vector_load %arg7[%get3A_568, %get3A_569] {strides = array<i32>} : memref<800x64xf32, #tpu.memory_space<vmem>>, vector<1x16xf32>,
        %get3A_571 = vector.shape_cast %get3A_570 : vector<1x16xf32> to vector<16xf32>
        %add3A_572 = arith.addf %add3A_565, %get3A_571 : vector<16xf32>
        %get3A_573 = arith.index_cast %add3A_560 : i32 to index
        %get3A_574 = arith.constant 16 : index
        %get3A_575 = tpu.vector_load %arg7[%get3A_573, %get3A_574] {strides = array<i32>} : memref<800x64xf32, #tpu.memory_space<vmem>>, vector<1x16xf32>,
        %get3A_576 = vector.shape_cast %get3A_575 : vector<1x16xf32> to vector<16xf32>
        %add3A_577 = arith.addf %add3A_530, %get3A_576 : vector<16xf32>
        %add3A_578 = arith.constant 1 : i32
        %add3A_579 = arith.addi %add3A_560, %add3A_578 : i32
        %get3A_580 = arith.index_cast %add3A_579 : i32 to index
        %get3A_581 = arith.constant 16 : index
        %get3A_582 = tpu.vector_load %arg7[%get3A_580, %get3A_581] {strides = array<i32>} : memref<800x64xf32, #tpu.memory_space<vmem>>, vector<1x16xf32>,
        %get3A_583 = vector.shape_cast %get3A_582 : vector<1x16xf32> to vector<16xf32>
        %add3A_584 = arith.addf %add3A_577, %get3A_583 : vector<16xf32>
        %get3A_585 = arith.index_cast %add3A_560 : i32 to index
        %get3A_586 = arith.constant 32 : index
        %get3A_587 = tpu.vector_load %arg7[%get3A_585, %get3A_586] {strides = array<i32>} : memref<800x64xf32, #tpu.memory_space<vmem>>, vector<1x16xf32>,
        %get3A_588 = vector.shape_cast %get3A_587 : vector<1x16xf32> to vector<16xf32>
        %add3A_589 = arith.addf %add3A_542, %get3A_588 : vector<16xf32>
        %add3A_590 = arith.constant 1 : i32
        %add3A_591 = arith.addi %add3A_560, %add3A_590 : i32
        %get3A_592 = arith.index_cast %add3A_591 : i32 to index
        %get3A_593 = arith.constant 32 : index
        %get3A_594 = tpu.vector_load %arg7[%get3A_592, %get3A_593] {strides = array<i32>} : memref<800x64xf32, #tpu.memory_space<vmem>>, vector<1x16xf32>,
        %get3A_595 = vector.shape_cast %get3A_594 : vector<1x16xf32> to vector<16xf32>
        %add3A_596 = arith.addf %add3A_589, %get3A_595 : vector<16xf32>
        %get3A_597 = arith.index_cast %add3A_560 : i32 to index
        %get3A_598 = arith.constant 48 : index
        %get3A_599 = tpu.vector_load %arg7[%get3A_597, %get3A_598] {strides = array<i32>} : memref<800x64xf32, #tpu.memory_space<vmem>>, vector<1x16xf32>,
        %get3A_600 = vector.shape_cast %get3A_599 : vector<1x16xf32> to vector<16xf32>
        %add3A_601 = arith.addf %add3A_554, %get3A_600 : vector<16xf32>
        %add3A_602 = arith.constant 1 : i32
        %add3A_603 = arith.addi %add3A_560, %add3A_602 : i32
        %get3A_604 = arith.index_cast %add3A_603 : i32 to index
        %get3A_605 = arith.constant 48 : index
        %get3A_606 = tpu.vector_load %arg7[%get3A_604, %get3A_605] {strides = array<i32>} : memref<800x64xf32, #tpu.memory_space<vmem>>, vector<1x16xf32>,
        %get3A_607 = vector.shape_cast %get3A_606 : vector<1x16xf32> to vector<16xf32>
        %add3A_608 = arith.addf %add3A_601, %get3A_607 : vector<16xf32>
        %scan3A_609 = arith.constant 3 : i32
        %scan3A_610 = arith.addi %scan3A_445, %scan3A_609 : i32
        %mul3A_611 = arith.constant 2 : i32
        %mul3A_612 = arith.muli %mul3A_611, %scan3A_610 : i32
        %add3A_613 = arith.constant 400 : i32
        %add3A_614 = arith.addi %add3A_613, %mul3A_612 : i32
        %get3A_615 = arith.index_cast %add3A_614 : i32 to index
        %get3A_616 = arith.constant 0 : index
        %get3A_617 = tpu.vector_load %arg7[%get3A_615, %get3A_616] {strides = array<i32>} : memref<800x64xf32, #tpu.memory_space<vmem>>, vector<1x16xf32>,
        %get3A_618 = vector.shape_cast %get3A_617 : vector<1x16xf32> to vector<16xf32>
        %add3A_619 = arith.addf %add3A_572, %get3A_618 : vector<16xf32>
        %add3A_620 = arith.constant 1 : i32
        %add3A_621 = arith.addi %add3A_614, %add3A_620 : i32
        %get3A_622 = arith.index_cast %add3A_621 : i32 to index
        %get3A_623 = arith.constant 0 : index
        %get3A_624 = tpu.vector_load %arg7[%get3A_622, %get3A_623] {strides = array<i32>} : memref<800x64xf32, #tpu.memory_space<vmem>>, vector<1x16xf32>,
        %get3A_625 = vector.shape_cast %get3A_624 : vector<1x16xf32> to vector<16xf32>
        %add3A_626 = arith.addf %add3A_619, %get3A_625 : vector<16xf32>
        %get3A_627 = arith.index_cast %add3A_614 : i32 to index
        %get3A_628 = arith.constant 16 : index
        %get3A_629 = tpu.vector_load %arg7[%get3A_627, %get3A_628] {strides = array<i32>} : memref<800x64xf32, #tpu.memory_space<vmem>>, vector<1x16xf32>,
        %get3A_630 = vector.shape_cast %get3A_629 : vector<1x16xf32> to vector<16xf32>
        %add3A_631 = arith.addf %add3A_584, %get3A_630 : vector<16xf32>
        %add3A_632 = arith.constant 1 : i32
        %add3A_633 = arith.addi %add3A_614, %add3A_632 : i32
        %get3A_634 = arith.index_cast %add3A_633 : i32 to index
        %get3A_635 = arith.constant 16 : index
        %get3A_636 = tpu.vector_load %arg7[%get3A_634, %get3A_635] {strides = array<i32>} : memref<800x64xf32, #tpu.memory_space<vmem>>, vector<1x16xf32>,
        %get3A_637 = vector.shape_cast %get3A_636 : vector<1x16xf32> to vector<16xf32>
        %add3A_638 = arith.addf %add3A_631, %get3A_637 : vector<16xf32>
        %get3A_639 = arith.index_cast %add3A_614 : i32 to index
        %get3A_640 = arith.constant 32 : index
        %get3A_641 = tpu.vector_load %arg7[%get3A_639, %get3A_640] {strides = array<i32>} : memref<800x64xf32, #tpu.memory_space<vmem>>, vector<1x16xf32>,
        %get3A_642 = vector.shape_cast %get3A_641 : vector<1x16xf32> to vector<16xf32>
        %add3A_643 = arith.addf %add3A_596, %get3A_642 : vector<16xf32>
        %add3A_644 = arith.constant 1 : i32
        %add3A_645 = arith.addi %add3A_614, %add3A_644 : i32
        %get3A_646 = arith.index_cast %add3A_645 : i32 to index
        %get3A_647 = arith.constant 32 : index
        %get3A_648 = tpu.vector_load %arg7[%get3A_646, %get3A_647] {strides = array<i32>} : memref<800x64xf32, #tpu.memory_space<vmem>>, vector<1x16xf32>,
        %get3A_649 = vector.shape_cast %get3A_648 : vector<1x16xf32> to vector<16xf32>
        %add3A_650 = arith.addf %add3A_643, %get3A_649 : vector<16xf32>
        %get3A_651 = arith.index_cast %add3A_614 : i32 to index
        %get3A_652 = arith.constant 48 : index
        %get3A_653 = tpu.vector_load %arg7[%get3A_651, %get3A_652] {strides = array<i32>} : memref<800x64xf32, #tpu.memory_space<vmem>>, vector<1x16xf32>,
        %get3A_654 = vector.shape_cast %get3A_653 : vector<1x16xf32> to vector<16xf32>
        %add3A_655 = arith.addf %add3A_608, %get3A_654 : vector<16xf32>
        %add3A_656 = arith.constant 1 : i32
        %add3A_657 = arith.addi %add3A_614, %add3A_656 : i32
        %get3A_658 = arith.index_cast %add3A_657 : i32 to index
        %get3A_659 = arith.constant 48 : index
        %get3A_660 = tpu.vector_load %arg7[%get3A_658, %get3A_659] {strides = array<i32>} : memref<800x64xf32, #tpu.memory_space<vmem>>, vector<1x16xf32>,
        %get3A_661 = vector.shape_cast %get3A_660 : vector<1x16xf32> to vector<16xf32>
        %add3A_662 = arith.addf %add3A_655, %get3A_661 : vector<16xf32>
        scf.yield %add3A_626, %add3A_638, %add3A_650, %add3A_662 : vector<16xf32>, vector<16xf32>, vector<16xf32>, vector<16xf32>
      }
      %scan3A_210 = arith.constant 100 : i32
      %swap3A_211 = arith.constant 2 : i32
      %swap3A_212 = arith.index_cast %swap3A_211 : i32 to index
      %swap3A_213 = arith.constant 0 : index
      %swap3A_214 = tpu.vector_load %arg9[%swap3A_212, %swap3A_213] {strides = array<i32>} : memref<4x64xf32, #tpu.memory_space<vmem>>, vector<1x16xf32>,
      %swap3A_215 = vector.shape_cast %swap3A_214 : vector<1x16xf32> to vector<16xf32>
      %swap3A_216 = vector.shape_cast %scan3A_209#0 : vector<16xf32> to vector<1x16xf32>
      tpu.vector_store %arg9[%swap3A_212, %swap3A_213], %swap3A_216 {strides = array<i32>} : memref<4x64xf32, #tpu.memory_space<vmem>>, vector<1x16xf32>,
      %swap3A_217 = arith.constant 2 : i32
      %swap3A_218 = arith.index_cast %swap3A_217 : i32 to index
      %swap3A_219 = arith.constant 16 : index
      %swap3A_220 = tpu.vector_load %arg9[%swap3A_218, %swap3A_219] {strides = array<i32>} : memref<4x64xf32, #tpu.memory_space<vmem>>, vector<1x16xf32>,
      %swap3A_221 = vector.shape_cast %swap3A_220 : vector<1x16xf32> to vector<16xf32>
      %swap3A_222 = vector.shape_cast %scan3A_209#1 : vector<16xf32> to vector<1x16xf32>
      tpu.vector_store %arg9[%swap3A_218, %swap3A_219], %swap3A_222 {strides = array<i32>} : memref<4x64xf32, #tpu.memory_space<vmem>>, vector<1x16xf32>,
      %swap3A_223 = arith.constant 2 : i32
      %swap3A_224 = arith.index_cast %swap3A_223 : i32 to index
      %swap3A_225 = arith.constant 32 : index
      %swap3A_226 = tpu.vector_load %arg9[%swap3A_224, %swap3A_225] {strides = array<i32>} : memref<4x64xf32, #tpu.memory_space<vmem>>, vector<1x16xf32>,
      %swap3A_227 = vector.shape_cast %swap3A_226 : vector<1x16xf32> to vector<16xf32>
      %swap3A_228 = vector.shape_cast %scan3A_209#2 : vector<16xf32> to vector<1x16xf32>
      tpu.vector_store %arg9[%swap3A_224, %swap3A_225], %swap3A_228 {strides = array<i32>} : memref<4x64xf32, #tpu.memory_space<vmem>>, vector<1x16xf32>,
      %swap3A_229 = arith.constant 2 : i32
      %swap3A_230 = arith.index_cast %swap3A_229 : i32 to index
      %swap3A_231 = arith.constant 48 : index
      %swap3A_232 = tpu.vector_load %arg9[%swap3A_230, %swap3A_231] {strides = array<i32>} : memref<4x64xf32, #tpu.memory_space<vmem>>, vector<1x16xf32>,
      %swap3A_233 = vector.shape_cast %swap3A_232 : vector<1x16xf32> to vector<16xf32>
      %swap3A_234 = vector.shape_cast %scan3A_209#3 : vector<16xf32> to vector<1x16xf32>
      tpu.vector_store %arg9[%swap3A_230, %swap3A_231], %swap3A_234 {strides = array<i32>} : memref<4x64xf32, #tpu.memory_space<vmem>>, vector<1x16xf32>,
      %broadcast_in_dim3A_235 = arith.constant 0.000000e+00 : f32
      %broadcast_in_dim3A_236 = vector.broadcast %broadcast_in_dim3A_235 : f32 to vector<16xf32>
      %scan3A_237 = arith.constant 0 : i32
      %scan3A_238 = arith.constant 100 : i32
      %scan3A_239 = arith.addi %scan3A_237, %scan3A_238 : i32
      %scan3A_240 = arith.constant 4 : i32
      %scan3A_241:4 = scf.for %scan3A_445 = %scan3A_237 to %scan3A_239 step %scan3A_240 iter_args(%scan3A_446 = %broadcast_in_dim3A_236, %scan3A_447 = %broadcast_in_dim3A_236, %scan3A_448 = %broadcast_in_dim3A_236, %scan3A_449 = %broadcast_in_dim3A_236) -> (vector<16xf32>, vector<16xf32>, vector<16xf32>, vector<16xf32>)  : i32 {
        %mul3A_450 = arith.constant 2 : i32
        %mul3A_451 = arith.muli %mul3A_450, %scan3A_445 : i32
        %add3A_452 = arith.constant 600 : i32
        %add3A_453 = arith.addi %add3A_452, %mul3A_451 : i32
        %get3A = arith.index_cast %add3A_453 : i32 to index
        %get3A_454 = arith.constant 0 : index
        %get3A_455 = tpu.vector_load %arg7[%get3A, %get3A_454] {strides = array<i32>} : memref<800x64xf32, #tpu.memory_space<vmem>>, vector<1x16xf32>,
        %get3A_456 = vector.shape_cast %get3A_455 : vector<1x16xf32> to vector<16xf32>
        %add3A_457 = arith.addf %scan3A_446, %get3A_456 : vector<16xf32>
        %add3A_458 = arith.constant 1 : i32
        %add3A_459 = arith.addi %add3A_453, %add3A_458 : i32
        %get3A_460 = arith.index_cast %add3A_459 : i32 to index
        %get3A_461 = arith.constant 0 : index
        %get3A_462 = tpu.vector_load %arg7[%get3A_460, %get3A_461] {strides = array<i32>} : memref<800x64xf32, #tpu.memory_space<vmem>>, vector<1x16xf32>,
        %get3A_463 = vector.shape_cast %get3A_462 : vector<1x16xf32> to vector<16xf32>
        %add3A_464 = arith.addf %add3A_457, %get3A_463 : vector<16xf32>
        %get3A_465 = arith.index_cast %add3A_453 : i32 to index
        %get3A_466 = arith.constant 16 : index
        %get3A_467 = tpu.vector_load %arg7[%get3A_465, %get3A_466] {strides = array<i32>} : memref<800x64xf32, #tpu.memory_space<vmem>>, vector<1x16xf32>,
        %get3A_468 = vector.shape_cast %get3A_467 : vector<1x16xf32> to vector<16xf32>
        %add3A_469 = arith.addf %scan3A_447, %get3A_468 : vector<16xf32>
        %add3A_470 = arith.constant 1 : i32
        %add3A_471 = arith.addi %add3A_453, %add3A_470 : i32
        %get3A_472 = arith.index_cast %add3A_471 : i32 to index
        %get3A_473 = arith.constant 16 : index
        %get3A_474 = tpu.vector_load %arg7[%get3A_472, %get3A_473] {strides = array<i32>} : memref<800x64xf32, #tpu.memory_space<vmem>>, vector<1x16xf32>,
        %get3A_475 = vector.shape_cast %get3A_474 : vector<1x16xf32> to vector<16xf32>
        %add3A_476 = arith.addf %add3A_469, %get3A_475 : vector<16xf32>
        %get3A_477 = arith.index_cast %add3A_453 : i32 to index
        %get3A_478 = arith.constant 32 : index
        %get3A_479 = tpu.vector_load %arg7[%get3A_477, %get3A_478] {strides = array<i32>} : memref<800x64xf32, #tpu.memory_space<vmem>>, vector<1x16xf32>,
        %get3A_480 = vector.shape_cast %get3A_479 : vector<1x16xf32> to vector<16xf32>
        %add3A_481 = arith.addf %scan3A_448, %get3A_480 : vector<16xf32>
        %add3A_482 = arith.constant 1 : i32
        %add3A_483 = arith.addi %add3A_453, %add3A_482 : i32
        %get3A_484 = arith.index_cast %add3A_483 : i32 to index
        %get3A_485 = arith.constant 32 : index
        %get3A_486 = tpu.vector_load %arg7[%get3A_484, %get3A_485] {strides = array<i32>} : memref<800x64xf32, #tpu.memory_space<vmem>>, vector<1x16xf32>,
        %get3A_487 = vector.shape_cast %get3A_486 : vector<1x16xf32> to vector<16xf32>
        %add3A_488 = arith.addf %add3A_481, %get3A_487 : vector<16xf32>
        %get3A_489 = arith.index_cast %add3A_453 : i32 to index
        %get3A_490 = arith.constant 48 : index
        %get3A_491 = tpu.vector_load %arg7[%get3A_489, %get3A_490] {strides = array<i32>} : memref<800x64xf32, #tpu.memory_space<vmem>>, vector<1x16xf32>,
        %get3A_492 = vector.shape_cast %get3A_491 : vector<1x16xf32> to vector<16xf32>
        %add3A_493 = arith.addf %scan3A_449, %get3A_492 : vector<16xf32>
        %add3A_494 = arith.constant 1 : i32
        %add3A_495 = arith.addi %add3A_453, %add3A_494 : i32
        %get3A_496 = arith.index_cast %add3A_495 : i32 to index
        %get3A_497 = arith.constant 48 : index
        %get3A_498 = tpu.vector_load %arg7[%get3A_496, %get3A_497] {strides = array<i32>} : memref<800x64xf32, #tpu.memory_space<vmem>>, vector<1x16xf32>,
        %get3A_499 = vector.shape_cast %get3A_498 : vector<1x16xf32> to vector<16xf32>
        %add3A_500 = arith.addf %add3A_493, %get3A_499 : vector<16xf32>
        %scan3A_501 = arith.constant 1 : i32
        %scan3A_502 = arith.addi %scan3A_445, %scan3A_501 : i32
        %mul3A_503 = arith.constant 2 : i32
        %mul3A_504 = arith.muli %mul3A_503, %scan3A_502 : i32
        %add3A_505 = arith.constant 600 : i32
        %add3A_506 = arith.addi %add3A_505, %mul3A_504 : i32
        %get3A_507 = arith.index_cast %add3A_506 : i32 to index
        %get3A_508 = arith.constant 0 : index
        %get3A_509 = tpu.vector_load %arg7[%get3A_507, %get3A_508] {strides = array<i32>} : memref<800x64xf32, #tpu.memory_space<vmem>>, vector<1x16xf32>,
        %get3A_510 = vector.shape_cast %get3A_509 : vector<1x16xf32> to vector<16xf32>
        %add3A_511 = arith.addf %add3A_464, %get3A_510 : vector<16xf32>
        %add3A_512 = arith.constant 1 : i32
        %add3A_513 = arith.addi %add3A_506, %add3A_512 : i32
        %get3A_514 = arith.index_cast %add3A_513 : i32 to index
        %get3A_515 = arith.constant 0 : index
        %get3A_516 = tpu.vector_load %arg7[%get3A_514, %get3A_515] {strides = array<i32>} : memref<800x64xf32, #tpu.memory_space<vmem>>, vector<1x16xf32>,
        %get3A_517 = vector.shape_cast %get3A_516 : vector<1x16xf32> to vector<16xf32>
        %add3A_518 = arith.addf %add3A_511, %get3A_517 : vector<16xf32>
        %get3A_519 = arith.index_cast %add3A_506 : i32 to index
        %get3A_520 = arith.constant 16 : index
        %get3A_521 = tpu.vector_load %arg7[%get3A_519, %get3A_520] {strides = array<i32>} : memref<800x64xf32, #tpu.memory_space<vmem>>, vector<1x16xf32>,
        %get3A_522 = vector.shape_cast %get3A_521 : vector<1x16xf32> to vector<16xf32>
        %add3A_523 = arith.addf %add3A_476, %get3A_522 : vector<16xf32>
        %add3A_524 = arith.constant 1 : i32
        %add3A_525 = arith.addi %add3A_506, %add3A_524 : i32
        %get3A_526 = arith.index_cast %add3A_525 : i32 to index
        %get3A_527 = arith.constant 16 : index
        %get3A_528 = tpu.vector_load %arg7[%get3A_526, %get3A_527] {strides = array<i32>} : memref<800x64xf32, #tpu.memory_space<vmem>>, vector<1x16xf32>,
        %get3A_529 = vector.shape_cast %get3A_528 : vector<1x16xf32> to vector<16xf32>
        %add3A_530 = arith.addf %add3A_523, %get3A_529 : vector<16xf32>
        %get3A_531 = arith.index_cast %add3A_506 : i32 to index
        %get3A_532 = arith.constant 32 : index
        %get3A_533 = tpu.vector_load %arg7[%get3A_531, %get3A_532] {strides = array<i32>} : memref<800x64xf32, #tpu.memory_space<vmem>>, vector<1x16xf32>,
        %get3A_534 = vector.shape_cast %get3A_533 : vector<1x16xf32> to vector<16xf32>
        %add3A_535 = arith.addf %add3A_488, %get3A_534 : vector<16xf32>
        %add3A_536 = arith.constant 1 : i32
        %add3A_537 = arith.addi %add3A_506, %add3A_536 : i32
        %get3A_538 = arith.index_cast %add3A_537 : i32 to index
        %get3A_539 = arith.constant 32 : index
        %get3A_540 = tpu.vector_load %arg7[%get3A_538, %get3A_539] {strides = array<i32>} : memref<800x64xf32, #tpu.memory_space<vmem>>, vector<1x16xf32>,
        %get3A_541 = vector.shape_cast %get3A_540 : vector<1x16xf32> to vector<16xf32>
        %add3A_542 = arith.addf %add3A_535, %get3A_541 : vector<16xf32>
        %get3A_543 = arith.index_cast %add3A_506 : i32 to index
        %get3A_544 = arith.constant 48 : index
        %get3A_545 = tpu.vector_load %arg7[%get3A_543, %get3A_544] {strides = array<i32>} : memref<800x64xf32, #tpu.memory_space<vmem>>, vector<1x16xf32>,
        %get3A_546 = vector.shape_cast %get3A_545 : vector<1x16xf32> to vector<16xf32>
        %add3A_547 = arith.addf %add3A_500, %get3A_546 : vector<16xf32>
        %add3A_548 = arith.constant 1 : i32
        %add3A_549 = arith.addi %add3A_506, %add3A_548 : i32
        %get3A_550 = arith.index_cast %add3A_549 : i32 to index
        %get3A_551 = arith.constant 48 : index
        %get3A_552 = tpu.vector_load %arg7[%get3A_550, %get3A_551] {strides = array<i32>} : memref<800x64xf32, #tpu.memory_space<vmem>>, vector<1x16xf32>,
        %get3A_553 = vector.shape_cast %get3A_552 : vector<1x16xf32> to vector<16xf32>
        %add3A_554 = arith.addf %add3A_547, %get3A_553 : vector<16xf32>
        %scan3A_555 = arith.constant 2 : i32
        %scan3A_556 = arith.addi %scan3A_445, %scan3A_555 : i32
        %mul3A_557 = arith.constant 2 : i32
        %mul3A_558 = arith.muli %mul3A_557, %scan3A_556 : i32
        %add3A_559 = arith.constant 600 : i32
        %add3A_560 = arith.addi %add3A_559, %mul3A_558 : i32
        %get3A_561 = arith.index_cast %add3A_560 : i32 to index
        %get3A_562 = arith.constant 0 : index
        %get3A_563 = tpu.vector_load %arg7[%get3A_561, %get3A_562] {strides = array<i32>} : memref<800x64xf32, #tpu.memory_space<vmem>>, vector<1x16xf32>,
        %get3A_564 = vector.shape_cast %get3A_563 : vector<1x16xf32> to vector<16xf32>
        %add3A_565 = arith.addf %add3A_518, %get3A_564 : vector<16xf32>
        %add3A_566 = arith.constant 1 : i32
        %add3A_567 = arith.addi %add3A_560, %add3A_566 : i32
        %get3A_568 = arith.index_cast %add3A_567 : i32 to index
        %get3A_569 = arith.constant 0 : index
        %get3A_570 = tpu.vector_load %arg7[%get3A_568, %get3A_569] {strides = array<i32>} : memref<800x64xf32, #tpu.memory_space<vmem>>, vector<1x16xf32>,
        %get3A_571 = vector.shape_cast %get3A_570 : vector<1x16xf32> to vector<16xf32>
        %add3A_572 = arith.addf %add3A_565, %get3A_571 : vector<16xf32>
        %get3A_573 = arith.index_cast %add3A_560 : i32 to index
        %get3A_574 = arith.constant 16 : index
        %get3A_575 = tpu.vector_load %arg7[%get3A_573, %get3A_574] {strides = array<i32>} : memref<800x64xf32, #tpu.memory_space<vmem>>, vector<1x16xf32>,
        %get3A_576 = vector.shape_cast %get3A_575 : vector<1x16xf32> to vector<16xf32>
        %add3A_577 = arith.addf %add3A_530, %get3A_576 : vector<16xf32>
        %add3A_578 = arith.constant 1 : i32
        %add3A_579 = arith.addi %add3A_560, %add3A_578 : i32
        %get3A_580 = arith.index_cast %add3A_579 : i32 to index
        %get3A_581 = arith.constant 16 : index
        %get3A_582 = tpu.vector_load %arg7[%get3A_580, %get3A_581] {strides = array<i32>} : memref<800x64xf32, #tpu.memory_space<vmem>>, vector<1x16xf32>,
        %get3A_583 = vector.shape_cast %get3A_582 : vector<1x16xf32> to vector<16xf32>
        %add3A_584 = arith.addf %add3A_577, %get3A_583 : vector<16xf32>
        %get3A_585 = arith.index_cast %add3A_560 : i32 to index
        %get3A_586 = arith.constant 32 : index
        %get3A_587 = tpu.vector_load %arg7[%get3A_585, %get3A_586] {strides = array<i32>} : memref<800x64xf32, #tpu.memory_space<vmem>>, vector<1x16xf32>,
        %get3A_588 = vector.shape_cast %get3A_587 : vector<1x16xf32> to vector<16xf32>
        %add3A_589 = arith.addf %add3A_542, %get3A_588 : vector<16xf32>
        %add3A_590 = arith.constant 1 : i32
        %add3A_591 = arith.addi %add3A_560, %add3A_590 : i32
        %get3A_592 = arith.index_cast %add3A_591 : i32 to index
        %get3A_593 = arith.constant 32 : index
        %get3A_594 = tpu.vector_load %arg7[%get3A_592, %get3A_593] {strides = array<i32>} : memref<800x64xf32, #tpu.memory_space<vmem>>, vector<1x16xf32>,
        %get3A_595 = vector.shape_cast %get3A_594 : vector<1x16xf32> to vector<16xf32>
        %add3A_596 = arith.addf %add3A_589, %get3A_595 : vector<16xf32>
        %get3A_597 = arith.index_cast %add3A_560 : i32 to index
        %get3A_598 = arith.constant 48 : index
        %get3A_599 = tpu.vector_load %arg7[%get3A_597, %get3A_598] {strides = array<i32>} : memref<800x64xf32, #tpu.memory_space<vmem>>, vector<1x16xf32>,
        %get3A_600 = vector.shape_cast %get3A_599 : vector<1x16xf32> to vector<16xf32>
        %add3A_601 = arith.addf %add3A_554, %get3A_600 : vector<16xf32>
        %add3A_602 = arith.constant 1 : i32
        %add3A_603 = arith.addi %add3A_560, %add3A_602 : i32
        %get3A_604 = arith.index_cast %add3A_603 : i32 to index
        %get3A_605 = arith.constant 48 : index
        %get3A_606 = tpu.vector_load %arg7[%get3A_604, %get3A_605] {strides = array<i32>} : memref<800x64xf32, #tpu.memory_space<vmem>>, vector<1x16xf32>,
        %get3A_607 = vector.shape_cast %get3A_606 : vector<1x16xf32> to vector<16xf32>
        %add3A_608 = arith.addf %add3A_601, %get3A_607 : vector<16xf32>
        %scan3A_609 = arith.constant 3 : i32
        %scan3A_610 = arith.addi %scan3A_445, %scan3A_609 : i32
        %mul3A_611 = arith.constant 2 : i32
        %mul3A_612 = arith.muli %mul3A_611, %scan3A_610 : i32
        %add3A_613 = arith.constant 600 : i32
        %add3A_614 = arith.addi %add3A_613, %mul3A_612 : i32
        %get3A_615 = arith.index_cast %add3A_614 : i32 to index
        %get3A_616 = arith.constant 0 : index
        %get3A_617 = tpu.vector_load %arg7[%get3A_615, %get3A_616] {strides = array<i32>} : memref<800x64xf32, #tpu.memory_space<vmem>>, vector<1x16xf32>,
        %get3A_618 = vector.shape_cast %get3A_617 : vector<1x16xf32> to vector<16xf32>
        %add3A_619 = arith.addf %add3A_572, %get3A_618 : vector<16xf32>
        %add3A_620 = arith.constant 1 : i32
        %add3A_621 = arith.addi %add3A_614, %add3A_620 : i32
        %get3A_622 = arith.index_cast %add3A_621 : i32 to index
        %get3A_623 = arith.constant 0 : index
        %get3A_624 = tpu.vector_load %arg7[%get3A_622, %get3A_623] {strides = array<i32>} : memref<800x64xf32, #tpu.memory_space<vmem>>, vector<1x16xf32>,
        %get3A_625 = vector.shape_cast %get3A_624 : vector<1x16xf32> to vector<16xf32>
        %add3A_626 = arith.addf %add3A_619, %get3A_625 : vector<16xf32>
        %get3A_627 = arith.index_cast %add3A_614 : i32 to index
        %get3A_628 = arith.constant 16 : index
        %get3A_629 = tpu.vector_load %arg7[%get3A_627, %get3A_628] {strides = array<i32>} : memref<800x64xf32, #tpu.memory_space<vmem>>, vector<1x16xf32>,
        %get3A_630 = vector.shape_cast %get3A_629 : vector<1x16xf32> to vector<16xf32>
        %add3A_631 = arith.addf %add3A_584, %get3A_630 : vector<16xf32>
        %add3A_632 = arith.constant 1 : i32
        %add3A_633 = arith.addi %add3A_614, %add3A_632 : i32
        %get3A_634 = arith.index_cast %add3A_633 : i32 to index
        %get3A_635 = arith.constant 16 : index
        %get3A_636 = tpu.vector_load %arg7[%get3A_634, %get3A_635] {strides = array<i32>} : memref<800x64xf32, #tpu.memory_space<vmem>>, vector<1x16xf32>,
        %get3A_637 = vector.shape_cast %get3A_636 : vector<1x16xf32> to vector<16xf32>
        %add3A_638 = arith.addf %add3A_631, %get3A_637 : vector<16xf32>
        %get3A_639 = arith.index_cast %add3A_614 : i32 to index
        %get3A_640 = arith.constant 32 : index
        %get3A_641 = tpu.vector_load %arg7[%get3A_639, %get3A_640] {strides = array<i32>} : memref<800x64xf32, #tpu.memory_space<vmem>>, vector<1x16xf32>,
        %get3A_642 = vector.shape_cast %get3A_641 : vector<1x16xf32> to vector<16xf32>
        %add3A_643 = arith.addf %add3A_596, %get3A_642 : vector<16xf32>
        %add3A_644 = arith.constant 1 : i32
        %add3A_645 = arith.addi %add3A_614, %add3A_644 : i32
        %get3A_646 = arith.index_cast %add3A_645 : i32 to index
        %get3A_647 = arith.constant 32 : index
        %get3A_648 = tpu.vector_load %arg7[%get3A_646, %get3A_647] {strides = array<i32>} : memref<800x64xf32, #tpu.memory_space<vmem>>, vector<1x16xf32>,
        %get3A_649 = vector.shape_cast %get3A_648 : vector<1x16xf32> to vector<16xf32>
        %add3A_650 = arith.addf %add3A_643, %get3A_649 : vector<16xf32>
        %get3A_651 = arith.index_cast %add3A_614 : i32 to index
        %get3A_652 = arith.constant 48 : index
        %get3A_653 = tpu.vector_load %arg7[%get3A_651, %get3A_652] {strides = array<i32>} : memref<800x64xf32, #tpu.memory_space<vmem>>, vector<1x16xf32>,
        %get3A_654 = vector.shape_cast %get3A_653 : vector<1x16xf32> to vector<16xf32>
        %add3A_655 = arith.addf %add3A_608, %get3A_654 : vector<16xf32>
        %add3A_656 = arith.constant 1 : i32
        %add3A_657 = arith.addi %add3A_614, %add3A_656 : i32
        %get3A_658 = arith.index_cast %add3A_657 : i32 to index
        %get3A_659 = arith.constant 48 : index
        %get3A_660 = tpu.vector_load %arg7[%get3A_658, %get3A_659] {strides = array<i32>} : memref<800x64xf32, #tpu.memory_space<vmem>>, vector<1x16xf32>,
        %get3A_661 = vector.shape_cast %get3A_660 : vector<1x16xf32> to vector<16xf32>
        %add3A_662 = arith.addf %add3A_655, %get3A_661 : vector<16xf32>
        scf.yield %add3A_626, %add3A_638, %add3A_650, %add3A_662 : vector<16xf32>, vector<16xf32>, vector<16xf32>, vector<16xf32>
      }
      %scan3A_242 = arith.constant 100 : i32
      %swap3A_243 = arith.constant 3 : i32
      %swap3A_244 = arith.index_cast %swap3A_243 : i32 to index
      %swap3A_245 = arith.constant 0 : index
      %swap3A_246 = tpu.vector_load %arg9[%swap3A_244, %swap3A_245] {strides = array<i32>} : memref<4x64xf32, #tpu.memory_space<vmem>>, vector<1x16xf32>,
      %swap3A_247 = vector.shape_cast %swap3A_246 : vector<1x16xf32> to vector<16xf32>
      %swap3A_248 = vector.shape_cast %scan3A_241#0 : vector<16xf32> to vector<1x16xf32>
      tpu.vector_store %arg9[%swap3A_244, %swap3A_245], %swap3A_248 {strides = array<i32>} : memref<4x64xf32, #tpu.memory_space<vmem>>, vector<1x16xf32>,
      %swap3A_249 = arith.constant 3 : i32
      %swap3A_250 = arith.index_cast %swap3A_249 : i32 to index
      %swap3A_251 = arith.constant 16 : index
      %swap3A_252 = tpu.vector_load %arg9[%swap3A_250, %swap3A_251] {strides = array<i32>} : memref<4x64xf32, #tpu.memory_space<vmem>>, vector<1x16xf32>,
      %swap3A_253 = vector.shape_cast %swap3A_252 : vector<1x16xf32> to vector<16xf32>
      %swap3A_254 = vector.shape_cast %scan3A_241#1 : vector<16xf32> to vector<1x16xf32>
      tpu.vector_store %arg9[%swap3A_250, %swap3A_251], %swap3A_254 {strides = array<i32>} : memref<4x64xf32, #tpu.memory_space<vmem>>, vector<1x16xf32>,
      %swap3A_255 = arith.constant 3 : i32
      %swap3A_256 = arith.index_cast %swap3A_255 : i32 to index
      %swap3A_257 = arith.constant 32 : index
      %swap3A_258 = tpu.vector_load %arg9[%swap3A_256, %swap3A_257] {strides = array<i32>} : memref<4x64xf32, #tpu.memory_space<vmem>>, vector<1x16xf32>,
      %swap3A_259 = vector.shape_cast %swap3A_258 : vector<1x16xf32> to vector<16xf32>
      %swap3A_260 = vector.shape_cast %scan3A_241#2 : vector<16xf32> to vector<1x16xf32>
      tpu.vector_store %arg9[%swap3A_256, %swap3A_257], %swap3A_260 {strides = array<i32>} : memref<4x64xf32, #tpu.memory_space<vmem>>, vector<1x16xf32>,
      %swap3A_261 = arith.constant 3 : i32
      %swap3A_262 = arith.index_cast %swap3A_261 : i32 to index
      %swap3A_263 = arith.constant 48 : index
      %swap3A_264 = tpu.vector_load %arg9[%swap3A_262, %swap3A_263] {strides = array<i32>} : memref<4x64xf32, #tpu.memory_space<vmem>>, vector<1x16xf32>,
      %swap3A_265 = vector.shape_cast %swap3A_264 : vector<1x16xf32> to vector<16xf32>
      %swap3A_266 = vector.shape_cast %scan3A_241#3 : vector<16xf32> to vector<1x16xf32>
      tpu.vector_store %arg9[%swap3A_262, %swap3A_263], %swap3A_266 {strides = array<i32>} : memref<4x64xf32, #tpu.memory_space<vmem>>, vector<1x16xf32>,
      %mul3A_267 = arith.constant 4 : i32
      %mul3A_268 = arith.muli %add3A_126, %mul3A_267 : i32
      %add3A_269 = arith.addi %mul3A_2, %mul3A_268 : i32
      %dma_start3A_270 = arith.constant 0 : i32
      %dma_start3A_271 = tpu.memref_slice %arg4[%add3A_269, %dma_start3A_270] : memref<4096x64xf32, #tpu.memory_space<hbm>> -> memref<4x64xf32, #tpu.memory_space<hbm>>
      %dma_start3A_272 = arith.constant 0 : i32
      %dma_start3A_273 = tpu.memref_slice %arg4[%add3A_269, %dma_start3A_272] : memref<4096x64xf32, #tpu.memory_space<hbm>> -> memref<4x64xf32, #tpu.memory_space<hbm>>
      tpu.enqueue_dma source(%arg9 : memref<4x64xf32, #tpu.memory_space<vmem>>) target(%dma_start3A_273 : memref<4x64xf32, #tpu.memory_space<hbm>>) target_semaphore(%arg15 : memref<!tpu.dma_semaphore, #tpu.memory_space<semaphore_mem>>)
      %add3A_274 = arith.constant 2 : i32
      %add3A_275 = arith.addi %add3A_126, %add3A_274 : i32
      %lt3A_276 = arith.constant 32 : i32
      %lt3A_277 = arith.cmpi slt, %add3A_275, %lt3A_276 : i32
      %convert_element_type3A_278 = arith.extui %lt3A_277 : i1 to i32
      %cond3A_279 = arith.constant 0 : i32
      %cond3A_280 = arith.cmpi ne, %convert_element_type3A_278, %cond3A_279 : i32
      scf.if %cond3A_280 {
        %dma_wait3A_445 = arith.constant 0 : i32
        %dma_wait3A_446 = arith.constant 0 : i32
        %dma_wait3A_447 = tpu.memref_slice %arg2[%dma_wait3A_445, %dma_wait3A_446] : memref<4096x200xi32, #tpu.memory_space<hbm>> -> memref<4x200xi32, #tpu.memory_space<hbm>>
        %dma_wait3A_448 = arith.constant 0 : i32
        %dma_wait3A_449 = arith.constant 0 : i32
        %dma_wait3A_450 = tpu.memref_slice %arg2[%dma_wait3A_448, %dma_wait3A_449] : memref<4096x200xi32, #tpu.memory_space<hbm>> -> memref<4x200xi32, #tpu.memory_space<hbm>>
        tpu.wait_dma2 semaphore(%arg13 : memref<!tpu.dma_semaphore, #tpu.memory_space<semaphore_mem>>) src(%dma_wait3A_450 : memref<4x200xi32, #tpu.memory_space<hbm>>) dst(%arg5 : memref<4x200xi32, #tpu.memory_space<vmem>>)
        %add3A_451 = arith.constant 2 : i32
        %add3A_452 = arith.addi %add3A_126, %add3A_451 : i32
        %dma_start3A_453 = arith.constant 0 : i32
        %dma_start3A_454 = arith.constant 0 : i32
        %dma_start3A_455 = arith.constant 0 : i32
        %dma_start3A_456 = tpu.memref_slice %arg7[%dma_start3A_454, %dma_start3A_455] : memref<800x64xf32, #tpu.memory_space<vmem>> -> memref<200x64xf32, #tpu.memory_space<vmem>>
        %dma_start3A_457 = arith.constant 0 : i32
        %dma_start3A_458 = tpu.memref_slice %arg5[%dma_start3A_453, %dma_start3A_457] : memref<4x200xi32, #tpu.memory_space<vmem>> -> memref<1x200xi32, #tpu.memory_space<vmem>>
        %dma_start3A_459 = tpu.memref_squeeze %dma_start3A_458 : memref<1x200xi32, #tpu.memory_space<vmem>> -> memref<200xi32, #tpu.memory_space<vmem>>
        %dma_start3A_460 = arith.constant 0 : i32
        %dma_start3A_461 = arith.constant 0 : i32
        %dma_start3A_462 = tpu.memref_slice %arg3[%dma_start3A_460, %dma_start3A_461] : memref<1000000x64xf32, #tpu.memory_space<hbm>> -> memref<1000000x64xf32, #tpu.memory_space<hbm>>
        tpu.enqueue_indirect_dma source(%dma_start3A_462 : memref<1000000x64xf32, #tpu.memory_space<hbm>>) target(%dma_start3A_456 : memref<200x64xf32, #tpu.memory_space<vmem>>) offsets(%dma_start3A_459 : memref<200xi32, #tpu.memory_space<vmem>>) semaphore(%arg11 : memref<!tpu.dma_semaphore, #tpu.memory_space<semaphore_mem>>)
        %dma_start3A_463 = arith.constant 1 : i32
        %dma_start3A_464 = arith.constant 200 : i32
        %dma_start3A_465 = arith.constant 0 : i32
        %dma_start3A_466 = tpu.memref_slice %arg7[%dma_start3A_464, %dma_start3A_465] : memref<800x64xf32, #tpu.memory_space<vmem>> -> memref<200x64xf32, #tpu.memory_space<vmem>>
        %dma_start3A_467 = arith.constant 0 : i32
        %dma_start3A_468 = tpu.memref_slice %arg5[%dma_start3A_463, %dma_start3A_467] : memref<4x200xi32, #tpu.memory_space<vmem>> -> memref<1x200xi32, #tpu.memory_space<vmem>>
        %dma_start3A_469 = tpu.memref_squeeze %dma_start3A_468 : memref<1x200xi32, #tpu.memory_space<vmem>> -> memref<200xi32, #tpu.memory_space<vmem>>
        %dma_start3A_470 = arith.constant 0 : i32
        %dma_start3A_471 = arith.constant 0 : i32
        %dma_start3A_472 = tpu.memref_slice %arg3[%dma_start3A_470, %dma_start3A_471] : memref<1000000x64xf32, #tpu.memory_space<hbm>> -> memref<1000000x64xf32, #tpu.memory_space<hbm>>
        tpu.enqueue_indirect_dma source(%dma_start3A_472 : memref<1000000x64xf32, #tpu.memory_space<hbm>>) target(%dma_start3A_466 : memref<200x64xf32, #tpu.memory_space<vmem>>) offsets(%dma_start3A_469 : memref<200xi32, #tpu.memory_space<vmem>>) semaphore(%arg11 : memref<!tpu.dma_semaphore, #tpu.memory_space<semaphore_mem>>)
        %dma_start3A_473 = arith.constant 2 : i32
        %dma_start3A_474 = arith.constant 400 : i32
        %dma_start3A_475 = arith.constant 0 : i32
        %dma_start3A_476 = tpu.memref_slice %arg7[%dma_start3A_474, %dma_start3A_475] : memref<800x64xf32, #tpu.memory_space<vmem>> -> memref<200x64xf32, #tpu.memory_space<vmem>>
        %dma_start3A_477 = arith.constant 0 : i32
        %dma_start3A_478 = tpu.memref_slice %arg5[%dma_start3A_473, %dma_start3A_477] : memref<4x200xi32, #tpu.memory_space<vmem>> -> memref<1x200xi32, #tpu.memory_space<vmem>>
        %dma_start3A_479 = tpu.memref_squeeze %dma_start3A_478 : memref<1x200xi32, #tpu.memory_space<vmem>> -> memref<200xi32, #tpu.memory_space<vmem>>
        %dma_start3A_480 = arith.constant 0 : i32
        %dma_start3A_481 = arith.constant 0 : i32
        %dma_start3A_482 = tpu.memref_slice %arg3[%dma_start3A_480, %dma_start3A_481] : memref<1000000x64xf32, #tpu.memory_space<hbm>> -> memref<1000000x64xf32, #tpu.memory_space<hbm>>
        tpu.enqueue_indirect_dma source(%dma_start3A_482 : memref<1000000x64xf32, #tpu.memory_space<hbm>>) target(%dma_start3A_476 : memref<200x64xf32, #tpu.memory_space<vmem>>) offsets(%dma_start3A_479 : memref<200xi32, #tpu.memory_space<vmem>>) semaphore(%arg11 : memref<!tpu.dma_semaphore, #tpu.memory_space<semaphore_mem>>)
        %dma_start3A_483 = arith.constant 3 : i32
        %dma_start3A_484 = arith.constant 600 : i32
        %dma_start3A_485 = arith.constant 0 : i32
        %dma_start3A_486 = tpu.memref_slice %arg7[%dma_start3A_484, %dma_start3A_485] : memref<800x64xf32, #tpu.memory_space<vmem>> -> memref<200x64xf32, #tpu.memory_space<vmem>>
        %dma_start3A_487 = arith.constant 0 : i32
        %dma_start3A_488 = tpu.memref_slice %arg5[%dma_start3A_483, %dma_start3A_487] : memref<4x200xi32, #tpu.memory_space<vmem>> -> memref<1x200xi32, #tpu.memory_space<vmem>>
        %dma_start3A_489 = tpu.memref_squeeze %dma_start3A_488 : memref<1x200xi32, #tpu.memory_space<vmem>> -> memref<200xi32, #tpu.memory_space<vmem>>
        %dma_start3A_490 = arith.constant 0 : i32
        %dma_start3A_491 = arith.constant 0 : i32
        %dma_start3A_492 = tpu.memref_slice %arg3[%dma_start3A_490, %dma_start3A_491] : memref<1000000x64xf32, #tpu.memory_space<hbm>> -> memref<1000000x64xf32, #tpu.memory_space<hbm>>
        tpu.enqueue_indirect_dma source(%dma_start3A_492 : memref<1000000x64xf32, #tpu.memory_space<hbm>>) target(%dma_start3A_486 : memref<200x64xf32, #tpu.memory_space<vmem>>) offsets(%dma_start3A_489 : memref<200xi32, #tpu.memory_space<vmem>>) semaphore(%arg11 : memref<!tpu.dma_semaphore, #tpu.memory_space<semaphore_mem>>)
      } else {
      }
      %mul3A_281 = arith.constant 2 : i32
      %mul3A_282 = arith.muli %mul3A_281, %scan3A_122 : i32
      %add3A_283 = arith.constant 1 : i32
      %add3A_284 = arith.addi %mul3A_282, %add3A_283 : i32
      %dma_wait3A_285 = arith.constant 0 : i32
      %dma_wait3A_286 = arith.constant 0 : i32
      %dma_wait3A_287 = tpu.memref_slice %arg3[%dma_wait3A_285, %dma_wait3A_286] : memref<1000000x64xf32, #tpu.memory_space<hbm>> -> memref<800x64xf32, #tpu.memory_space<hbm>>
      %dma_wait3A_288 = arith.constant 0 : i32
      %dma_wait3A_289 = arith.constant 0 : i32
      %dma_wait3A_290 = tpu.memref_slice %arg3[%dma_wait3A_288, %dma_wait3A_289] : memref<1000000x64xf32, #tpu.memory_space<hbm>> -> memref<800x64xf32, #tpu.memory_space<hbm>>
      tpu.wait_dma2 semaphore(%arg12 : memref<!tpu.dma_semaphore, #tpu.memory_space<semaphore_mem>>) src(%dma_wait3A_290 : memref<800x64xf32, #tpu.memory_space<hbm>>) dst(%arg8 : memref<800x64xf32, #tpu.memory_space<vmem>>)
      %add3A_291 = arith.constant 2 : i32
      %add3A_292 = arith.addi %add3A_284, %add3A_291 : i32
      %lt3A_293 = arith.constant 32 : i32
      %lt3A_294 = arith.cmpi slt, %add3A_292, %lt3A_293 : i32
      %convert_element_type3A_295 = arith.extui %lt3A_294 : i1 to i32
      %cond3A_296 = arith.constant 0 : i32
      %cond3A_297 = arith.cmpi ne, %convert_element_type3A_295, %cond3A_296 : i32
      scf.if %cond3A_297 {
        %add3A_445 = arith.constant 2 : i32
        %add3A_446 = arith.addi %add3A_284, %add3A_445 : i32
        %mul3A_447 = arith.constant 4 : i32
        %mul3A_448 = arith.muli %add3A_446, %mul3A_447 : i32
        %add3A_449 = arith.addi %mul3A_2, %mul3A_448 : i32
        %dma_start3A_450 = arith.constant 0 : i32
        %dma_start3A_451 = tpu.memref_slice %arg2[%add3A_449, %dma_start3A_450] : memref<4096x200xi32, #tpu.memory_space<hbm>> -> memref<4x200xi32, #tpu.memory_space<hbm>>
        %dma_start3A_452 = arith.constant 0 : i32
        %dma_start3A_453 = tpu.memref_slice %arg2[%add3A_449, %dma_start3A_452] : memref<4096x200xi32, #tpu.memory_space<hbm>> -> memref<4x200xi32, #tpu.memory_space<hbm>>
        tpu.enqueue_dma source(%dma_start3A_453 : memref<4x200xi32, #tpu.memory_space<hbm>>) target(%arg6 : memref<4x200xi32, #tpu.memory_space<vmem>>) target_semaphore(%arg14 : memref<!tpu.dma_semaphore, #tpu.memory_space<semaphore_mem>>)
      } else {
      }
      %ge3A_298 = arith.constant 2 : i32
      %ge3A_299 = arith.cmpi sge, %add3A_284, %ge3A_298 : i32
      %convert_element_type3A_300 = arith.extui %ge3A_299 : i1 to i32
      %cond3A_301 = arith.constant 0 : i32
      %cond3A_302 = arith.cmpi ne, %convert_element_type3A_300, %cond3A_301 : i32
      scf.if %cond3A_302 {
        %dma_wait3A_445 = arith.constant 0 : i32
        %dma_wait3A_446 = arith.constant 0 : i32
        %dma_wait3A_447 = tpu.memref_slice %arg4[%dma_wait3A_445, %dma_wait3A_446] : memref<4096x64xf32, #tpu.memory_space<hbm>> -> memref<4x64xf32, #tpu.memory_space<hbm>>
        %dma_wait3A_448 = arith.constant 0 : i32
        %dma_wait3A_449 = arith.constant 0 : i32
        %dma_wait3A_450 = tpu.memref_slice %arg4[%dma_wait3A_448, %dma_wait3A_449] : memref<4096x64xf32, #tpu.memory_space<hbm>> -> memref<4x64xf32, #tpu.memory_space<hbm>>
        tpu.wait_dma2 semaphore(%arg16 : memref<!tpu.dma_semaphore, #tpu.memory_space<semaphore_mem>>) src(%arg10 : memref<4x64xf32, #tpu.memory_space<vmem>>) dst(%dma_wait3A_450 : memref<4x64xf32, #tpu.memory_space<hbm>>)
      } else {
      }
      %broadcast_in_dim3A_303 = arith.constant 0.000000e+00 : f32
      %broadcast_in_dim3A_304 = vector.broadcast %broadcast_in_dim3A_303 : f32 to vector<16xf32>
      %scan3A_305 = arith.constant 0 : i32
      %scan3A_306 = arith.constant 100 : i32
      %scan3A_307 = arith.addi %scan3A_305, %scan3A_306 : i32
      %scan3A_308 = arith.constant 4 : i32
      %scan3A_309:4 = scf.for %scan3A_445 = %scan3A_305 to %scan3A_307 step %scan3A_308 iter_args(%scan3A_446 = %broadcast_in_dim3A_304, %scan3A_447 = %broadcast_in_dim3A_304, %scan3A_448 = %broadcast_in_dim3A_304, %scan3A_449 = %broadcast_in_dim3A_304) -> (vector<16xf32>, vector<16xf32>, vector<16xf32>, vector<16xf32>)  : i32 {
        %mul3A_450 = arith.constant 2 : i32
        %mul3A_451 = arith.muli %mul3A_450, %scan3A_445 : i32
        %add3A_452 = arith.constant 0 : i32
        %add3A_453 = arith.addi %add3A_452, %mul3A_451 : i32
        %get3A = arith.index_cast %add3A_453 : i32 to index
        %get3A_454 = arith.constant 0 : index
        %get3A_455 = tpu.vector_load %arg8[%get3A, %get3A_454] {strides = array<i32>} : memref<800x64xf32, #tpu.memory_space<vmem>>, vector<1x16xf32>,
        %get3A_456 = vector.shape_cast %get3A_455 : vector<1x16xf32> to vector<16xf32>
        %add3A_457 = arith.addf %scan3A_446, %get3A_456 : vector<16xf32>
        %add3A_458 = arith.constant 1 : i32
        %add3A_459 = arith.addi %add3A_453, %add3A_458 : i32
        %get3A_460 = arith.index_cast %add3A_459 : i32 to index
        %get3A_461 = arith.constant 0 : index
        %get3A_462 = tpu.vector_load %arg8[%get3A_460, %get3A_461] {strides = array<i32>} : memref<800x64xf32, #tpu.memory_space<vmem>>, vector<1x16xf32>,
        %get3A_463 = vector.shape_cast %get3A_462 : vector<1x16xf32> to vector<16xf32>
        %add3A_464 = arith.addf %add3A_457, %get3A_463 : vector<16xf32>
        %get3A_465 = arith.index_cast %add3A_453 : i32 to index
        %get3A_466 = arith.constant 16 : index
        %get3A_467 = tpu.vector_load %arg8[%get3A_465, %get3A_466] {strides = array<i32>} : memref<800x64xf32, #tpu.memory_space<vmem>>, vector<1x16xf32>,
        %get3A_468 = vector.shape_cast %get3A_467 : vector<1x16xf32> to vector<16xf32>
        %add3A_469 = arith.addf %scan3A_447, %get3A_468 : vector<16xf32>
        %add3A_470 = arith.constant 1 : i32
        %add3A_471 = arith.addi %add3A_453, %add3A_470 : i32
        %get3A_472 = arith.index_cast %add3A_471 : i32 to index
        %get3A_473 = arith.constant 16 : index
        %get3A_474 = tpu.vector_load %arg8[%get3A_472, %get3A_473] {strides = array<i32>} : memref<800x64xf32, #tpu.memory_space<vmem>>, vector<1x16xf32>,
        %get3A_475 = vector.shape_cast %get3A_474 : vector<1x16xf32> to vector<16xf32>
        %add3A_476 = arith.addf %add3A_469, %get3A_475 : vector<16xf32>
        %get3A_477 = arith.index_cast %add3A_453 : i32 to index
        %get3A_478 = arith.constant 32 : index
        %get3A_479 = tpu.vector_load %arg8[%get3A_477, %get3A_478] {strides = array<i32>} : memref<800x64xf32, #tpu.memory_space<vmem>>, vector<1x16xf32>,
        %get3A_480 = vector.shape_cast %get3A_479 : vector<1x16xf32> to vector<16xf32>
        %add3A_481 = arith.addf %scan3A_448, %get3A_480 : vector<16xf32>
        %add3A_482 = arith.constant 1 : i32
        %add3A_483 = arith.addi %add3A_453, %add3A_482 : i32
        %get3A_484 = arith.index_cast %add3A_483 : i32 to index
        %get3A_485 = arith.constant 32 : index
        %get3A_486 = tpu.vector_load %arg8[%get3A_484, %get3A_485] {strides = array<i32>} : memref<800x64xf32, #tpu.memory_space<vmem>>, vector<1x16xf32>,
        %get3A_487 = vector.shape_cast %get3A_486 : vector<1x16xf32> to vector<16xf32>
        %add3A_488 = arith.addf %add3A_481, %get3A_487 : vector<16xf32>
        %get3A_489 = arith.index_cast %add3A_453 : i32 to index
        %get3A_490 = arith.constant 48 : index
        %get3A_491 = tpu.vector_load %arg8[%get3A_489, %get3A_490] {strides = array<i32>} : memref<800x64xf32, #tpu.memory_space<vmem>>, vector<1x16xf32>,
        %get3A_492 = vector.shape_cast %get3A_491 : vector<1x16xf32> to vector<16xf32>
        %add3A_493 = arith.addf %scan3A_449, %get3A_492 : vector<16xf32>
        %add3A_494 = arith.constant 1 : i32
        %add3A_495 = arith.addi %add3A_453, %add3A_494 : i32
        %get3A_496 = arith.index_cast %add3A_495 : i32 to index
        %get3A_497 = arith.constant 48 : index
        %get3A_498 = tpu.vector_load %arg8[%get3A_496, %get3A_497] {strides = array<i32>} : memref<800x64xf32, #tpu.memory_space<vmem>>, vector<1x16xf32>,
        %get3A_499 = vector.shape_cast %get3A_498 : vector<1x16xf32> to vector<16xf32>
        %add3A_500 = arith.addf %add3A_493, %get3A_499 : vector<16xf32>
        %scan3A_501 = arith.constant 1 : i32
        %scan3A_502 = arith.addi %scan3A_445, %scan3A_501 : i32
        %mul3A_503 = arith.constant 2 : i32
        %mul3A_504 = arith.muli %mul3A_503, %scan3A_502 : i32
        %add3A_505 = arith.constant 0 : i32
        %add3A_506 = arith.addi %add3A_505, %mul3A_504 : i32
        %get3A_507 = arith.index_cast %add3A_506 : i32 to index
        %get3A_508 = arith.constant 0 : index
        %get3A_509 = tpu.vector_load %arg8[%get3A_507, %get3A_508] {strides = array<i32>} : memref<800x64xf32, #tpu.memory_space<vmem>>, vector<1x16xf32>,
        %get3A_510 = vector.shape_cast %get3A_509 : vector<1x16xf32> to vector<16xf32>
        %add3A_511 = arith.addf %add3A_464, %get3A_510 : vector<16xf32>
        %add3A_512 = arith.constant 1 : i32
        %add3A_513 = arith.addi %add3A_506, %add3A_512 : i32
        %get3A_514 = arith.index_cast %add3A_513 : i32 to index
        %get3A_515 = arith.constant 0 : index
        %get3A_516 = tpu.vector_load %arg8[%get3A_514, %get3A_515] {strides = array<i32>} : memref<800x64xf32, #tpu.memory_space<vmem>>, vector<1x16xf32>,
        %get3A_517 = vector.shape_cast %get3A_516 : vector<1x16xf32> to vector<16xf32>
        %add3A_518 = arith.addf %add3A_511, %get3A_517 : vector<16xf32>
        %get3A_519 = arith.index_cast %add3A_506 : i32 to index
        %get3A_520 = arith.constant 16 : index
        %get3A_521 = tpu.vector_load %arg8[%get3A_519, %get3A_520] {strides = array<i32>} : memref<800x64xf32, #tpu.memory_space<vmem>>, vector<1x16xf32>,
        %get3A_522 = vector.shape_cast %get3A_521 : vector<1x16xf32> to vector<16xf32>
        %add3A_523 = arith.addf %add3A_476, %get3A_522 : vector<16xf32>
        %add3A_524 = arith.constant 1 : i32
        %add3A_525 = arith.addi %add3A_506, %add3A_524 : i32
        %get3A_526 = arith.index_cast %add3A_525 : i32 to index
        %get3A_527 = arith.constant 16 : index
        %get3A_528 = tpu.vector_load %arg8[%get3A_526, %get3A_527] {strides = array<i32>} : memref<800x64xf32, #tpu.memory_space<vmem>>, vector<1x16xf32>,
        %get3A_529 = vector.shape_cast %get3A_528 : vector<1x16xf32> to vector<16xf32>
        %add3A_530 = arith.addf %add3A_523, %get3A_529 : vector<16xf32>
        %get3A_531 = arith.index_cast %add3A_506 : i32 to index
        %get3A_532 = arith.constant 32 : index
        %get3A_533 = tpu.vector_load %arg8[%get3A_531, %get3A_532] {strides = array<i32>} : memref<800x64xf32, #tpu.memory_space<vmem>>, vector<1x16xf32>,
        %get3A_534 = vector.shape_cast %get3A_533 : vector<1x16xf32> to vector<16xf32>
        %add3A_535 = arith.addf %add3A_488, %get3A_534 : vector<16xf32>
        %add3A_536 = arith.constant 1 : i32
        %add3A_537 = arith.addi %add3A_506, %add3A_536 : i32
        %get3A_538 = arith.index_cast %add3A_537 : i32 to index
        %get3A_539 = arith.constant 32 : index
        %get3A_540 = tpu.vector_load %arg8[%get3A_538, %get3A_539] {strides = array<i32>} : memref<800x64xf32, #tpu.memory_space<vmem>>, vector<1x16xf32>,
        %get3A_541 = vector.shape_cast %get3A_540 : vector<1x16xf32> to vector<16xf32>
        %add3A_542 = arith.addf %add3A_535, %get3A_541 : vector<16xf32>
        %get3A_543 = arith.index_cast %add3A_506 : i32 to index
        %get3A_544 = arith.constant 48 : index
        %get3A_545 = tpu.vector_load %arg8[%get3A_543, %get3A_544] {strides = array<i32>} : memref<800x64xf32, #tpu.memory_space<vmem>>, vector<1x16xf32>,
        %get3A_546 = vector.shape_cast %get3A_545 : vector<1x16xf32> to vector<16xf32>
        %add3A_547 = arith.addf %add3A_500, %get3A_546 : vector<16xf32>
        %add3A_548 = arith.constant 1 : i32
        %add3A_549 = arith.addi %add3A_506, %add3A_548 : i32
        %get3A_550 = arith.index_cast %add3A_549 : i32 to index
        %get3A_551 = arith.constant 48 : index
        %get3A_552 = tpu.vector_load %arg8[%get3A_550, %get3A_551] {strides = array<i32>} : memref<800x64xf32, #tpu.memory_space<vmem>>, vector<1x16xf32>,
        %get3A_553 = vector.shape_cast %get3A_552 : vector<1x16xf32> to vector<16xf32>
        %add3A_554 = arith.addf %add3A_547, %get3A_553 : vector<16xf32>
        %scan3A_555 = arith.constant 2 : i32
        %scan3A_556 = arith.addi %scan3A_445, %scan3A_555 : i32
        %mul3A_557 = arith.constant 2 : i32
        %mul3A_558 = arith.muli %mul3A_557, %scan3A_556 : i32
        %add3A_559 = arith.constant 0 : i32
        %add3A_560 = arith.addi %add3A_559, %mul3A_558 : i32
        %get3A_561 = arith.index_cast %add3A_560 : i32 to index
        %get3A_562 = arith.constant 0 : index
        %get3A_563 = tpu.vector_load %arg8[%get3A_561, %get3A_562] {strides = array<i32>} : memref<800x64xf32, #tpu.memory_space<vmem>>, vector<1x16xf32>,
        %get3A_564 = vector.shape_cast %get3A_563 : vector<1x16xf32> to vector<16xf32>
        %add3A_565 = arith.addf %add3A_518, %get3A_564 : vector<16xf32>
        %add3A_566 = arith.constant 1 : i32
        %add3A_567 = arith.addi %add3A_560, %add3A_566 : i32
        %get3A_568 = arith.index_cast %add3A_567 : i32 to index
        %get3A_569 = arith.constant 0 : index
        %get3A_570 = tpu.vector_load %arg8[%get3A_568, %get3A_569] {strides = array<i32>} : memref<800x64xf32, #tpu.memory_space<vmem>>, vector<1x16xf32>,
        %get3A_571 = vector.shape_cast %get3A_570 : vector<1x16xf32> to vector<16xf32>
        %add3A_572 = arith.addf %add3A_565, %get3A_571 : vector<16xf32>
        %get3A_573 = arith.index_cast %add3A_560 : i32 to index
        %get3A_574 = arith.constant 16 : index
        %get3A_575 = tpu.vector_load %arg8[%get3A_573, %get3A_574] {strides = array<i32>} : memref<800x64xf32, #tpu.memory_space<vmem>>, vector<1x16xf32>,
        %get3A_576 = vector.shape_cast %get3A_575 : vector<1x16xf32> to vector<16xf32>
        %add3A_577 = arith.addf %add3A_530, %get3A_576 : vector<16xf32>
        %add3A_578 = arith.constant 1 : i32
        %add3A_579 = arith.addi %add3A_560, %add3A_578 : i32
        %get3A_580 = arith.index_cast %add3A_579 : i32 to index
        %get3A_581 = arith.constant 16 : index
        %get3A_582 = tpu.vector_load %arg8[%get3A_580, %get3A_581] {strides = array<i32>} : memref<800x64xf32, #tpu.memory_space<vmem>>, vector<1x16xf32>,
        %get3A_583 = vector.shape_cast %get3A_582 : vector<1x16xf32> to vector<16xf32>
        %add3A_584 = arith.addf %add3A_577, %get3A_583 : vector<16xf32>
        %get3A_585 = arith.index_cast %add3A_560 : i32 to index
        %get3A_586 = arith.constant 32 : index
        %get3A_587 = tpu.vector_load %arg8[%get3A_585, %get3A_586] {strides = array<i32>} : memref<800x64xf32, #tpu.memory_space<vmem>>, vector<1x16xf32>,
        %get3A_588 = vector.shape_cast %get3A_587 : vector<1x16xf32> to vector<16xf32>
        %add3A_589 = arith.addf %add3A_542, %get3A_588 : vector<16xf32>
        %add3A_590 = arith.constant 1 : i32
        %add3A_591 = arith.addi %add3A_560, %add3A_590 : i32
        %get3A_592 = arith.index_cast %add3A_591 : i32 to index
        %get3A_593 = arith.constant 32 : index
        %get3A_594 = tpu.vector_load %arg8[%get3A_592, %get3A_593] {strides = array<i32>} : memref<800x64xf32, #tpu.memory_space<vmem>>, vector<1x16xf32>,
        %get3A_595 = vector.shape_cast %get3A_594 : vector<1x16xf32> to vector<16xf32>
        %add3A_596 = arith.addf %add3A_589, %get3A_595 : vector<16xf32>
        %get3A_597 = arith.index_cast %add3A_560 : i32 to index
        %get3A_598 = arith.constant 48 : index
        %get3A_599 = tpu.vector_load %arg8[%get3A_597, %get3A_598] {strides = array<i32>} : memref<800x64xf32, #tpu.memory_space<vmem>>, vector<1x16xf32>,
        %get3A_600 = vector.shape_cast %get3A_599 : vector<1x16xf32> to vector<16xf32>
        %add3A_601 = arith.addf %add3A_554, %get3A_600 : vector<16xf32>
        %add3A_602 = arith.constant 1 : i32
        %add3A_603 = arith.addi %add3A_560, %add3A_602 : i32
        %get3A_604 = arith.index_cast %add3A_603 : i32 to index
        %get3A_605 = arith.constant 48 : index
        %get3A_606 = tpu.vector_load %arg8[%get3A_604, %get3A_605] {strides = array<i32>} : memref<800x64xf32, #tpu.memory_space<vmem>>, vector<1x16xf32>,
        %get3A_607 = vector.shape_cast %get3A_606 : vector<1x16xf32> to vector<16xf32>
        %add3A_608 = arith.addf %add3A_601, %get3A_607 : vector<16xf32>
        %scan3A_609 = arith.constant 3 : i32
        %scan3A_610 = arith.addi %scan3A_445, %scan3A_609 : i32
        %mul3A_611 = arith.constant 2 : i32
        %mul3A_612 = arith.muli %mul3A_611, %scan3A_610 : i32
        %add3A_613 = arith.constant 0 : i32
        %add3A_614 = arith.addi %add3A_613, %mul3A_612 : i32
        %get3A_615 = arith.index_cast %add3A_614 : i32 to index
        %get3A_616 = arith.constant 0 : index
        %get3A_617 = tpu.vector_load %arg8[%get3A_615, %get3A_616] {strides = array<i32>} : memref<800x64xf32, #tpu.memory_space<vmem>>, vector<1x16xf32>,
        %get3A_618 = vector.shape_cast %get3A_617 : vector<1x16xf32> to vector<16xf32>
        %add3A_619 = arith.addf %add3A_572, %get3A_618 : vector<16xf32>
        %add3A_620 = arith.constant 1 : i32
        %add3A_621 = arith.addi %add3A_614, %add3A_620 : i32
        %get3A_622 = arith.index_cast %add3A_621 : i32 to index
        %get3A_623 = arith.constant 0 : index
        %get3A_624 = tpu.vector_load %arg8[%get3A_622, %get3A_623] {strides = array<i32>} : memref<800x64xf32, #tpu.memory_space<vmem>>, vector<1x16xf32>,
        %get3A_625 = vector.shape_cast %get3A_624 : vector<1x16xf32> to vector<16xf32>
        %add3A_626 = arith.addf %add3A_619, %get3A_625 : vector<16xf32>
        %get3A_627 = arith.index_cast %add3A_614 : i32 to index
        %get3A_628 = arith.constant 16 : index
        %get3A_629 = tpu.vector_load %arg8[%get3A_627, %get3A_628] {strides = array<i32>} : memref<800x64xf32, #tpu.memory_space<vmem>>, vector<1x16xf32>,
        %get3A_630 = vector.shape_cast %get3A_629 : vector<1x16xf32> to vector<16xf32>
        %add3A_631 = arith.addf %add3A_584, %get3A_630 : vector<16xf32>
        %add3A_632 = arith.constant 1 : i32
        %add3A_633 = arith.addi %add3A_614, %add3A_632 : i32
        %get3A_634 = arith.index_cast %add3A_633 : i32 to index
        %get3A_635 = arith.constant 16 : index
        %get3A_636 = tpu.vector_load %arg8[%get3A_634, %get3A_635] {strides = array<i32>} : memref<800x64xf32, #tpu.memory_space<vmem>>, vector<1x16xf32>,
        %get3A_637 = vector.shape_cast %get3A_636 : vector<1x16xf32> to vector<16xf32>
        %add3A_638 = arith.addf %add3A_631, %get3A_637 : vector<16xf32>
        %get3A_639 = arith.index_cast %add3A_614 : i32 to index
        %get3A_640 = arith.constant 32 : index
        %get3A_641 = tpu.vector_load %arg8[%get3A_639, %get3A_640] {strides = array<i32>} : memref<800x64xf32, #tpu.memory_space<vmem>>, vector<1x16xf32>,
        %get3A_642 = vector.shape_cast %get3A_641 : vector<1x16xf32> to vector<16xf32>
        %add3A_643 = arith.addf %add3A_596, %get3A_642 : vector<16xf32>
        %add3A_644 = arith.constant 1 : i32
        %add3A_645 = arith.addi %add3A_614, %add3A_644 : i32
        %get3A_646 = arith.index_cast %add3A_645 : i32 to index
        %get3A_647 = arith.constant 32 : index
        %get3A_648 = tpu.vector_load %arg8[%get3A_646, %get3A_647] {strides = array<i32>} : memref<800x64xf32, #tpu.memory_space<vmem>>, vector<1x16xf32>,
        %get3A_649 = vector.shape_cast %get3A_648 : vector<1x16xf32> to vector<16xf32>
        %add3A_650 = arith.addf %add3A_643, %get3A_649 : vector<16xf32>
        %get3A_651 = arith.index_cast %add3A_614 : i32 to index
        %get3A_652 = arith.constant 48 : index
        %get3A_653 = tpu.vector_load %arg8[%get3A_651, %get3A_652] {strides = array<i32>} : memref<800x64xf32, #tpu.memory_space<vmem>>, vector<1x16xf32>,
        %get3A_654 = vector.shape_cast %get3A_653 : vector<1x16xf32> to vector<16xf32>
        %add3A_655 = arith.addf %add3A_608, %get3A_654 : vector<16xf32>
        %add3A_656 = arith.constant 1 : i32
        %add3A_657 = arith.addi %add3A_614, %add3A_656 : i32
        %get3A_658 = arith.index_cast %add3A_657 : i32 to index
        %get3A_659 = arith.constant 48 : index
        %get3A_660 = tpu.vector_load %arg8[%get3A_658, %get3A_659] {strides = array<i32>} : memref<800x64xf32, #tpu.memory_space<vmem>>, vector<1x16xf32>,
        %get3A_661 = vector.shape_cast %get3A_660 : vector<1x16xf32> to vector<16xf32>
        %add3A_662 = arith.addf %add3A_655, %get3A_661 : vector<16xf32>
        scf.yield %add3A_626, %add3A_638, %add3A_650, %add3A_662 : vector<16xf32>, vector<16xf32>, vector<16xf32>, vector<16xf32>
      }
      %scan3A_310 = arith.constant 100 : i32
      %swap3A_311 = arith.constant 0 : i32
      %swap3A_312 = arith.index_cast %swap3A_311 : i32 to index
      %swap3A_313 = arith.constant 0 : index
      %swap3A_314 = tpu.vector_load %arg10[%swap3A_312, %swap3A_313] {strides = array<i32>} : memref<4x64xf32, #tpu.memory_space<vmem>>, vector<1x16xf32>,
      %swap3A_315 = vector.shape_cast %swap3A_314 : vector<1x16xf32> to vector<16xf32>
      %swap3A_316 = vector.shape_cast %scan3A_309#0 : vector<16xf32> to vector<1x16xf32>
      tpu.vector_store %arg10[%swap3A_312, %swap3A_313], %swap3A_316 {strides = array<i32>} : memref<4x64xf32, #tpu.memory_space<vmem>>, vector<1x16xf32>,
      %swap3A_317 = arith.constant 0 : i32
      %swap3A_318 = arith.index_cast %swap3A_317 : i32 to index
      %swap3A_319 = arith.constant 16 : index
      %swap3A_320 = tpu.vector_load %arg10[%swap3A_318, %swap3A_319] {strides = array<i32>} : memref<4x64xf32, #tpu.memory_space<vmem>>, vector<1x16xf32>,
      %swap3A_321 = vector.shape_cast %swap3A_320 : vector<1x16xf32> to vector<16xf32>
      %swap3A_322 = vector.shape_cast %scan3A_309#1 : vector<16xf32> to vector<1x16xf32>
      tpu.vector_store %arg10[%swap3A_318, %swap3A_319], %swap3A_322 {strides = array<i32>} : memref<4x64xf32, #tpu.memory_space<vmem>>, vector<1x16xf32>,
      %swap3A_323 = arith.constant 0 : i32
      %swap3A_324 = arith.index_cast %swap3A_323 : i32 to index
      %swap3A_325 = arith.constant 32 : index
      %swap3A_326 = tpu.vector_load %arg10[%swap3A_324, %swap3A_325] {strides = array<i32>} : memref<4x64xf32, #tpu.memory_space<vmem>>, vector<1x16xf32>,
      %swap3A_327 = vector.shape_cast %swap3A_326 : vector<1x16xf32> to vector<16xf32>
      %swap3A_328 = vector.shape_cast %scan3A_309#2 : vector<16xf32> to vector<1x16xf32>
      tpu.vector_store %arg10[%swap3A_324, %swap3A_325], %swap3A_328 {strides = array<i32>} : memref<4x64xf32, #tpu.memory_space<vmem>>, vector<1x16xf32>,
      %swap3A_329 = arith.constant 0 : i32
      %swap3A_330 = arith.index_cast %swap3A_329 : i32 to index
      %swap3A_331 = arith.constant 48 : index
      %swap3A_332 = tpu.vector_load %arg10[%swap3A_330, %swap3A_331] {strides = array<i32>} : memref<4x64xf32, #tpu.memory_space<vmem>>, vector<1x16xf32>,
      %swap3A_333 = vector.shape_cast %swap3A_332 : vector<1x16xf32> to vector<16xf32>
      %swap3A_334 = vector.shape_cast %scan3A_309#3 : vector<16xf32> to vector<1x16xf32>
      tpu.vector_store %arg10[%swap3A_330, %swap3A_331], %swap3A_334 {strides = array<i32>} : memref<4x64xf32, #tpu.memory_space<vmem>>, vector<1x16xf32>,
      %broadcast_in_dim3A_335 = arith.constant 0.000000e+00 : f32
      %broadcast_in_dim3A_336 = vector.broadcast %broadcast_in_dim3A_335 : f32 to vector<16xf32>
      %scan3A_337 = arith.constant 0 : i32
      %scan3A_338 = arith.constant 100 : i32
      %scan3A_339 = arith.addi %scan3A_337, %scan3A_338 : i32
      %scan3A_340 = arith.constant 4 : i32
      %scan3A_341:4 = scf.for %scan3A_445 = %scan3A_337 to %scan3A_339 step %scan3A_340 iter_args(%scan3A_446 = %broadcast_in_dim3A_336, %scan3A_447 = %broadcast_in_dim3A_336, %scan3A_448 = %broadcast_in_dim3A_336, %scan3A_449 = %broadcast_in_dim3A_336) -> (vector<16xf32>, vector<16xf32>, vector<16xf32>, vector<16xf32>)  : i32 {
        %mul3A_450 = arith.constant 2 : i32
        %mul3A_451 = arith.muli %mul3A_450, %scan3A_445 : i32
        %add3A_452 = arith.constant 200 : i32
        %add3A_453 = arith.addi %add3A_452, %mul3A_451 : i32
        %get3A = arith.index_cast %add3A_453 : i32 to index
        %get3A_454 = arith.constant 0 : index
        %get3A_455 = tpu.vector_load %arg8[%get3A, %get3A_454] {strides = array<i32>} : memref<800x64xf32, #tpu.memory_space<vmem>>, vector<1x16xf32>,
        %get3A_456 = vector.shape_cast %get3A_455 : vector<1x16xf32> to vector<16xf32>
        %add3A_457 = arith.addf %scan3A_446, %get3A_456 : vector<16xf32>
        %add3A_458 = arith.constant 1 : i32
        %add3A_459 = arith.addi %add3A_453, %add3A_458 : i32
        %get3A_460 = arith.index_cast %add3A_459 : i32 to index
        %get3A_461 = arith.constant 0 : index
        %get3A_462 = tpu.vector_load %arg8[%get3A_460, %get3A_461] {strides = array<i32>} : memref<800x64xf32, #tpu.memory_space<vmem>>, vector<1x16xf32>,
        %get3A_463 = vector.shape_cast %get3A_462 : vector<1x16xf32> to vector<16xf32>
        %add3A_464 = arith.addf %add3A_457, %get3A_463 : vector<16xf32>
        %get3A_465 = arith.index_cast %add3A_453 : i32 to index
        %get3A_466 = arith.constant 16 : index
        %get3A_467 = tpu.vector_load %arg8[%get3A_465, %get3A_466] {strides = array<i32>} : memref<800x64xf32, #tpu.memory_space<vmem>>, vector<1x16xf32>,
        %get3A_468 = vector.shape_cast %get3A_467 : vector<1x16xf32> to vector<16xf32>
        %add3A_469 = arith.addf %scan3A_447, %get3A_468 : vector<16xf32>
        %add3A_470 = arith.constant 1 : i32
        %add3A_471 = arith.addi %add3A_453, %add3A_470 : i32
        %get3A_472 = arith.index_cast %add3A_471 : i32 to index
        %get3A_473 = arith.constant 16 : index
        %get3A_474 = tpu.vector_load %arg8[%get3A_472, %get3A_473] {strides = array<i32>} : memref<800x64xf32, #tpu.memory_space<vmem>>, vector<1x16xf32>,
        %get3A_475 = vector.shape_cast %get3A_474 : vector<1x16xf32> to vector<16xf32>
        %add3A_476 = arith.addf %add3A_469, %get3A_475 : vector<16xf32>
        %get3A_477 = arith.index_cast %add3A_453 : i32 to index
        %get3A_478 = arith.constant 32 : index
        %get3A_479 = tpu.vector_load %arg8[%get3A_477, %get3A_478] {strides = array<i32>} : memref<800x64xf32, #tpu.memory_space<vmem>>, vector<1x16xf32>,
        %get3A_480 = vector.shape_cast %get3A_479 : vector<1x16xf32> to vector<16xf32>
        %add3A_481 = arith.addf %scan3A_448, %get3A_480 : vector<16xf32>
        %add3A_482 = arith.constant 1 : i32
        %add3A_483 = arith.addi %add3A_453, %add3A_482 : i32
        %get3A_484 = arith.index_cast %add3A_483 : i32 to index
        %get3A_485 = arith.constant 32 : index
        %get3A_486 = tpu.vector_load %arg8[%get3A_484, %get3A_485] {strides = array<i32>} : memref<800x64xf32, #tpu.memory_space<vmem>>, vector<1x16xf32>,
        %get3A_487 = vector.shape_cast %get3A_486 : vector<1x16xf32> to vector<16xf32>
        %add3A_488 = arith.addf %add3A_481, %get3A_487 : vector<16xf32>
        %get3A_489 = arith.index_cast %add3A_453 : i32 to index
        %get3A_490 = arith.constant 48 : index
        %get3A_491 = tpu.vector_load %arg8[%get3A_489, %get3A_490] {strides = array<i32>} : memref<800x64xf32, #tpu.memory_space<vmem>>, vector<1x16xf32>,
        %get3A_492 = vector.shape_cast %get3A_491 : vector<1x16xf32> to vector<16xf32>
        %add3A_493 = arith.addf %scan3A_449, %get3A_492 : vector<16xf32>
        %add3A_494 = arith.constant 1 : i32
        %add3A_495 = arith.addi %add3A_453, %add3A_494 : i32
        %get3A_496 = arith.index_cast %add3A_495 : i32 to index
        %get3A_497 = arith.constant 48 : index
        %get3A_498 = tpu.vector_load %arg8[%get3A_496, %get3A_497] {strides = array<i32>} : memref<800x64xf32, #tpu.memory_space<vmem>>, vector<1x16xf32>,
        %get3A_499 = vector.shape_cast %get3A_498 : vector<1x16xf32> to vector<16xf32>
        %add3A_500 = arith.addf %add3A_493, %get3A_499 : vector<16xf32>
        %scan3A_501 = arith.constant 1 : i32
        %scan3A_502 = arith.addi %scan3A_445, %scan3A_501 : i32
        %mul3A_503 = arith.constant 2 : i32
        %mul3A_504 = arith.muli %mul3A_503, %scan3A_502 : i32
        %add3A_505 = arith.constant 200 : i32
        %add3A_506 = arith.addi %add3A_505, %mul3A_504 : i32
        %get3A_507 = arith.index_cast %add3A_506 : i32 to index
        %get3A_508 = arith.constant 0 : index
        %get3A_509 = tpu.vector_load %arg8[%get3A_507, %get3A_508] {strides = array<i32>} : memref<800x64xf32, #tpu.memory_space<vmem>>, vector<1x16xf32>,
        %get3A_510 = vector.shape_cast %get3A_509 : vector<1x16xf32> to vector<16xf32>
        %add3A_511 = arith.addf %add3A_464, %get3A_510 : vector<16xf32>
        %add3A_512 = arith.constant 1 : i32
        %add3A_513 = arith.addi %add3A_506, %add3A_512 : i32
        %get3A_514 = arith.index_cast %add3A_513 : i32 to index
        %get3A_515 = arith.constant 0 : index
        %get3A_516 = tpu.vector_load %arg8[%get3A_514, %get3A_515] {strides = array<i32>} : memref<800x64xf32, #tpu.memory_space<vmem>>, vector<1x16xf32>,
        %get3A_517 = vector.shape_cast %get3A_516 : vector<1x16xf32> to vector<16xf32>
        %add3A_518 = arith.addf %add3A_511, %get3A_517 : vector<16xf32>
        %get3A_519 = arith.index_cast %add3A_506 : i32 to index
        %get3A_520 = arith.constant 16 : index
        %get3A_521 = tpu.vector_load %arg8[%get3A_519, %get3A_520] {strides = array<i32>} : memref<800x64xf32, #tpu.memory_space<vmem>>, vector<1x16xf32>,
        %get3A_522 = vector.shape_cast %get3A_521 : vector<1x16xf32> to vector<16xf32>
        %add3A_523 = arith.addf %add3A_476, %get3A_522 : vector<16xf32>
        %add3A_524 = arith.constant 1 : i32
        %add3A_525 = arith.addi %add3A_506, %add3A_524 : i32
        %get3A_526 = arith.index_cast %add3A_525 : i32 to index
        %get3A_527 = arith.constant 16 : index
        %get3A_528 = tpu.vector_load %arg8[%get3A_526, %get3A_527] {strides = array<i32>} : memref<800x64xf32, #tpu.memory_space<vmem>>, vector<1x16xf32>,
        %get3A_529 = vector.shape_cast %get3A_528 : vector<1x16xf32> to vector<16xf32>
        %add3A_530 = arith.addf %add3A_523, %get3A_529 : vector<16xf32>
        %get3A_531 = arith.index_cast %add3A_506 : i32 to index
        %get3A_532 = arith.constant 32 : index
        %get3A_533 = tpu.vector_load %arg8[%get3A_531, %get3A_532] {strides = array<i32>} : memref<800x64xf32, #tpu.memory_space<vmem>>, vector<1x16xf32>,
        %get3A_534 = vector.shape_cast %get3A_533 : vector<1x16xf32> to vector<16xf32>
        %add3A_535 = arith.addf %add3A_488, %get3A_534 : vector<16xf32>
        %add3A_536 = arith.constant 1 : i32
        %add3A_537 = arith.addi %add3A_506, %add3A_536 : i32
        %get3A_538 = arith.index_cast %add3A_537 : i32 to index
        %get3A_539 = arith.constant 32 : index
        %get3A_540 = tpu.vector_load %arg8[%get3A_538, %get3A_539] {strides = array<i32>} : memref<800x64xf32, #tpu.memory_space<vmem>>, vector<1x16xf32>,
        %get3A_541 = vector.shape_cast %get3A_540 : vector<1x16xf32> to vector<16xf32>
        %add3A_542 = arith.addf %add3A_535, %get3A_541 : vector<16xf32>
        %get3A_543 = arith.index_cast %add3A_506 : i32 to index
        %get3A_544 = arith.constant 48 : index
        %get3A_545 = tpu.vector_load %arg8[%get3A_543, %get3A_544] {strides = array<i32>} : memref<800x64xf32, #tpu.memory_space<vmem>>, vector<1x16xf32>,
        %get3A_546 = vector.shape_cast %get3A_545 : vector<1x16xf32> to vector<16xf32>
        %add3A_547 = arith.addf %add3A_500, %get3A_546 : vector<16xf32>
        %add3A_548 = arith.constant 1 : i32
        %add3A_549 = arith.addi %add3A_506, %add3A_548 : i32
        %get3A_550 = arith.index_cast %add3A_549 : i32 to index
        %get3A_551 = arith.constant 48 : index
        %get3A_552 = tpu.vector_load %arg8[%get3A_550, %get3A_551] {strides = array<i32>} : memref<800x64xf32, #tpu.memory_space<vmem>>, vector<1x16xf32>,
        %get3A_553 = vector.shape_cast %get3A_552 : vector<1x16xf32> to vector<16xf32>
        %add3A_554 = arith.addf %add3A_547, %get3A_553 : vector<16xf32>
        %scan3A_555 = arith.constant 2 : i32
        %scan3A_556 = arith.addi %scan3A_445, %scan3A_555 : i32
        %mul3A_557 = arith.constant 2 : i32
        %mul3A_558 = arith.muli %mul3A_557, %scan3A_556 : i32
        %add3A_559 = arith.constant 200 : i32
        %add3A_560 = arith.addi %add3A_559, %mul3A_558 : i32
        %get3A_561 = arith.index_cast %add3A_560 : i32 to index
        %get3A_562 = arith.constant 0 : index
        %get3A_563 = tpu.vector_load %arg8[%get3A_561, %get3A_562] {strides = array<i32>} : memref<800x64xf32, #tpu.memory_space<vmem>>, vector<1x16xf32>,
        %get3A_564 = vector.shape_cast %get3A_563 : vector<1x16xf32> to vector<16xf32>
        %add3A_565 = arith.addf %add3A_518, %get3A_564 : vector<16xf32>
        %add3A_566 = arith.constant 1 : i32
        %add3A_567 = arith.addi %add3A_560, %add3A_566 : i32
        %get3A_568 = arith.index_cast %add3A_567 : i32 to index
        %get3A_569 = arith.constant 0 : index
        %get3A_570 = tpu.vector_load %arg8[%get3A_568, %get3A_569] {strides = array<i32>} : memref<800x64xf32, #tpu.memory_space<vmem>>, vector<1x16xf32>,
        %get3A_571 = vector.shape_cast %get3A_570 : vector<1x16xf32> to vector<16xf32>
        %add3A_572 = arith.addf %add3A_565, %get3A_571 : vector<16xf32>
        %get3A_573 = arith.index_cast %add3A_560 : i32 to index
        %get3A_574 = arith.constant 16 : index
        %get3A_575 = tpu.vector_load %arg8[%get3A_573, %get3A_574] {strides = array<i32>} : memref<800x64xf32, #tpu.memory_space<vmem>>, vector<1x16xf32>,
        %get3A_576 = vector.shape_cast %get3A_575 : vector<1x16xf32> to vector<16xf32>
        %add3A_577 = arith.addf %add3A_530, %get3A_576 : vector<16xf32>
        %add3A_578 = arith.constant 1 : i32
        %add3A_579 = arith.addi %add3A_560, %add3A_578 : i32
        %get3A_580 = arith.index_cast %add3A_579 : i32 to index
        %get3A_581 = arith.constant 16 : index
        %get3A_582 = tpu.vector_load %arg8[%get3A_580, %get3A_581] {strides = array<i32>} : memref<800x64xf32, #tpu.memory_space<vmem>>, vector<1x16xf32>,
        %get3A_583 = vector.shape_cast %get3A_582 : vector<1x16xf32> to vector<16xf32>
        %add3A_584 = arith.addf %add3A_577, %get3A_583 : vector<16xf32>
        %get3A_585 = arith.index_cast %add3A_560 : i32 to index
        %get3A_586 = arith.constant 32 : index
        %get3A_587 = tpu.vector_load %arg8[%get3A_585, %get3A_586] {strides = array<i32>} : memref<800x64xf32, #tpu.memory_space<vmem>>, vector<1x16xf32>,
        %get3A_588 = vector.shape_cast %get3A_587 : vector<1x16xf32> to vector<16xf32>
        %add3A_589 = arith.addf %add3A_542, %get3A_588 : vector<16xf32>
        %add3A_590 = arith.constant 1 : i32
        %add3A_591 = arith.addi %add3A_560, %add3A_590 : i32
        %get3A_592 = arith.index_cast %add3A_591 : i32 to index
        %get3A_593 = arith.constant 32 : index
        %get3A_594 = tpu.vector_load %arg8[%get3A_592, %get3A_593] {strides = array<i32>} : memref<800x64xf32, #tpu.memory_space<vmem>>, vector<1x16xf32>,
        %get3A_595 = vector.shape_cast %get3A_594 : vector<1x16xf32> to vector<16xf32>
        %add3A_596 = arith.addf %add3A_589, %get3A_595 : vector<16xf32>
        %get3A_597 = arith.index_cast %add3A_560 : i32 to index
        %get3A_598 = arith.constant 48 : index
        %get3A_599 = tpu.vector_load %arg8[%get3A_597, %get3A_598] {strides = array<i32>} : memref<800x64xf32, #tpu.memory_space<vmem>>, vector<1x16xf32>,
        %get3A_600 = vector.shape_cast %get3A_599 : vector<1x16xf32> to vector<16xf32>
        %add3A_601 = arith.addf %add3A_554, %get3A_600 : vector<16xf32>
        %add3A_602 = arith.constant 1 : i32
        %add3A_603 = arith.addi %add3A_560, %add3A_602 : i32
        %get3A_604 = arith.index_cast %add3A_603 : i32 to index
        %get3A_605 = arith.constant 48 : index
        %get3A_606 = tpu.vector_load %arg8[%get3A_604, %get3A_605] {strides = array<i32>} : memref<800x64xf32, #tpu.memory_space<vmem>>, vector<1x16xf32>,
        %get3A_607 = vector.shape_cast %get3A_606 : vector<1x16xf32> to vector<16xf32>
        %add3A_608 = arith.addf %add3A_601, %get3A_607 : vector<16xf32>
        %scan3A_609 = arith.constant 3 : i32
        %scan3A_610 = arith.addi %scan3A_445, %scan3A_609 : i32
        %mul3A_611 = arith.constant 2 : i32
        %mul3A_612 = arith.muli %mul3A_611, %scan3A_610 : i32
        %add3A_613 = arith.constant 200 : i32
        %add3A_614 = arith.addi %add3A_613, %mul3A_612 : i32
        %get3A_615 = arith.index_cast %add3A_614 : i32 to index
        %get3A_616 = arith.constant 0 : index
        %get3A_617 = tpu.vector_load %arg8[%get3A_615, %get3A_616] {strides = array<i32>} : memref<800x64xf32, #tpu.memory_space<vmem>>, vector<1x16xf32>,
        %get3A_618 = vector.shape_cast %get3A_617 : vector<1x16xf32> to vector<16xf32>
        %add3A_619 = arith.addf %add3A_572, %get3A_618 : vector<16xf32>
        %add3A_620 = arith.constant 1 : i32
        %add3A_621 = arith.addi %add3A_614, %add3A_620 : i32
        %get3A_622 = arith.index_cast %add3A_621 : i32 to index
        %get3A_623 = arith.constant 0 : index
        %get3A_624 = tpu.vector_load %arg8[%get3A_622, %get3A_623] {strides = array<i32>} : memref<800x64xf32, #tpu.memory_space<vmem>>, vector<1x16xf32>,
        %get3A_625 = vector.shape_cast %get3A_624 : vector<1x16xf32> to vector<16xf32>
        %add3A_626 = arith.addf %add3A_619, %get3A_625 : vector<16xf32>
        %get3A_627 = arith.index_cast %add3A_614 : i32 to index
        %get3A_628 = arith.constant 16 : index
        %get3A_629 = tpu.vector_load %arg8[%get3A_627, %get3A_628] {strides = array<i32>} : memref<800x64xf32, #tpu.memory_space<vmem>>, vector<1x16xf32>,
        %get3A_630 = vector.shape_cast %get3A_629 : vector<1x16xf32> to vector<16xf32>
        %add3A_631 = arith.addf %add3A_584, %get3A_630 : vector<16xf32>
        %add3A_632 = arith.constant 1 : i32
        %add3A_633 = arith.addi %add3A_614, %add3A_632 : i32
        %get3A_634 = arith.index_cast %add3A_633 : i32 to index
        %get3A_635 = arith.constant 16 : index
        %get3A_636 = tpu.vector_load %arg8[%get3A_634, %get3A_635] {strides = array<i32>} : memref<800x64xf32, #tpu.memory_space<vmem>>, vector<1x16xf32>,
        %get3A_637 = vector.shape_cast %get3A_636 : vector<1x16xf32> to vector<16xf32>
        %add3A_638 = arith.addf %add3A_631, %get3A_637 : vector<16xf32>
        %get3A_639 = arith.index_cast %add3A_614 : i32 to index
        %get3A_640 = arith.constant 32 : index
        %get3A_641 = tpu.vector_load %arg8[%get3A_639, %get3A_640] {strides = array<i32>} : memref<800x64xf32, #tpu.memory_space<vmem>>, vector<1x16xf32>,
        %get3A_642 = vector.shape_cast %get3A_641 : vector<1x16xf32> to vector<16xf32>
        %add3A_643 = arith.addf %add3A_596, %get3A_642 : vector<16xf32>
        %add3A_644 = arith.constant 1 : i32
        %add3A_645 = arith.addi %add3A_614, %add3A_644 : i32
        %get3A_646 = arith.index_cast %add3A_645 : i32 to index
        %get3A_647 = arith.constant 32 : index
        %get3A_648 = tpu.vector_load %arg8[%get3A_646, %get3A_647] {strides = array<i32>} : memref<800x64xf32, #tpu.memory_space<vmem>>, vector<1x16xf32>,
        %get3A_649 = vector.shape_cast %get3A_648 : vector<1x16xf32> to vector<16xf32>
        %add3A_650 = arith.addf %add3A_643, %get3A_649 : vector<16xf32>
        %get3A_651 = arith.index_cast %add3A_614 : i32 to index
        %get3A_652 = arith.constant 48 : index
        %get3A_653 = tpu.vector_load %arg8[%get3A_651, %get3A_652] {strides = array<i32>} : memref<800x64xf32, #tpu.memory_space<vmem>>, vector<1x16xf32>,
        %get3A_654 = vector.shape_cast %get3A_653 : vector<1x16xf32> to vector<16xf32>
        %add3A_655 = arith.addf %add3A_608, %get3A_654 : vector<16xf32>
        %add3A_656 = arith.constant 1 : i32
        %add3A_657 = arith.addi %add3A_614, %add3A_656 : i32
        %get3A_658 = arith.index_cast %add3A_657 : i32 to index
        %get3A_659 = arith.constant 48 : index
        %get3A_660 = tpu.vector_load %arg8[%get3A_658, %get3A_659] {strides = array<i32>} : memref<800x64xf32, #tpu.memory_space<vmem>>, vector<1x16xf32>,
        %get3A_661 = vector.shape_cast %get3A_660 : vector<1x16xf32> to vector<16xf32>
        %add3A_662 = arith.addf %add3A_655, %get3A_661 : vector<16xf32>
        scf.yield %add3A_626, %add3A_638, %add3A_650, %add3A_662 : vector<16xf32>, vector<16xf32>, vector<16xf32>, vector<16xf32>
      }
      %scan3A_342 = arith.constant 100 : i32
      %swap3A_343 = arith.constant 1 : i32
      %swap3A_344 = arith.index_cast %swap3A_343 : i32 to index
      %swap3A_345 = arith.constant 0 : index
      %swap3A_346 = tpu.vector_load %arg10[%swap3A_344, %swap3A_345] {strides = array<i32>} : memref<4x64xf32, #tpu.memory_space<vmem>>, vector<1x16xf32>,
      %swap3A_347 = vector.shape_cast %swap3A_346 : vector<1x16xf32> to vector<16xf32>
      %swap3A_348 = vector.shape_cast %scan3A_341#0 : vector<16xf32> to vector<1x16xf32>
      tpu.vector_store %arg10[%swap3A_344, %swap3A_345], %swap3A_348 {strides = array<i32>} : memref<4x64xf32, #tpu.memory_space<vmem>>, vector<1x16xf32>,
      %swap3A_349 = arith.constant 1 : i32
      %swap3A_350 = arith.index_cast %swap3A_349 : i32 to index
      %swap3A_351 = arith.constant 16 : index
      %swap3A_352 = tpu.vector_load %arg10[%swap3A_350, %swap3A_351] {strides = array<i32>} : memref<4x64xf32, #tpu.memory_space<vmem>>, vector<1x16xf32>,
      %swap3A_353 = vector.shape_cast %swap3A_352 : vector<1x16xf32> to vector<16xf32>
      %swap3A_354 = vector.shape_cast %scan3A_341#1 : vector<16xf32> to vector<1x16xf32>
      tpu.vector_store %arg10[%swap3A_350, %swap3A_351], %swap3A_354 {strides = array<i32>} : memref<4x64xf32, #tpu.memory_space<vmem>>, vector<1x16xf32>,
      %swap3A_355 = arith.constant 1 : i32
      %swap3A_356 = arith.index_cast %swap3A_355 : i32 to index
      %swap3A_357 = arith.constant 32 : index
      %swap3A_358 = tpu.vector_load %arg10[%swap3A_356, %swap3A_357] {strides = array<i32>} : memref<4x64xf32, #tpu.memory_space<vmem>>, vector<1x16xf32>,
      %swap3A_359 = vector.shape_cast %swap3A_358 : vector<1x16xf32> to vector<16xf32>
      %swap3A_360 = vector.shape_cast %scan3A_341#2 : vector<16xf32> to vector<1x16xf32>
      tpu.vector_store %arg10[%swap3A_356, %swap3A_357], %swap3A_360 {strides = array<i32>} : memref<4x64xf32, #tpu.memory_space<vmem>>, vector<1x16xf32>,
      %swap3A_361 = arith.constant 1 : i32
      %swap3A_362 = arith.index_cast %swap3A_361 : i32 to index
      %swap3A_363 = arith.constant 48 : index
      %swap3A_364 = tpu.vector_load %arg10[%swap3A_362, %swap3A_363] {strides = array<i32>} : memref<4x64xf32, #tpu.memory_space<vmem>>, vector<1x16xf32>,
      %swap3A_365 = vector.shape_cast %swap3A_364 : vector<1x16xf32> to vector<16xf32>
      %swap3A_366 = vector.shape_cast %scan3A_341#3 : vector<16xf32> to vector<1x16xf32>
      tpu.vector_store %arg10[%swap3A_362, %swap3A_363], %swap3A_366 {strides = array<i32>} : memref<4x64xf32, #tpu.memory_space<vmem>>, vector<1x16xf32>,
      %broadcast_in_dim3A_367 = arith.constant 0.000000e+00 : f32
      %broadcast_in_dim3A_368 = vector.broadcast %broadcast_in_dim3A_367 : f32 to vector<16xf32>
      %scan3A_369 = arith.constant 0 : i32
      %scan3A_370 = arith.constant 100 : i32
      %scan3A_371 = arith.addi %scan3A_369, %scan3A_370 : i32
      %scan3A_372 = arith.constant 4 : i32
      %scan3A_373:4 = scf.for %scan3A_445 = %scan3A_369 to %scan3A_371 step %scan3A_372 iter_args(%scan3A_446 = %broadcast_in_dim3A_368, %scan3A_447 = %broadcast_in_dim3A_368, %scan3A_448 = %broadcast_in_dim3A_368, %scan3A_449 = %broadcast_in_dim3A_368) -> (vector<16xf32>, vector<16xf32>, vector<16xf32>, vector<16xf32>)  : i32 {
        %mul3A_450 = arith.constant 2 : i32
        %mul3A_451 = arith.muli %mul3A_450, %scan3A_445 : i32
        %add3A_452 = arith.constant 400 : i32
        %add3A_453 = arith.addi %add3A_452, %mul3A_451 : i32
        %get3A = arith.index_cast %add3A_453 : i32 to index
        %get3A_454 = arith.constant 0 : index
        %get3A_455 = tpu.vector_load %arg8[%get3A, %get3A_454] {strides = array<i32>} : memref<800x64xf32, #tpu.memory_space<vmem>>, vector<1x16xf32>,
        %get3A_456 = vector.shape_cast %get3A_455 : vector<1x16xf32> to vector<16xf32>
        %add3A_457 = arith.addf %scan3A_446, %get3A_456 : vector<16xf32>
        %add3A_458 = arith.constant 1 : i32
        %add3A_459 = arith.addi %add3A_453, %add3A_458 : i32
        %get3A_460 = arith.index_cast %add3A_459 : i32 to index
        %get3A_461 = arith.constant 0 : index
        %get3A_462 = tpu.vector_load %arg8[%get3A_460, %get3A_461] {strides = array<i32>} : memref<800x64xf32, #tpu.memory_space<vmem>>, vector<1x16xf32>,
        %get3A_463 = vector.shape_cast %get3A_462 : vector<1x16xf32> to vector<16xf32>
        %add3A_464 = arith.addf %add3A_457, %get3A_463 : vector<16xf32>
        %get3A_465 = arith.index_cast %add3A_453 : i32 to index
        %get3A_466 = arith.constant 16 : index
        %get3A_467 = tpu.vector_load %arg8[%get3A_465, %get3A_466] {strides = array<i32>} : memref<800x64xf32, #tpu.memory_space<vmem>>, vector<1x16xf32>,
        %get3A_468 = vector.shape_cast %get3A_467 : vector<1x16xf32> to vector<16xf32>
        %add3A_469 = arith.addf %scan3A_447, %get3A_468 : vector<16xf32>
        %add3A_470 = arith.constant 1 : i32
        %add3A_471 = arith.addi %add3A_453, %add3A_470 : i32
        %get3A_472 = arith.index_cast %add3A_471 : i32 to index
        %get3A_473 = arith.constant 16 : index
        %get3A_474 = tpu.vector_load %arg8[%get3A_472, %get3A_473] {strides = array<i32>} : memref<800x64xf32, #tpu.memory_space<vmem>>, vector<1x16xf32>,
        %get3A_475 = vector.shape_cast %get3A_474 : vector<1x16xf32> to vector<16xf32>
        %add3A_476 = arith.addf %add3A_469, %get3A_475 : vector<16xf32>
        %get3A_477 = arith.index_cast %add3A_453 : i32 to index
        %get3A_478 = arith.constant 32 : index
        %get3A_479 = tpu.vector_load %arg8[%get3A_477, %get3A_478] {strides = array<i32>} : memref<800x64xf32, #tpu.memory_space<vmem>>, vector<1x16xf32>,
        %get3A_480 = vector.shape_cast %get3A_479 : vector<1x16xf32> to vector<16xf32>
        %add3A_481 = arith.addf %scan3A_448, %get3A_480 : vector<16xf32>
        %add3A_482 = arith.constant 1 : i32
        %add3A_483 = arith.addi %add3A_453, %add3A_482 : i32
        %get3A_484 = arith.index_cast %add3A_483 : i32 to index
        %get3A_485 = arith.constant 32 : index
        %get3A_486 = tpu.vector_load %arg8[%get3A_484, %get3A_485] {strides = array<i32>} : memref<800x64xf32, #tpu.memory_space<vmem>>, vector<1x16xf32>,
        %get3A_487 = vector.shape_cast %get3A_486 : vector<1x16xf32> to vector<16xf32>
        %add3A_488 = arith.addf %add3A_481, %get3A_487 : vector<16xf32>
        %get3A_489 = arith.index_cast %add3A_453 : i32 to index
        %get3A_490 = arith.constant 48 : index
        %get3A_491 = tpu.vector_load %arg8[%get3A_489, %get3A_490] {strides = array<i32>} : memref<800x64xf32, #tpu.memory_space<vmem>>, vector<1x16xf32>,
        %get3A_492 = vector.shape_cast %get3A_491 : vector<1x16xf32> to vector<16xf32>
        %add3A_493 = arith.addf %scan3A_449, %get3A_492 : vector<16xf32>
        %add3A_494 = arith.constant 1 : i32
        %add3A_495 = arith.addi %add3A_453, %add3A_494 : i32
        %get3A_496 = arith.index_cast %add3A_495 : i32 to index
        %get3A_497 = arith.constant 48 : index
        %get3A_498 = tpu.vector_load %arg8[%get3A_496, %get3A_497] {strides = array<i32>} : memref<800x64xf32, #tpu.memory_space<vmem>>, vector<1x16xf32>,
        %get3A_499 = vector.shape_cast %get3A_498 : vector<1x16xf32> to vector<16xf32>
        %add3A_500 = arith.addf %add3A_493, %get3A_499 : vector<16xf32>
        %scan3A_501 = arith.constant 1 : i32
        %scan3A_502 = arith.addi %scan3A_445, %scan3A_501 : i32
        %mul3A_503 = arith.constant 2 : i32
        %mul3A_504 = arith.muli %mul3A_503, %scan3A_502 : i32
        %add3A_505 = arith.constant 400 : i32
        %add3A_506 = arith.addi %add3A_505, %mul3A_504 : i32
        %get3A_507 = arith.index_cast %add3A_506 : i32 to index
        %get3A_508 = arith.constant 0 : index
        %get3A_509 = tpu.vector_load %arg8[%get3A_507, %get3A_508] {strides = array<i32>} : memref<800x64xf32, #tpu.memory_space<vmem>>, vector<1x16xf32>,
        %get3A_510 = vector.shape_cast %get3A_509 : vector<1x16xf32> to vector<16xf32>
        %add3A_511 = arith.addf %add3A_464, %get3A_510 : vector<16xf32>
        %add3A_512 = arith.constant 1 : i32
        %add3A_513 = arith.addi %add3A_506, %add3A_512 : i32
        %get3A_514 = arith.index_cast %add3A_513 : i32 to index
        %get3A_515 = arith.constant 0 : index
        %get3A_516 = tpu.vector_load %arg8[%get3A_514, %get3A_515] {strides = array<i32>} : memref<800x64xf32, #tpu.memory_space<vmem>>, vector<1x16xf32>,
        %get3A_517 = vector.shape_cast %get3A_516 : vector<1x16xf32> to vector<16xf32>
        %add3A_518 = arith.addf %add3A_511, %get3A_517 : vector<16xf32>
        %get3A_519 = arith.index_cast %add3A_506 : i32 to index
        %get3A_520 = arith.constant 16 : index
        %get3A_521 = tpu.vector_load %arg8[%get3A_519, %get3A_520] {strides = array<i32>} : memref<800x64xf32, #tpu.memory_space<vmem>>, vector<1x16xf32>,
        %get3A_522 = vector.shape_cast %get3A_521 : vector<1x16xf32> to vector<16xf32>
        %add3A_523 = arith.addf %add3A_476, %get3A_522 : vector<16xf32>
        %add3A_524 = arith.constant 1 : i32
        %add3A_525 = arith.addi %add3A_506, %add3A_524 : i32
        %get3A_526 = arith.index_cast %add3A_525 : i32 to index
        %get3A_527 = arith.constant 16 : index
        %get3A_528 = tpu.vector_load %arg8[%get3A_526, %get3A_527] {strides = array<i32>} : memref<800x64xf32, #tpu.memory_space<vmem>>, vector<1x16xf32>,
        %get3A_529 = vector.shape_cast %get3A_528 : vector<1x16xf32> to vector<16xf32>
        %add3A_530 = arith.addf %add3A_523, %get3A_529 : vector<16xf32>
        %get3A_531 = arith.index_cast %add3A_506 : i32 to index
        %get3A_532 = arith.constant 32 : index
        %get3A_533 = tpu.vector_load %arg8[%get3A_531, %get3A_532] {strides = array<i32>} : memref<800x64xf32, #tpu.memory_space<vmem>>, vector<1x16xf32>,
        %get3A_534 = vector.shape_cast %get3A_533 : vector<1x16xf32> to vector<16xf32>
        %add3A_535 = arith.addf %add3A_488, %get3A_534 : vector<16xf32>
        %add3A_536 = arith.constant 1 : i32
        %add3A_537 = arith.addi %add3A_506, %add3A_536 : i32
        %get3A_538 = arith.index_cast %add3A_537 : i32 to index
        %get3A_539 = arith.constant 32 : index
        %get3A_540 = tpu.vector_load %arg8[%get3A_538, %get3A_539] {strides = array<i32>} : memref<800x64xf32, #tpu.memory_space<vmem>>, vector<1x16xf32>,
        %get3A_541 = vector.shape_cast %get3A_540 : vector<1x16xf32> to vector<16xf32>
        %add3A_542 = arith.addf %add3A_535, %get3A_541 : vector<16xf32>
        %get3A_543 = arith.index_cast %add3A_506 : i32 to index
        %get3A_544 = arith.constant 48 : index
        %get3A_545 = tpu.vector_load %arg8[%get3A_543, %get3A_544] {strides = array<i32>} : memref<800x64xf32, #tpu.memory_space<vmem>>, vector<1x16xf32>,
        %get3A_546 = vector.shape_cast %get3A_545 : vector<1x16xf32> to vector<16xf32>
        %add3A_547 = arith.addf %add3A_500, %get3A_546 : vector<16xf32>
        %add3A_548 = arith.constant 1 : i32
        %add3A_549 = arith.addi %add3A_506, %add3A_548 : i32
        %get3A_550 = arith.index_cast %add3A_549 : i32 to index
        %get3A_551 = arith.constant 48 : index
        %get3A_552 = tpu.vector_load %arg8[%get3A_550, %get3A_551] {strides = array<i32>} : memref<800x64xf32, #tpu.memory_space<vmem>>, vector<1x16xf32>,
        %get3A_553 = vector.shape_cast %get3A_552 : vector<1x16xf32> to vector<16xf32>
        %add3A_554 = arith.addf %add3A_547, %get3A_553 : vector<16xf32>
        %scan3A_555 = arith.constant 2 : i32
        %scan3A_556 = arith.addi %scan3A_445, %scan3A_555 : i32
        %mul3A_557 = arith.constant 2 : i32
        %mul3A_558 = arith.muli %mul3A_557, %scan3A_556 : i32
        %add3A_559 = arith.constant 400 : i32
        %add3A_560 = arith.addi %add3A_559, %mul3A_558 : i32
        %get3A_561 = arith.index_cast %add3A_560 : i32 to index
        %get3A_562 = arith.constant 0 : index
        %get3A_563 = tpu.vector_load %arg8[%get3A_561, %get3A_562] {strides = array<i32>} : memref<800x64xf32, #tpu.memory_space<vmem>>, vector<1x16xf32>,
        %get3A_564 = vector.shape_cast %get3A_563 : vector<1x16xf32> to vector<16xf32>
        %add3A_565 = arith.addf %add3A_518, %get3A_564 : vector<16xf32>
        %add3A_566 = arith.constant 1 : i32
        %add3A_567 = arith.addi %add3A_560, %add3A_566 : i32
        %get3A_568 = arith.index_cast %add3A_567 : i32 to index
        %get3A_569 = arith.constant 0 : index
        %get3A_570 = tpu.vector_load %arg8[%get3A_568, %get3A_569] {strides = array<i32>} : memref<800x64xf32, #tpu.memory_space<vmem>>, vector<1x16xf32>,
        %get3A_571 = vector.shape_cast %get3A_570 : vector<1x16xf32> to vector<16xf32>
        %add3A_572 = arith.addf %add3A_565, %get3A_571 : vector<16xf32>
        %get3A_573 = arith.index_cast %add3A_560 : i32 to index
        %get3A_574 = arith.constant 16 : index
        %get3A_575 = tpu.vector_load %arg8[%get3A_573, %get3A_574] {strides = array<i32>} : memref<800x64xf32, #tpu.memory_space<vmem>>, vector<1x16xf32>,
        %get3A_576 = vector.shape_cast %get3A_575 : vector<1x16xf32> to vector<16xf32>
        %add3A_577 = arith.addf %add3A_530, %get3A_576 : vector<16xf32>
        %add3A_578 = arith.constant 1 : i32
        %add3A_579 = arith.addi %add3A_560, %add3A_578 : i32
        %get3A_580 = arith.index_cast %add3A_579 : i32 to index
        %get3A_581 = arith.constant 16 : index
        %get3A_582 = tpu.vector_load %arg8[%get3A_580, %get3A_581] {strides = array<i32>} : memref<800x64xf32, #tpu.memory_space<vmem>>, vector<1x16xf32>,
        %get3A_583 = vector.shape_cast %get3A_582 : vector<1x16xf32> to vector<16xf32>
        %add3A_584 = arith.addf %add3A_577, %get3A_583 : vector<16xf32>
        %get3A_585 = arith.index_cast %add3A_560 : i32 to index
        %get3A_586 = arith.constant 32 : index
        %get3A_587 = tpu.vector_load %arg8[%get3A_585, %get3A_586] {strides = array<i32>} : memref<800x64xf32, #tpu.memory_space<vmem>>, vector<1x16xf32>,
        %get3A_588 = vector.shape_cast %get3A_587 : vector<1x16xf32> to vector<16xf32>
        %add3A_589 = arith.addf %add3A_542, %get3A_588 : vector<16xf32>
        %add3A_590 = arith.constant 1 : i32
        %add3A_591 = arith.addi %add3A_560, %add3A_590 : i32
        %get3A_592 = arith.index_cast %add3A_591 : i32 to index
        %get3A_593 = arith.constant 32 : index
        %get3A_594 = tpu.vector_load %arg8[%get3A_592, %get3A_593] {strides = array<i32>} : memref<800x64xf32, #tpu.memory_space<vmem>>, vector<1x16xf32>,
        %get3A_595 = vector.shape_cast %get3A_594 : vector<1x16xf32> to vector<16xf32>
        %add3A_596 = arith.addf %add3A_589, %get3A_595 : vector<16xf32>
        %get3A_597 = arith.index_cast %add3A_560 : i32 to index
        %get3A_598 = arith.constant 48 : index
        %get3A_599 = tpu.vector_load %arg8[%get3A_597, %get3A_598] {strides = array<i32>} : memref<800x64xf32, #tpu.memory_space<vmem>>, vector<1x16xf32>,
        %get3A_600 = vector.shape_cast %get3A_599 : vector<1x16xf32> to vector<16xf32>
        %add3A_601 = arith.addf %add3A_554, %get3A_600 : vector<16xf32>
        %add3A_602 = arith.constant 1 : i32
        %add3A_603 = arith.addi %add3A_560, %add3A_602 : i32
        %get3A_604 = arith.index_cast %add3A_603 : i32 to index
        %get3A_605 = arith.constant 48 : index
        %get3A_606 = tpu.vector_load %arg8[%get3A_604, %get3A_605] {strides = array<i32>} : memref<800x64xf32, #tpu.memory_space<vmem>>, vector<1x16xf32>,
        %get3A_607 = vector.shape_cast %get3A_606 : vector<1x16xf32> to vector<16xf32>
        %add3A_608 = arith.addf %add3A_601, %get3A_607 : vector<16xf32>
        %scan3A_609 = arith.constant 3 : i32
        %scan3A_610 = arith.addi %scan3A_445, %scan3A_609 : i32
        %mul3A_611 = arith.constant 2 : i32
        %mul3A_612 = arith.muli %mul3A_611, %scan3A_610 : i32
        %add3A_613 = arith.constant 400 : i32
        %add3A_614 = arith.addi %add3A_613, %mul3A_612 : i32
        %get3A_615 = arith.index_cast %add3A_614 : i32 to index
        %get3A_616 = arith.constant 0 : index
        %get3A_617 = tpu.vector_load %arg8[%get3A_615, %get3A_616] {strides = array<i32>} : memref<800x64xf32, #tpu.memory_space<vmem>>, vector<1x16xf32>,
        %get3A_618 = vector.shape_cast %get3A_617 : vector<1x16xf32> to vector<16xf32>
        %add3A_619 = arith.addf %add3A_572, %get3A_618 : vector<16xf32>
        %add3A_620 = arith.constant 1 : i32
        %add3A_621 = arith.addi %add3A_614, %add3A_620 : i32
        %get3A_622 = arith.index_cast %add3A_621 : i32 to index
        %get3A_623 = arith.constant 0 : index
        %get3A_624 = tpu.vector_load %arg8[%get3A_622, %get3A_623] {strides = array<i32>} : memref<800x64xf32, #tpu.memory_space<vmem>>, vector<1x16xf32>,
        %get3A_625 = vector.shape_cast %get3A_624 : vector<1x16xf32> to vector<16xf32>
        %add3A_626 = arith.addf %add3A_619, %get3A_625 : vector<16xf32>
        %get3A_627 = arith.index_cast %add3A_614 : i32 to index
        %get3A_628 = arith.constant 16 : index
        %get3A_629 = tpu.vector_load %arg8[%get3A_627, %get3A_628] {strides = array<i32>} : memref<800x64xf32, #tpu.memory_space<vmem>>, vector<1x16xf32>,
        %get3A_630 = vector.shape_cast %get3A_629 : vector<1x16xf32> to vector<16xf32>
        %add3A_631 = arith.addf %add3A_584, %get3A_630 : vector<16xf32>
        %add3A_632 = arith.constant 1 : i32
        %add3A_633 = arith.addi %add3A_614, %add3A_632 : i32
        %get3A_634 = arith.index_cast %add3A_633 : i32 to index
        %get3A_635 = arith.constant 16 : index
        %get3A_636 = tpu.vector_load %arg8[%get3A_634, %get3A_635] {strides = array<i32>} : memref<800x64xf32, #tpu.memory_space<vmem>>, vector<1x16xf32>,
        %get3A_637 = vector.shape_cast %get3A_636 : vector<1x16xf32> to vector<16xf32>
        %add3A_638 = arith.addf %add3A_631, %get3A_637 : vector<16xf32>
        %get3A_639 = arith.index_cast %add3A_614 : i32 to index
        %get3A_640 = arith.constant 32 : index
        %get3A_641 = tpu.vector_load %arg8[%get3A_639, %get3A_640] {strides = array<i32>} : memref<800x64xf32, #tpu.memory_space<vmem>>, vector<1x16xf32>,
        %get3A_642 = vector.shape_cast %get3A_641 : vector<1x16xf32> to vector<16xf32>
        %add3A_643 = arith.addf %add3A_596, %get3A_642 : vector<16xf32>
        %add3A_644 = arith.constant 1 : i32
        %add3A_645 = arith.addi %add3A_614, %add3A_644 : i32
        %get3A_646 = arith.index_cast %add3A_645 : i32 to index
        %get3A_647 = arith.constant 32 : index
        %get3A_648 = tpu.vector_load %arg8[%get3A_646, %get3A_647] {strides = array<i32>} : memref<800x64xf32, #tpu.memory_space<vmem>>, vector<1x16xf32>,
        %get3A_649 = vector.shape_cast %get3A_648 : vector<1x16xf32> to vector<16xf32>
        %add3A_650 = arith.addf %add3A_643, %get3A_649 : vector<16xf32>
        %get3A_651 = arith.index_cast %add3A_614 : i32 to index
        %get3A_652 = arith.constant 48 : index
        %get3A_653 = tpu.vector_load %arg8[%get3A_651, %get3A_652] {strides = array<i32>} : memref<800x64xf32, #tpu.memory_space<vmem>>, vector<1x16xf32>,
        %get3A_654 = vector.shape_cast %get3A_653 : vector<1x16xf32> to vector<16xf32>
        %add3A_655 = arith.addf %add3A_608, %get3A_654 : vector<16xf32>
        %add3A_656 = arith.constant 1 : i32
        %add3A_657 = arith.addi %add3A_614, %add3A_656 : i32
        %get3A_658 = arith.index_cast %add3A_657 : i32 to index
        %get3A_659 = arith.constant 48 : index
        %get3A_660 = tpu.vector_load %arg8[%get3A_658, %get3A_659] {strides = array<i32>} : memref<800x64xf32, #tpu.memory_space<vmem>>, vector<1x16xf32>,
        %get3A_661 = vector.shape_cast %get3A_660 : vector<1x16xf32> to vector<16xf32>
        %add3A_662 = arith.addf %add3A_655, %get3A_661 : vector<16xf32>
        scf.yield %add3A_626, %add3A_638, %add3A_650, %add3A_662 : vector<16xf32>, vector<16xf32>, vector<16xf32>, vector<16xf32>
      }
      %scan3A_374 = arith.constant 100 : i32
      %swap3A_375 = arith.constant 2 : i32
      %swap3A_376 = arith.index_cast %swap3A_375 : i32 to index
      %swap3A_377 = arith.constant 0 : index
      %swap3A_378 = tpu.vector_load %arg10[%swap3A_376, %swap3A_377] {strides = array<i32>} : memref<4x64xf32, #tpu.memory_space<vmem>>, vector<1x16xf32>,
      %swap3A_379 = vector.shape_cast %swap3A_378 : vector<1x16xf32> to vector<16xf32>
      %swap3A_380 = vector.shape_cast %scan3A_373#0 : vector<16xf32> to vector<1x16xf32>
      tpu.vector_store %arg10[%swap3A_376, %swap3A_377], %swap3A_380 {strides = array<i32>} : memref<4x64xf32, #tpu.memory_space<vmem>>, vector<1x16xf32>,
      %swap3A_381 = arith.constant 2 : i32
      %swap3A_382 = arith.index_cast %swap3A_381 : i32 to index
      %swap3A_383 = arith.constant 16 : index
      %swap3A_384 = tpu.vector_load %arg10[%swap3A_382, %swap3A_383] {strides = array<i32>} : memref<4x64xf32, #tpu.memory_space<vmem>>, vector<1x16xf32>,
      %swap3A_385 = vector.shape_cast %swap3A_384 : vector<1x16xf32> to vector<16xf32>
      %swap3A_386 = vector.shape_cast %scan3A_373#1 : vector<16xf32> to vector<1x16xf32>
      tpu.vector_store %arg10[%swap3A_382, %swap3A_383], %swap3A_386 {strides = array<i32>} : memref<4x64xf32, #tpu.memory_space<vmem>>, vector<1x16xf32>,
      %swap3A_387 = arith.constant 2 : i32
      %swap3A_388 = arith.index_cast %swap3A_387 : i32 to index
      %swap3A_389 = arith.constant 32 : index
      %swap3A_390 = tpu.vector_load %arg10[%swap3A_388, %swap3A_389] {strides = array<i32>} : memref<4x64xf32, #tpu.memory_space<vmem>>, vector<1x16xf32>,
      %swap3A_391 = vector.shape_cast %swap3A_390 : vector<1x16xf32> to vector<16xf32>
      %swap3A_392 = vector.shape_cast %scan3A_373#2 : vector<16xf32> to vector<1x16xf32>
      tpu.vector_store %arg10[%swap3A_388, %swap3A_389], %swap3A_392 {strides = array<i32>} : memref<4x64xf32, #tpu.memory_space<vmem>>, vector<1x16xf32>,
      %swap3A_393 = arith.constant 2 : i32
      %swap3A_394 = arith.index_cast %swap3A_393 : i32 to index
      %swap3A_395 = arith.constant 48 : index
      %swap3A_396 = tpu.vector_load %arg10[%swap3A_394, %swap3A_395] {strides = array<i32>} : memref<4x64xf32, #tpu.memory_space<vmem>>, vector<1x16xf32>,
      %swap3A_397 = vector.shape_cast %swap3A_396 : vector<1x16xf32> to vector<16xf32>
      %swap3A_398 = vector.shape_cast %scan3A_373#3 : vector<16xf32> to vector<1x16xf32>
      tpu.vector_store %arg10[%swap3A_394, %swap3A_395], %swap3A_398 {strides = array<i32>} : memref<4x64xf32, #tpu.memory_space<vmem>>, vector<1x16xf32>,
      %broadcast_in_dim3A_399 = arith.constant 0.000000e+00 : f32
      %broadcast_in_dim3A_400 = vector.broadcast %broadcast_in_dim3A_399 : f32 to vector<16xf32>
      %scan3A_401 = arith.constant 0 : i32
      %scan3A_402 = arith.constant 100 : i32
      %scan3A_403 = arith.addi %scan3A_401, %scan3A_402 : i32
      %scan3A_404 = arith.constant 4 : i32
      %scan3A_405:4 = scf.for %scan3A_445 = %scan3A_401 to %scan3A_403 step %scan3A_404 iter_args(%scan3A_446 = %broadcast_in_dim3A_400, %scan3A_447 = %broadcast_in_dim3A_400, %scan3A_448 = %broadcast_in_dim3A_400, %scan3A_449 = %broadcast_in_dim3A_400) -> (vector<16xf32>, vector<16xf32>, vector<16xf32>, vector<16xf32>)  : i32 {
        %mul3A_450 = arith.constant 2 : i32
        %mul3A_451 = arith.muli %mul3A_450, %scan3A_445 : i32
        %add3A_452 = arith.constant 600 : i32
        %add3A_453 = arith.addi %add3A_452, %mul3A_451 : i32
        %get3A = arith.index_cast %add3A_453 : i32 to index
        %get3A_454 = arith.constant 0 : index
        %get3A_455 = tpu.vector_load %arg8[%get3A, %get3A_454] {strides = array<i32>} : memref<800x64xf32, #tpu.memory_space<vmem>>, vector<1x16xf32>,
        %get3A_456 = vector.shape_cast %get3A_455 : vector<1x16xf32> to vector<16xf32>
        %add3A_457 = arith.addf %scan3A_446, %get3A_456 : vector<16xf32>
        %add3A_458 = arith.constant 1 : i32
        %add3A_459 = arith.addi %add3A_453, %add3A_458 : i32
        %get3A_460 = arith.index_cast %add3A_459 : i32 to index
        %get3A_461 = arith.constant 0 : index
        %get3A_462 = tpu.vector_load %arg8[%get3A_460, %get3A_461] {strides = array<i32>} : memref<800x64xf32, #tpu.memory_space<vmem>>, vector<1x16xf32>,
        %get3A_463 = vector.shape_cast %get3A_462 : vector<1x16xf32> to vector<16xf32>
        %add3A_464 = arith.addf %add3A_457, %get3A_463 : vector<16xf32>
        %get3A_465 = arith.index_cast %add3A_453 : i32 to index
        %get3A_466 = arith.constant 16 : index
        %get3A_467 = tpu.vector_load %arg8[%get3A_465, %get3A_466] {strides = array<i32>} : memref<800x64xf32, #tpu.memory_space<vmem>>, vector<1x16xf32>,
        %get3A_468 = vector.shape_cast %get3A_467 : vector<1x16xf32> to vector<16xf32>
        %add3A_469 = arith.addf %scan3A_447, %get3A_468 : vector<16xf32>
        %add3A_470 = arith.constant 1 : i32
        %add3A_471 = arith.addi %add3A_453, %add3A_470 : i32
        %get3A_472 = arith.index_cast %add3A_471 : i32 to index
        %get3A_473 = arith.constant 16 : index
        %get3A_474 = tpu.vector_load %arg8[%get3A_472, %get3A_473] {strides = array<i32>} : memref<800x64xf32, #tpu.memory_space<vmem>>, vector<1x16xf32>,
        %get3A_475 = vector.shape_cast %get3A_474 : vector<1x16xf32> to vector<16xf32>
        %add3A_476 = arith.addf %add3A_469, %get3A_475 : vector<16xf32>
        %get3A_477 = arith.index_cast %add3A_453 : i32 to index
        %get3A_478 = arith.constant 32 : index
        %get3A_479 = tpu.vector_load %arg8[%get3A_477, %get3A_478] {strides = array<i32>} : memref<800x64xf32, #tpu.memory_space<vmem>>, vector<1x16xf32>,
        %get3A_480 = vector.shape_cast %get3A_479 : vector<1x16xf32> to vector<16xf32>
        %add3A_481 = arith.addf %scan3A_448, %get3A_480 : vector<16xf32>
        %add3A_482 = arith.constant 1 : i32
        %add3A_483 = arith.addi %add3A_453, %add3A_482 : i32
        %get3A_484 = arith.index_cast %add3A_483 : i32 to index
        %get3A_485 = arith.constant 32 : index
        %get3A_486 = tpu.vector_load %arg8[%get3A_484, %get3A_485] {strides = array<i32>} : memref<800x64xf32, #tpu.memory_space<vmem>>, vector<1x16xf32>,
        %get3A_487 = vector.shape_cast %get3A_486 : vector<1x16xf32> to vector<16xf32>
        %add3A_488 = arith.addf %add3A_481, %get3A_487 : vector<16xf32>
        %get3A_489 = arith.index_cast %add3A_453 : i32 to index
        %get3A_490 = arith.constant 48 : index
        %get3A_491 = tpu.vector_load %arg8[%get3A_489, %get3A_490] {strides = array<i32>} : memref<800x64xf32, #tpu.memory_space<vmem>>, vector<1x16xf32>,
        %get3A_492 = vector.shape_cast %get3A_491 : vector<1x16xf32> to vector<16xf32>
        %add3A_493 = arith.addf %scan3A_449, %get3A_492 : vector<16xf32>
        %add3A_494 = arith.constant 1 : i32
        %add3A_495 = arith.addi %add3A_453, %add3A_494 : i32
        %get3A_496 = arith.index_cast %add3A_495 : i32 to index
        %get3A_497 = arith.constant 48 : index
        %get3A_498 = tpu.vector_load %arg8[%get3A_496, %get3A_497] {strides = array<i32>} : memref<800x64xf32, #tpu.memory_space<vmem>>, vector<1x16xf32>,
        %get3A_499 = vector.shape_cast %get3A_498 : vector<1x16xf32> to vector<16xf32>
        %add3A_500 = arith.addf %add3A_493, %get3A_499 : vector<16xf32>
        %scan3A_501 = arith.constant 1 : i32
        %scan3A_502 = arith.addi %scan3A_445, %scan3A_501 : i32
        %mul3A_503 = arith.constant 2 : i32
        %mul3A_504 = arith.muli %mul3A_503, %scan3A_502 : i32
        %add3A_505 = arith.constant 600 : i32
        %add3A_506 = arith.addi %add3A_505, %mul3A_504 : i32
        %get3A_507 = arith.index_cast %add3A_506 : i32 to index
        %get3A_508 = arith.constant 0 : index
        %get3A_509 = tpu.vector_load %arg8[%get3A_507, %get3A_508] {strides = array<i32>} : memref<800x64xf32, #tpu.memory_space<vmem>>, vector<1x16xf32>,
        %get3A_510 = vector.shape_cast %get3A_509 : vector<1x16xf32> to vector<16xf32>
        %add3A_511 = arith.addf %add3A_464, %get3A_510 : vector<16xf32>
        %add3A_512 = arith.constant 1 : i32
        %add3A_513 = arith.addi %add3A_506, %add3A_512 : i32
        %get3A_514 = arith.index_cast %add3A_513 : i32 to index
        %get3A_515 = arith.constant 0 : index
        %get3A_516 = tpu.vector_load %arg8[%get3A_514, %get3A_515] {strides = array<i32>} : memref<800x64xf32, #tpu.memory_space<vmem>>, vector<1x16xf32>,
        %get3A_517 = vector.shape_cast %get3A_516 : vector<1x16xf32> to vector<16xf32>
        %add3A_518 = arith.addf %add3A_511, %get3A_517 : vector<16xf32>
        %get3A_519 = arith.index_cast %add3A_506 : i32 to index
        %get3A_520 = arith.constant 16 : index
        %get3A_521 = tpu.vector_load %arg8[%get3A_519, %get3A_520] {strides = array<i32>} : memref<800x64xf32, #tpu.memory_space<vmem>>, vector<1x16xf32>,
        %get3A_522 = vector.shape_cast %get3A_521 : vector<1x16xf32> to vector<16xf32>
        %add3A_523 = arith.addf %add3A_476, %get3A_522 : vector<16xf32>
        %add3A_524 = arith.constant 1 : i32
        %add3A_525 = arith.addi %add3A_506, %add3A_524 : i32
        %get3A_526 = arith.index_cast %add3A_525 : i32 to index
        %get3A_527 = arith.constant 16 : index
        %get3A_528 = tpu.vector_load %arg8[%get3A_526, %get3A_527] {strides = array<i32>} : memref<800x64xf32, #tpu.memory_space<vmem>>, vector<1x16xf32>,
        %get3A_529 = vector.shape_cast %get3A_528 : vector<1x16xf32> to vector<16xf32>
        %add3A_530 = arith.addf %add3A_523, %get3A_529 : vector<16xf32>
        %get3A_531 = arith.index_cast %add3A_506 : i32 to index
        %get3A_532 = arith.constant 32 : index
        %get3A_533 = tpu.vector_load %arg8[%get3A_531, %get3A_532] {strides = array<i32>} : memref<800x64xf32, #tpu.memory_space<vmem>>, vector<1x16xf32>,
        %get3A_534 = vector.shape_cast %get3A_533 : vector<1x16xf32> to vector<16xf32>
        %add3A_535 = arith.addf %add3A_488, %get3A_534 : vector<16xf32>
        %add3A_536 = arith.constant 1 : i32
        %add3A_537 = arith.addi %add3A_506, %add3A_536 : i32
        %get3A_538 = arith.index_cast %add3A_537 : i32 to index
        %get3A_539 = arith.constant 32 : index
        %get3A_540 = tpu.vector_load %arg8[%get3A_538, %get3A_539] {strides = array<i32>} : memref<800x64xf32, #tpu.memory_space<vmem>>, vector<1x16xf32>,
        %get3A_541 = vector.shape_cast %get3A_540 : vector<1x16xf32> to vector<16xf32>
        %add3A_542 = arith.addf %add3A_535, %get3A_541 : vector<16xf32>
        %get3A_543 = arith.index_cast %add3A_506 : i32 to index
        %get3A_544 = arith.constant 48 : index
        %get3A_545 = tpu.vector_load %arg8[%get3A_543, %get3A_544] {strides = array<i32>} : memref<800x64xf32, #tpu.memory_space<vmem>>, vector<1x16xf32>,
        %get3A_546 = vector.shape_cast %get3A_545 : vector<1x16xf32> to vector<16xf32>
        %add3A_547 = arith.addf %add3A_500, %get3A_546 : vector<16xf32>
        %add3A_548 = arith.constant 1 : i32
        %add3A_549 = arith.addi %add3A_506, %add3A_548 : i32
        %get3A_550 = arith.index_cast %add3A_549 : i32 to index
        %get3A_551 = arith.constant 48 : index
        %get3A_552 = tpu.vector_load %arg8[%get3A_550, %get3A_551] {strides = array<i32>} : memref<800x64xf32, #tpu.memory_space<vmem>>, vector<1x16xf32>,
        %get3A_553 = vector.shape_cast %get3A_552 : vector<1x16xf32> to vector<16xf32>
        %add3A_554 = arith.addf %add3A_547, %get3A_553 : vector<16xf32>
        %scan3A_555 = arith.constant 2 : i32
        %scan3A_556 = arith.addi %scan3A_445, %scan3A_555 : i32
        %mul3A_557 = arith.constant 2 : i32
        %mul3A_558 = arith.muli %mul3A_557, %scan3A_556 : i32
        %add3A_559 = arith.constant 600 : i32
        %add3A_560 = arith.addi %add3A_559, %mul3A_558 : i32
        %get3A_561 = arith.index_cast %add3A_560 : i32 to index
        %get3A_562 = arith.constant 0 : index
        %get3A_563 = tpu.vector_load %arg8[%get3A_561, %get3A_562] {strides = array<i32>} : memref<800x64xf32, #tpu.memory_space<vmem>>, vector<1x16xf32>,
        %get3A_564 = vector.shape_cast %get3A_563 : vector<1x16xf32> to vector<16xf32>
        %add3A_565 = arith.addf %add3A_518, %get3A_564 : vector<16xf32>
        %add3A_566 = arith.constant 1 : i32
        %add3A_567 = arith.addi %add3A_560, %add3A_566 : i32
        %get3A_568 = arith.index_cast %add3A_567 : i32 to index
        %get3A_569 = arith.constant 0 : index
        %get3A_570 = tpu.vector_load %arg8[%get3A_568, %get3A_569] {strides = array<i32>} : memref<800x64xf32, #tpu.memory_space<vmem>>, vector<1x16xf32>,
        %get3A_571 = vector.shape_cast %get3A_570 : vector<1x16xf32> to vector<16xf32>
        %add3A_572 = arith.addf %add3A_565, %get3A_571 : vector<16xf32>
        %get3A_573 = arith.index_cast %add3A_560 : i32 to index
        %get3A_574 = arith.constant 16 : index
        %get3A_575 = tpu.vector_load %arg8[%get3A_573, %get3A_574] {strides = array<i32>} : memref<800x64xf32, #tpu.memory_space<vmem>>, vector<1x16xf32>,
        %get3A_576 = vector.shape_cast %get3A_575 : vector<1x16xf32> to vector<16xf32>
        %add3A_577 = arith.addf %add3A_530, %get3A_576 : vector<16xf32>
        %add3A_578 = arith.constant 1 : i32
        %add3A_579 = arith.addi %add3A_560, %add3A_578 : i32
        %get3A_580 = arith.index_cast %add3A_579 : i32 to index
        %get3A_581 = arith.constant 16 : index
        %get3A_582 = tpu.vector_load %arg8[%get3A_580, %get3A_581] {strides = array<i32>} : memref<800x64xf32, #tpu.memory_space<vmem>>, vector<1x16xf32>,
        %get3A_583 = vector.shape_cast %get3A_582 : vector<1x16xf32> to vector<16xf32>
        %add3A_584 = arith.addf %add3A_577, %get3A_583 : vector<16xf32>
        %get3A_585 = arith.index_cast %add3A_560 : i32 to index
        %get3A_586 = arith.constant 32 : index
        %get3A_587 = tpu.vector_load %arg8[%get3A_585, %get3A_586] {strides = array<i32>} : memref<800x64xf32, #tpu.memory_space<vmem>>, vector<1x16xf32>,
        %get3A_588 = vector.shape_cast %get3A_587 : vector<1x16xf32> to vector<16xf32>
        %add3A_589 = arith.addf %add3A_542, %get3A_588 : vector<16xf32>
        %add3A_590 = arith.constant 1 : i32
        %add3A_591 = arith.addi %add3A_560, %add3A_590 : i32
        %get3A_592 = arith.index_cast %add3A_591 : i32 to index
        %get3A_593 = arith.constant 32 : index
        %get3A_594 = tpu.vector_load %arg8[%get3A_592, %get3A_593] {strides = array<i32>} : memref<800x64xf32, #tpu.memory_space<vmem>>, vector<1x16xf32>,
        %get3A_595 = vector.shape_cast %get3A_594 : vector<1x16xf32> to vector<16xf32>
        %add3A_596 = arith.addf %add3A_589, %get3A_595 : vector<16xf32>
        %get3A_597 = arith.index_cast %add3A_560 : i32 to index
        %get3A_598 = arith.constant 48 : index
        %get3A_599 = tpu.vector_load %arg8[%get3A_597, %get3A_598] {strides = array<i32>} : memref<800x64xf32, #tpu.memory_space<vmem>>, vector<1x16xf32>,
        %get3A_600 = vector.shape_cast %get3A_599 : vector<1x16xf32> to vector<16xf32>
        %add3A_601 = arith.addf %add3A_554, %get3A_600 : vector<16xf32>
        %add3A_602 = arith.constant 1 : i32
        %add3A_603 = arith.addi %add3A_560, %add3A_602 : i32
        %get3A_604 = arith.index_cast %add3A_603 : i32 to index
        %get3A_605 = arith.constant 48 : index
        %get3A_606 = tpu.vector_load %arg8[%get3A_604, %get3A_605] {strides = array<i32>} : memref<800x64xf32, #tpu.memory_space<vmem>>, vector<1x16xf32>,
        %get3A_607 = vector.shape_cast %get3A_606 : vector<1x16xf32> to vector<16xf32>
        %add3A_608 = arith.addf %add3A_601, %get3A_607 : vector<16xf32>
        %scan3A_609 = arith.constant 3 : i32
        %scan3A_610 = arith.addi %scan3A_445, %scan3A_609 : i32
        %mul3A_611 = arith.constant 2 : i32
        %mul3A_612 = arith.muli %mul3A_611, %scan3A_610 : i32
        %add3A_613 = arith.constant 600 : i32
        %add3A_614 = arith.addi %add3A_613, %mul3A_612 : i32
        %get3A_615 = arith.index_cast %add3A_614 : i32 to index
        %get3A_616 = arith.constant 0 : index
        %get3A_617 = tpu.vector_load %arg8[%get3A_615, %get3A_616] {strides = array<i32>} : memref<800x64xf32, #tpu.memory_space<vmem>>, vector<1x16xf32>,
        %get3A_618 = vector.shape_cast %get3A_617 : vector<1x16xf32> to vector<16xf32>
        %add3A_619 = arith.addf %add3A_572, %get3A_618 : vector<16xf32>
        %add3A_620 = arith.constant 1 : i32
        %add3A_621 = arith.addi %add3A_614, %add3A_620 : i32
        %get3A_622 = arith.index_cast %add3A_621 : i32 to index
        %get3A_623 = arith.constant 0 : index
        %get3A_624 = tpu.vector_load %arg8[%get3A_622, %get3A_623] {strides = array<i32>} : memref<800x64xf32, #tpu.memory_space<vmem>>, vector<1x16xf32>,
        %get3A_625 = vector.shape_cast %get3A_624 : vector<1x16xf32> to vector<16xf32>
        %add3A_626 = arith.addf %add3A_619, %get3A_625 : vector<16xf32>
        %get3A_627 = arith.index_cast %add3A_614 : i32 to index
        %get3A_628 = arith.constant 16 : index
        %get3A_629 = tpu.vector_load %arg8[%get3A_627, %get3A_628] {strides = array<i32>} : memref<800x64xf32, #tpu.memory_space<vmem>>, vector<1x16xf32>,
        %get3A_630 = vector.shape_cast %get3A_629 : vector<1x16xf32> to vector<16xf32>
        %add3A_631 = arith.addf %add3A_584, %get3A_630 : vector<16xf32>
        %add3A_632 = arith.constant 1 : i32
        %add3A_633 = arith.addi %add3A_614, %add3A_632 : i32
        %get3A_634 = arith.index_cast %add3A_633 : i32 to index
        %get3A_635 = arith.constant 16 : index
        %get3A_636 = tpu.vector_load %arg8[%get3A_634, %get3A_635] {strides = array<i32>} : memref<800x64xf32, #tpu.memory_space<vmem>>, vector<1x16xf32>,
        %get3A_637 = vector.shape_cast %get3A_636 : vector<1x16xf32> to vector<16xf32>
        %add3A_638 = arith.addf %add3A_631, %get3A_637 : vector<16xf32>
        %get3A_639 = arith.index_cast %add3A_614 : i32 to index
        %get3A_640 = arith.constant 32 : index
        %get3A_641 = tpu.vector_load %arg8[%get3A_639, %get3A_640] {strides = array<i32>} : memref<800x64xf32, #tpu.memory_space<vmem>>, vector<1x16xf32>,
        %get3A_642 = vector.shape_cast %get3A_641 : vector<1x16xf32> to vector<16xf32>
        %add3A_643 = arith.addf %add3A_596, %get3A_642 : vector<16xf32>
        %add3A_644 = arith.constant 1 : i32
        %add3A_645 = arith.addi %add3A_614, %add3A_644 : i32
        %get3A_646 = arith.index_cast %add3A_645 : i32 to index
        %get3A_647 = arith.constant 32 : index
        %get3A_648 = tpu.vector_load %arg8[%get3A_646, %get3A_647] {strides = array<i32>} : memref<800x64xf32, #tpu.memory_space<vmem>>, vector<1x16xf32>,
        %get3A_649 = vector.shape_cast %get3A_648 : vector<1x16xf32> to vector<16xf32>
        %add3A_650 = arith.addf %add3A_643, %get3A_649 : vector<16xf32>
        %get3A_651 = arith.index_cast %add3A_614 : i32 to index
        %get3A_652 = arith.constant 48 : index
        %get3A_653 = tpu.vector_load %arg8[%get3A_651, %get3A_652] {strides = array<i32>} : memref<800x64xf32, #tpu.memory_space<vmem>>, vector<1x16xf32>,
        %get3A_654 = vector.shape_cast %get3A_653 : vector<1x16xf32> to vector<16xf32>
        %add3A_655 = arith.addf %add3A_608, %get3A_654 : vector<16xf32>
        %add3A_656 = arith.constant 1 : i32
        %add3A_657 = arith.addi %add3A_614, %add3A_656 : i32
        %get3A_658 = arith.index_cast %add3A_657 : i32 to index
        %get3A_659 = arith.constant 48 : index
        %get3A_660 = tpu.vector_load %arg8[%get3A_658, %get3A_659] {strides = array<i32>} : memref<800x64xf32, #tpu.memory_space<vmem>>, vector<1x16xf32>,
        %get3A_661 = vector.shape_cast %get3A_660 : vector<1x16xf32> to vector<16xf32>
        %add3A_662 = arith.addf %add3A_655, %get3A_661 : vector<16xf32>
        scf.yield %add3A_626, %add3A_638, %add3A_650, %add3A_662 : vector<16xf32>, vector<16xf32>, vector<16xf32>, vector<16xf32>
      }
      %scan3A_406 = arith.constant 100 : i32
      %swap3A_407 = arith.constant 3 : i32
      %swap3A_408 = arith.index_cast %swap3A_407 : i32 to index
      %swap3A_409 = arith.constant 0 : index
      %swap3A_410 = tpu.vector_load %arg10[%swap3A_408, %swap3A_409] {strides = array<i32>} : memref<4x64xf32, #tpu.memory_space<vmem>>, vector<1x16xf32>,
      %swap3A_411 = vector.shape_cast %swap3A_410 : vector<1x16xf32> to vector<16xf32>
      %swap3A_412 = vector.shape_cast %scan3A_405#0 : vector<16xf32> to vector<1x16xf32>
      tpu.vector_store %arg10[%swap3A_408, %swap3A_409], %swap3A_412 {strides = array<i32>} : memref<4x64xf32, #tpu.memory_space<vmem>>, vector<1x16xf32>,
      %swap3A_413 = arith.constant 3 : i32
      %swap3A_414 = arith.index_cast %swap3A_413 : i32 to index
      %swap3A_415 = arith.constant 16 : index
      %swap3A_416 = tpu.vector_load %arg10[%swap3A_414, %swap3A_415] {strides = array<i32>} : memref<4x64xf32, #tpu.memory_space<vmem>>, vector<1x16xf32>,
      %swap3A_417 = vector.shape_cast %swap3A_416 : vector<1x16xf32> to vector<16xf32>
      %swap3A_418 = vector.shape_cast %scan3A_405#1 : vector<16xf32> to vector<1x16xf32>
      tpu.vector_store %arg10[%swap3A_414, %swap3A_415], %swap3A_418 {strides = array<i32>} : memref<4x64xf32, #tpu.memory_space<vmem>>, vector<1x16xf32>,
      %swap3A_419 = arith.constant 3 : i32
      %swap3A_420 = arith.index_cast %swap3A_419 : i32 to index
      %swap3A_421 = arith.constant 32 : index
      %swap3A_422 = tpu.vector_load %arg10[%swap3A_420, %swap3A_421] {strides = array<i32>} : memref<4x64xf32, #tpu.memory_space<vmem>>, vector<1x16xf32>,
      %swap3A_423 = vector.shape_cast %swap3A_422 : vector<1x16xf32> to vector<16xf32>
      %swap3A_424 = vector.shape_cast %scan3A_405#2 : vector<16xf32> to vector<1x16xf32>
      tpu.vector_store %arg10[%swap3A_420, %swap3A_421], %swap3A_424 {strides = array<i32>} : memref<4x64xf32, #tpu.memory_space<vmem>>, vector<1x16xf32>,
      %swap3A_425 = arith.constant 3 : i32
      %swap3A_426 = arith.index_cast %swap3A_425 : i32 to index
      %swap3A_427 = arith.constant 48 : index
      %swap3A_428 = tpu.vector_load %arg10[%swap3A_426, %swap3A_427] {strides = array<i32>} : memref<4x64xf32, #tpu.memory_space<vmem>>, vector<1x16xf32>,
      %swap3A_429 = vector.shape_cast %swap3A_428 : vector<1x16xf32> to vector<16xf32>
      %swap3A_430 = vector.shape_cast %scan3A_405#3 : vector<16xf32> to vector<1x16xf32>
      tpu.vector_store %arg10[%swap3A_426, %swap3A_427], %swap3A_430 {strides = array<i32>} : memref<4x64xf32, #tpu.memory_space<vmem>>, vector<1x16xf32>,
      %mul3A_431 = arith.constant 4 : i32
      %mul3A_432 = arith.muli %add3A_284, %mul3A_431 : i32
      %add3A_433 = arith.addi %mul3A_2, %mul3A_432 : i32
      %dma_start3A_434 = arith.constant 0 : i32
      %dma_start3A_435 = tpu.memref_slice %arg4[%add3A_433, %dma_start3A_434] : memref<4096x64xf32, #tpu.memory_space<hbm>> -> memref<4x64xf32, #tpu.memory_space<hbm>>
      %dma_start3A_436 = arith.constant 0 : i32
      %dma_start3A_437 = tpu.memref_slice %arg4[%add3A_433, %dma_start3A_436] : memref<4096x64xf32, #tpu.memory_space<hbm>> -> memref<4x64xf32, #tpu.memory_space<hbm>>
      tpu.enqueue_dma source(%arg10 : memref<4x64xf32, #tpu.memory_space<vmem>>) target(%dma_start3A_437 : memref<4x64xf32, #tpu.memory_space<hbm>>) target_semaphore(%arg16 : memref<!tpu.dma_semaphore, #tpu.memory_space<semaphore_mem>>)
      %add3A_438 = arith.constant 2 : i32
      %add3A_439 = arith.addi %add3A_284, %add3A_438 : i32
      %lt3A_440 = arith.constant 32 : i32
      %lt3A_441 = arith.cmpi slt, %add3A_439, %lt3A_440 : i32
      %convert_element_type3A_442 = arith.extui %lt3A_441 : i1 to i32
      %cond3A_443 = arith.constant 0 : i32
      %cond3A_444 = arith.cmpi ne, %convert_element_type3A_442, %cond3A_443 : i32
      scf.if %cond3A_444 {
        %dma_wait3A_445 = arith.constant 0 : i32
        %dma_wait3A_446 = arith.constant 0 : i32
        %dma_wait3A_447 = tpu.memref_slice %arg2[%dma_wait3A_445, %dma_wait3A_446] : memref<4096x200xi32, #tpu.memory_space<hbm>> -> memref<4x200xi32, #tpu.memory_space<hbm>>
        %dma_wait3A_448 = arith.constant 0 : i32
        %dma_wait3A_449 = arith.constant 0 : i32
        %dma_wait3A_450 = tpu.memref_slice %arg2[%dma_wait3A_448, %dma_wait3A_449] : memref<4096x200xi32, #tpu.memory_space<hbm>> -> memref<4x200xi32, #tpu.memory_space<hbm>>
        tpu.wait_dma2 semaphore(%arg14 : memref<!tpu.dma_semaphore, #tpu.memory_space<semaphore_mem>>) src(%dma_wait3A_450 : memref<4x200xi32, #tpu.memory_space<hbm>>) dst(%arg6 : memref<4x200xi32, #tpu.memory_space<vmem>>)
        %add3A_451 = arith.constant 2 : i32
        %add3A_452 = arith.addi %add3A_284, %add3A_451 : i32
        %dma_start3A_453 = arith.constant 0 : i32
        %dma_start3A_454 = arith.constant 0 : i32
        %dma_start3A_455 = arith.constant 0 : i32
        %dma_start3A_456 = tpu.memref_slice %arg8[%dma_start3A_454, %dma_start3A_455] : memref<800x64xf32, #tpu.memory_space<vmem>> -> memref<200x64xf32, #tpu.memory_space<vmem>>
        %dma_start3A_457 = arith.constant 0 : i32
        %dma_start3A_458 = tpu.memref_slice %arg6[%dma_start3A_453, %dma_start3A_457] : memref<4x200xi32, #tpu.memory_space<vmem>> -> memref<1x200xi32, #tpu.memory_space<vmem>>
        %dma_start3A_459 = tpu.memref_squeeze %dma_start3A_458 : memref<1x200xi32, #tpu.memory_space<vmem>> -> memref<200xi32, #tpu.memory_space<vmem>>
        %dma_start3A_460 = arith.constant 0 : i32
        %dma_start3A_461 = arith.constant 0 : i32
        %dma_start3A_462 = tpu.memref_slice %arg3[%dma_start3A_460, %dma_start3A_461] : memref<1000000x64xf32, #tpu.memory_space<hbm>> -> memref<1000000x64xf32, #tpu.memory_space<hbm>>
        tpu.enqueue_indirect_dma source(%dma_start3A_462 : memref<1000000x64xf32, #tpu.memory_space<hbm>>) target(%dma_start3A_456 : memref<200x64xf32, #tpu.memory_space<vmem>>) offsets(%dma_start3A_459 : memref<200xi32, #tpu.memory_space<vmem>>) semaphore(%arg12 : memref<!tpu.dma_semaphore, #tpu.memory_space<semaphore_mem>>)
        %dma_start3A_463 = arith.constant 1 : i32
        %dma_start3A_464 = arith.constant 200 : i32
        %dma_start3A_465 = arith.constant 0 : i32
        %dma_start3A_466 = tpu.memref_slice %arg8[%dma_start3A_464, %dma_start3A_465] : memref<800x64xf32, #tpu.memory_space<vmem>> -> memref<200x64xf32, #tpu.memory_space<vmem>>
        %dma_start3A_467 = arith.constant 0 : i32
        %dma_start3A_468 = tpu.memref_slice %arg6[%dma_start3A_463, %dma_start3A_467] : memref<4x200xi32, #tpu.memory_space<vmem>> -> memref<1x200xi32, #tpu.memory_space<vmem>>
        %dma_start3A_469 = tpu.memref_squeeze %dma_start3A_468 : memref<1x200xi32, #tpu.memory_space<vmem>> -> memref<200xi32, #tpu.memory_space<vmem>>
        %dma_start3A_470 = arith.constant 0 : i32
        %dma_start3A_471 = arith.constant 0 : i32
        %dma_start3A_472 = tpu.memref_slice %arg3[%dma_start3A_470, %dma_start3A_471] : memref<1000000x64xf32, #tpu.memory_space<hbm>> -> memref<1000000x64xf32, #tpu.memory_space<hbm>>
        tpu.enqueue_indirect_dma source(%dma_start3A_472 : memref<1000000x64xf32, #tpu.memory_space<hbm>>) target(%dma_start3A_466 : memref<200x64xf32, #tpu.memory_space<vmem>>) offsets(%dma_start3A_469 : memref<200xi32, #tpu.memory_space<vmem>>) semaphore(%arg12 : memref<!tpu.dma_semaphore, #tpu.memory_space<semaphore_mem>>)
        %dma_start3A_473 = arith.constant 2 : i32
        %dma_start3A_474 = arith.constant 400 : i32
        %dma_start3A_475 = arith.constant 0 : i32
        %dma_start3A_476 = tpu.memref_slice %arg8[%dma_start3A_474, %dma_start3A_475] : memref<800x64xf32, #tpu.memory_space<vmem>> -> memref<200x64xf32, #tpu.memory_space<vmem>>
        %dma_start3A_477 = arith.constant 0 : i32
        %dma_start3A_478 = tpu.memref_slice %arg6[%dma_start3A_473, %dma_start3A_477] : memref<4x200xi32, #tpu.memory_space<vmem>> -> memref<1x200xi32, #tpu.memory_space<vmem>>
        %dma_start3A_479 = tpu.memref_squeeze %dma_start3A_478 : memref<1x200xi32, #tpu.memory_space<vmem>> -> memref<200xi32, #tpu.memory_space<vmem>>
        %dma_start3A_480 = arith.constant 0 : i32
        %dma_start3A_481 = arith.constant 0 : i32
        %dma_start3A_482 = tpu.memref_slice %arg3[%dma_start3A_480, %dma_start3A_481] : memref<1000000x64xf32, #tpu.memory_space<hbm>> -> memref<1000000x64xf32, #tpu.memory_space<hbm>>
        tpu.enqueue_indirect_dma source(%dma_start3A_482 : memref<1000000x64xf32, #tpu.memory_space<hbm>>) target(%dma_start3A_476 : memref<200x64xf32, #tpu.memory_space<vmem>>) offsets(%dma_start3A_479 : memref<200xi32, #tpu.memory_space<vmem>>) semaphore(%arg12 : memref<!tpu.dma_semaphore, #tpu.memory_space<semaphore_mem>>)
        %dma_start3A_483 = arith.constant 3 : i32
        %dma_start3A_484 = arith.constant 600 : i32
        %dma_start3A_485 = arith.constant 0 : i32
        %dma_start3A_486 = tpu.memref_slice %arg8[%dma_start3A_484, %dma_start3A_485] : memref<800x64xf32, #tpu.memory_space<vmem>> -> memref<200x64xf32, #tpu.memory_space<vmem>>
        %dma_start3A_487 = arith.constant 0 : i32
        %dma_start3A_488 = tpu.memref_slice %arg6[%dma_start3A_483, %dma_start3A_487] : memref<4x200xi32, #tpu.memory_space<vmem>> -> memref<1x200xi32, #tpu.memory_space<vmem>>
        %dma_start3A_489 = tpu.memref_squeeze %dma_start3A_488 : memref<1x200xi32, #tpu.memory_space<vmem>> -> memref<200xi32, #tpu.memory_space<vmem>>
        %dma_start3A_490 = arith.constant 0 : i32
        %dma_start3A_491 = arith.constant 0 : i32
        %dma_start3A_492 = tpu.memref_slice %arg3[%dma_start3A_490, %dma_start3A_491] : memref<1000000x64xf32, #tpu.memory_space<hbm>> -> memref<1000000x64xf32, #tpu.memory_space<hbm>>
        tpu.enqueue_indirect_dma source(%dma_start3A_492 : memref<1000000x64xf32, #tpu.memory_space<hbm>>) target(%dma_start3A_486 : memref<200x64xf32, #tpu.memory_space<vmem>>) offsets(%dma_start3A_489 : memref<200xi32, #tpu.memory_space<vmem>>) semaphore(%arg12 : memref<!tpu.dma_semaphore, #tpu.memory_space<semaphore_mem>>)
      } else {
      }
    }
    %scan3A_109 = arith.constant 16 : i32
    %dma_wait3A_110 = arith.constant 0 : i32
    %dma_wait3A_111 = arith.constant 0 : i32
    %dma_wait3A_112 = tpu.memref_slice %arg4[%dma_wait3A_110, %dma_wait3A_111] : memref<4096x64xf32, #tpu.memory_space<hbm>> -> memref<4x64xf32, #tpu.memory_space<hbm>>
    %dma_wait3A_113 = arith.constant 0 : i32
    %dma_wait3A_114 = arith.constant 0 : i32
    %dma_wait3A_115 = tpu.memref_slice %arg4[%dma_wait3A_113, %dma_wait3A_114] : memref<4096x64xf32, #tpu.memory_space<hbm>> -> memref<4x64xf32, #tpu.memory_space<hbm>>
    tpu.wait_dma2 semaphore(%arg15 : memref<!tpu.dma_semaphore, #tpu.memory_space<semaphore_mem>>) src(%arg9 : memref<4x64xf32, #tpu.memory_space<vmem>>) dst(%dma_wait3A_115 : memref<4x64xf32, #tpu.memory_space<hbm>>)
    %dma_wait3A_116 = arith.constant 0 : i32
    %dma_wait3A_117 = arith.constant 0 : i32
    %dma_wait3A_118 = tpu.memref_slice %arg4[%dma_wait3A_116, %dma_wait3A_117] : memref<4096x64xf32, #tpu.memory_space<hbm>> -> memref<4x64xf32, #tpu.memory_space<hbm>>
    %dma_wait3A_119 = arith.constant 0 : i32
    %dma_wait3A_120 = arith.constant 0 : i32
    %dma_wait3A_121 = tpu.memref_slice %arg4[%dma_wait3A_119, %dma_wait3A_120] : memref<4096x64xf32, #tpu.memory_space<hbm>> -> memref<4x64xf32, #tpu.memory_space<hbm>>
    tpu.wait_dma2 semaphore(%arg16 : memref<!tpu.dma_semaphore, #tpu.memory_space<semaphore_mem>>) src(%arg10 : memref<4x64xf32, #tpu.memory_space<vmem>>) dst(%dma_wait3A_121 : memref<4x64xf32, #tpu.memory_space<hbm>>)
    return
  }
}

module attributes {stable_mosaic.version = 14 : i64} {
  func.func @_tc_finish_kernel(%arg0: i32, %arg1: memref<512x200xi32, #tpu.memory_space<vmem>>, %arg2: memref<512x64xf32, #tpu.memory_space<vmem>>, %arg3: memref<1x64xf32, #tpu.memory_space<vmem>>, %arg4: memref<64x16xf32, #tpu.memory_space<vmem>>, %arg5: memref<1x16xf32, #tpu.memory_space<vmem>>, %arg6: memref<512x16xf32, #tpu.memory_space<vmem>>) attributes {dimension_semantics = [#tpu.dimension_semantics<arbitrary>], iteration_bounds = array<i64: 8>, scalar_prefetch = 0 : i64, scratch_operands = 0 : i64, tpu.core_type = #tpu.core_type<tc>, window_params = [{transform_indices = @transform_0, window_bounds = array<i64: 512, 200>}, {transform_indices = @transform_1, window_bounds = array<i64: 512, 64>}, {pipeline_mode = #tpu.pipeline_mode<synchronous>, transform_indices = @transform_2, window_bounds = array<i64: 1, 64>}, {pipeline_mode = #tpu.pipeline_mode<synchronous>, transform_indices = @transform_3, window_bounds = array<i64: 64, 16>}, {pipeline_mode = #tpu.pipeline_mode<synchronous>, transform_indices = @transform_4, window_bounds = array<i64: 1, 16>}, {transform_indices = @transform_5, window_bounds = array<i64: 512, 16>}]} {
    %get3A = arith.constant 0 : index
    %get3A_0 = arith.constant 0 : index
    %get3A_1 = vector.load %arg1[%get3A, %get3A_0] : memref<512x200xi32, #tpu.memory_space<vmem>>, vector<512x200xi32>
    %eq3A = arith.constant 0 : i32
    %eq3A_2 = vector.broadcast %eq3A : i32 to vector<512x200xi32>
    %eq3A_3 = arith.cmpi eq, %get3A_1, %eq3A_2 : vector<512x200xi32>
    %convert_element_type3A = arith.extui %eq3A_3 : vector<512x200xi1> to vector<512x200xi32>
    %convert_element_type3A_4 = arith.sitofp %convert_element_type3A : vector<512x200xi32> to vector<512x200xf32>
    %reduce_sum3A = arith.constant dense<0.000000e+00> : vector<512xf32>
    %reduce_sum3A_5 = vector.multi_reduction <add>, %convert_element_type3A_4, %reduce_sum3A [1] : vector<512x200xf32> to vector<512xf32>
    %broadcast_in_dim3A = vector.shape_cast %reduce_sum3A_5 : vector<512xf32> to vector<512x1xf32>
    %get3A_6 = arith.constant 0 : index
    %get3A_7 = arith.constant 0 : index
    %get3A_8 = vector.load %arg2[%get3A_6, %get3A_7] : memref<512x64xf32, #tpu.memory_space<vmem>>, vector<512x64xf32>
    %get3A_9 = arith.constant 0 : index
    %get3A_10 = arith.constant 0 : index
    %get3A_11 = vector.load %arg3[%get3A_9, %get3A_10] : memref<1x64xf32, #tpu.memory_space<vmem>>, vector<1x64xf32>
    %mul3A = vector.broadcast %broadcast_in_dim3A : vector<512x1xf32> to vector<512x64xf32>
    %mul3A_12 = vector.broadcast %get3A_11 : vector<1x64xf32> to vector<512x64xf32>
    %mul3A_13 = arith.mulf %mul3A, %mul3A_12 : vector<512x64xf32>
    %sub3A = arith.subf %get3A_8, %mul3A_13 : vector<512x64xf32>
    %sub3A_14 = arith.constant 2.000000e+02 : f32
    %sub3A_15 = vector.broadcast %sub3A_14 : f32 to vector<512x1xf32>
    %sub3A_16 = arith.subf %sub3A_15, %broadcast_in_dim3A : vector<512x1xf32>
    %div3A = arith.constant 1.000000e+00 : f32
    %div3A_17 = vector.broadcast %div3A : f32 to vector<512x1xf32>
    %div3A_18 = arith.divf %div3A_17, %sub3A_16 : vector<512x1xf32>
    %get3A_19 = arith.constant 0 : index
    %get3A_20 = arith.constant 0 : index
    %get3A_21 = vector.load %arg4[%get3A_19, %get3A_20] : memref<64x16xf32, #tpu.memory_space<vmem>>, vector<64x16xf32>
    %dot_general3A = arith.constant dense<0.000000e+00> : vector<512x16xf32>
    %dot_general3A_22 = tpu.matmul %sub3A, %get3A_21, %dot_general3A {dimension_numbers = #tpu.dot_dimension_numbers<[1], [0], [0], [1], [0, 0, 1, 1], [], []>, transpose_lhs_hint = false} : vector<512x64xf32>, vector<64x16xf32>, vector<512x16xf32> -> vector<512x16xf32>
    %mul3A_23 = vector.broadcast %div3A_18 : vector<512x1xf32> to vector<512x16xf32>
    %mul3A_24 = arith.mulf %dot_general3A_22, %mul3A_23 : vector<512x16xf32>
    %get3A_25 = arith.constant 0 : index
    %get3A_26 = arith.constant 0 : index
    %get3A_27 = vector.load %arg5[%get3A_25, %get3A_26] : memref<1x16xf32, #tpu.memory_space<vmem>>, vector<1x16xf32>
    %add3A = vector.broadcast %get3A_27 : vector<1x16xf32> to vector<512x16xf32>
    %add3A_28 = arith.addf %mul3A_24, %add3A : vector<512x16xf32>
    %swap3A = arith.constant 0 : index
    %swap3A_29 = arith.constant 0 : index
    %swap3A_30 = vector.load %arg6[%swap3A, %swap3A_29] : memref<512x16xf32, #tpu.memory_space<vmem>>, vector<512x16xf32>
    tpu.vector_store %arg6[%swap3A, %swap3A_29], %add3A_28 {strides = array<i32>} : memref<512x16xf32, #tpu.memory_space<vmem>>, vector<512x16xf32>,
    return
  }
  func.func @transform_0(%arg0: i32) -> (i32, i32) {
    %c0_i32 = arith.constant 0 : i32
    %c0_i32_0 = arith.constant 0 : i32
    return %arg0, %c0_i32 : i32, i32
  }
  func.func @transform_1(%arg0: i32) -> (i32, i32) {
    %c0_i32 = arith.constant 0 : i32
    %c0_i32_0 = arith.constant 0 : i32
    return %arg0, %c0_i32 : i32, i32
  }
  func.func @transform_2(%arg0: i32) -> (i32, i32) {
    %c0_i32 = arith.constant 0 : i32
    %c0_i32_0 = arith.constant 0 : i32
    %c0_i32_1 = arith.constant 0 : i32
    return %c0_i32, %c0_i32_0 : i32, i32
  }
  func.func @transform_3(%arg0: i32) -> (i32, i32) {
    %c0_i32 = arith.constant 0 : i32
    %c0_i32_0 = arith.constant 0 : i32
    %c0_i32_1 = arith.constant 0 : i32
    return %c0_i32, %c0_i32_0 : i32, i32
  }
  func.func @transform_4(%arg0: i32) -> (i32, i32) {
    %c0_i32 = arith.constant 0 : i32
    %c0_i32_0 = arith.constant 0 : i32
    %c0_i32_1 = arith.constant 0 : i32
    return %c0_i32, %c0_i32_0 : i32, i32
  }
  func.func @transform_5(%arg0: i32) -> (i32, i32) {
    %c0_i32 = arith.constant 0 : i32
    %c0_i32_0 = arith.constant 0 : i32
    return %arg0, %c0_i32 : i32, i32
  }
}

</mosaic_0001>

<sc_bundles>
// kernel: _run.4.cloned.1.call-start
scs
__scs_entry_jumppad:
0x0: {  	(pc) =	sbr.rel $0x88, $3  }
0x1: {  	(tag) =	ssettag $0x0;
	lr =	simm.s32 $0x1  }
0x2: {  	[smem:$0x3F9C] =	sst lr;
	_ =	strace $0xD0000000  }
0x3: {  	_ = 	snop  }
0x4: {  	_ = 	snop  }
0x5: {  	_ = 	snop  }
0x6: {  	_ = 	snop  }
0x7: {  	_ = 	snop  }
__scs_overlays_trampoline_lowered:
0x8: {  	[smem:$0x3FAB] =	sst s0  }
0x9: {  	[smem:$0x3FAC] =	sst s1  }
0xa: {  	[smem:$0x3FAD] =	sst s2  }
0xb: {  	[smem:$0x3FAE] =	sst s3  }
0xc: {  	[smem:$0x3FAF] =	sst s4  }
0xd: {  	[smem:$0x3FB0] =	sst s5  }
0xe: {  	[smem:$0x3FB1] =	sst s6  }
0xf: {  	[smem:$0x3FB2] =	sst s7  }
0x10: {  	[smem:$0x3FB3] =	sst s8  }
0x11: {  	[smem:$0x3FB4] =	sst s9;
	s0 =	simm.s32 @!p0 $0x0  }
0x12: {  	s1 =	sld [smem:$0x3F9A];
	s0 =	simm.s32 @p0 $0x1  }
0x13: {  	[smem:$0x3FB5] =	sst s0;
	s0 =	simm.s32 @!p1 $0x0  }
0x14: {  	s2 =	sld [smem:$0x3F99];
	s0 =	simm.s32 @p1 $0x1  }
0x15: {  	[smem:$0x3FB6] =	sst s0;
	s0 =	simm.s32 @!p2 $0x0  }
0x16: {  	s3 =	sld [smem:$0x3FDB];
	s0 =	simm.s32 @p2 $0x1  }
0x17: {  	s4 =	simm.s32 $0x1BF5;
	[smem:$0x3FB8] =	sst s0  }
0x18: {  	s0 =	sld [smem:$0x3F9B];
	_ =	swait.ge [sflag:s4], $0x0  }
0x19: {  	s7 =	sld [smem:$0x3F9C]  }
0x1a: {  	s8 =	sadd.s32 $0xFFFFE003, lr  }
0x1b: {  	s9 =	sadd.s32 $0xFFFFFEF7, lr;
	s5 =	simm.s32 $0xFFFFFFFF;
	p2 =	slt.u32 s8, $0xFFFFF086  }
0x1c: {  	p1 =	slt.u32 s9, $0xF7A;
	s5 =	simm.s32 @!p2 $0x0  }
0x1d: {  	s5 =	simm.s32 @p1 $0x1;
	p0 =	seq.s32 s7, s2  }
0x1e: {  	s7 =	smul.u32 @!p0 $0xF7A, s2;
	p2 =	seq.s32 @!p0 s5, $0x0  }
0x1f: {  	s9 =	smul.u32 $0xF7A, s1;
	s8 =	simm.s32 @!p0 $0x1BF5;
	p2 =	por !p2, p0  }
0x20: {  	[sflag:s8] =	ssyncset.s32 @!p0 $0xFFFFF086;
	s6 =	sadd.s32 @!p0 s3, s7;
	s7 =	simm.s32 @!p0 $0x108  }
0x21: {  	s3 =	sadd.s32 s3, s9;
	s6 =	sadd.s32 @!p0 $0x88, s6;
	s7 =	simm.s32 @p2 $0x1082  }
0x22: {  	[simem:s7], [sflag:s8] =	dma.local @!p0 [hbm:s6], $0xF7A  }
0x23: {  	s9 =	sor.u32 $0xD0000000, s2;
	s6 =	simm.s32 $0x108;
	_ =	swait.ge @!p0 [sflag:s8], $0x0  }
0x24: {  	s3 =	sadd.s32 $0x88, s3;
	s6 =	simm.s32 @!p1 $0x1082;
	[sflag:s4] =	ssyncset.s32 $0xFFFFF086  }
0x25: {  	[simem:s6], [sflag:s4] =	dma.local [hbm:s3], $0xF7A  }
0x26: {  	[smem:$0x3F9C] =	sst s1;
	(tag) =	ssettag s2;
	_ =	strace s9  }
0x27: {  	s1 =	sld [smem:$0x3FAC]  }
0x28: {  	s2 =	sld [smem:$0x3FAD]  }
0x29: {  	s4 =	sld [smem:$0x3FAF]  }
0x2a: {  	p0 =	seq.s32 s5, $0x0;
	s5 =	sld [smem:$0x3FB0]  }
0x2b: {  	s6 =	sld [smem:$0x3FB1]  }
0x2c: {  	s7 =	sld [smem:$0x3FB2]  }
0x2d: {  	s3 =	simm.s32 $0x108;
	s8 =	sld [smem:$0x3FB3]  }
0x2e: {  	s3 =	simm.s32 @!p0 $0x1082;
	s9 =	sld [smem:$0x3FB4]  }
0x2f: {  	lr =	sadd.s32 s0, s3;
	s0 =	sld [smem:$0x3FAB]  }
0x30: {  	s3 =	sld [smem:$0x3FAE]  }
0x31: {  	[smem:$0x3FB7] =	sst s10  }
0x32: {  	s10 =	sld [smem:$0x3FB5];
	_ =	sdelay $0x3  }
0x33: {  	p0 =	seq.s32 s10, $0x1;
	s10 =	sld [smem:$0x3FB7];
	_ =	sdelay $0x3  }
0x34: {  	[smem:$0x3FB7] =	sst s10  }
0x35: {  	s10 =	sld [smem:$0x3FB6];
	_ =	sdelay $0x3  }
0x36: {  	p1 =	seq.s32 s10, $0x1;
	s10 =	sld [smem:$0x3FB7];
	_ =	sdelay $0x3  }
0x37: {  	[smem:$0x3FB7] =	sst s10  }
0x38: {  	s10 =	sld [smem:$0x3FB8]  }
0x39: {  	_ = 	snop;
	(pc) =	sbr.ind lr, $3  }
0x3a: {  	_ = 	snop  }
0x3b: {  	_ = 	snop  }
0x3c: {  	p2 =	seq.s32 s10, $0x1;
	s10 =	sld [smem:$0x3FB7]  }
0x3d: {  	_ =	shalt  }
0x3e: {  	_ =	shalt  }
0x3f: {  	_ =	shalt  }
0x40: {  	_ =	shalt  }
0x41: {  	_ =	shalt  }
0x42: {  	_ =	shalt  }
0x43: {  	_ =	shalt  }
0x44: {  	_ =	shalt  }
0x45: {  	_ =	shalt  }
0x46: {  	_ =	shalt  }
0x47: {  	_ =	shalt  }
0x48: {  	_ =	shalt  }
0x49: {  	_ =	shalt  }
0x4a: {  	_ =	shalt  }
0x4b: {  	_ =	shalt  }
0x4c: {  	_ =	shalt  }
0x4d: {  	_ =	shalt  }
0x4e: {  	_ =	shalt  }
0x4f: {  	_ =	shalt  }
0x50: {  	_ =	shalt  }
0x51: {  	_ =	shalt  }
0x52: {  	_ =	shalt  }
0x53: {  	_ =	shalt  }
0x54: {  	_ =	shalt  }
0x55: {  	_ =	shalt  }
0x56: {  	_ =	shalt  }
0x57: {  	_ =	shalt  }
0x58: {  	_ =	shalt  }
0x59: {  	_ =	shalt  }
0x5a: {  	_ =	shalt  }
0x5b: {  	_ =	shalt  }
0x5c: {  	_ =	shalt  }
0x5d: {  	_ =	shalt  }
0x5e: {  	_ =	shalt  }
0x5f: {  	_ =	shalt  }
0x60: {  	_ =	shalt  }
0x61: {  	_ =	shalt  }
0x62: {  	_ =	shalt  }
0x63: {  	_ =	shalt  }
0x64: {  	_ =	shalt  }
0x65: {  	_ =	shalt  }
0x66: {  	_ =	shalt  }
0x67: {  	_ =	shalt  }
0x68: {  	_ =	shalt  }
0x69: {  	_ =	shalt  }
0x6a: {  	_ =	shalt  }
0x6b: {  	_ =	shalt  }
0x6c: {  	_ =	shalt  }
0x6d: {  	_ =	shalt  }
0x6e: {  	_ =	shalt  }
0x6f: {  	_ =	shalt  }
0x70: {  	_ =	shalt  }
0x71: {  	_ =	shalt  }
0x72: {  	_ =	shalt  }
0x73: {  	_ =	shalt  }
0x74: {  	_ =	shalt  }
0x75: {  	_ =	shalt  }
0x76: {  	_ =	shalt  }
0x77: {  	_ =	shalt  }
0x78: {  	_ =	shalt  }
0x79: {  	_ =	shalt  }
0x7a: {  	_ =	shalt  }
0x7b: {  	_ =	shalt  }
0x7c: {  	_ =	shalt  }
0x7d: {  	_ =	shalt  }
0x7e: {  	_ =	shalt  }
0x7f: {  	_ =	shalt  }
0x80: {  	_ =	shalt  }
0x81: {  	_ =	shalt  }
0x82: {  	_ =	shalt  }
0x83: {  	_ =	shalt  }
0x84: {  	_ =	shalt  }
0x85: {  	_ =	shalt  }
0x86: {  	_ =	shalt  }
0x87: {  	_ =	shalt  }
.Lfunc_end0:
.L_simem_size_0:
called_computation_lowered:
.L_overlay_start_0:
0x88: {  	s2 =	sld [smem:$0x3FD9]  }
0x89: {  	s3 =	sld [smem:$0x3FFE];
	_ =	sdelay $0x1  }
0x8a: {  	s1 =	srdreg.scid  }
0x8b: {  	s0 =	sand.u32 $0x1, s1  }
0x8c: {  	s16 =	sshll.u32 s0, $0xA;
	s2 =	sadd.s32 s3, s2  }
0x8d: {  	s2 =	sadd.s32 s2, s16  }
0x8e: {  	[smem:$0x3FC3] =	sst s2  }
0x8f: {  	_ = 	snop  }
0x90: {  	(tm) =	ssettm $0x1  }
0x91: {  	s17 =	sld [smem:$0x3FFB];
	_ =	sdelay $0x3  }
0x92: {  	_ =	strace s17  }
0x93: {  	s2 =	sld [smem:$0x3FFC];
	_ =	sdelay $0x3  }
0x94: {  	_ =	strace s2  }
0x95: {  	s2 =	sld [smem:$0x3FFD];
	_ =	sdelay $0x3  }
0x96: {  	_ =	strace s2  }
0x97: {  	_ =	strace $0x8FFFFFFF  }
0x98: {  	s18 =	sld [smem:$0x3FDB];
	_ =	sdelay $0x1  }
0x99: {  	s19 =	simm.s32 $_scs_section_size  }
0x9a: {  	s4 =	simm.s32 $_size__tile_overlayer_lowered;
	s5 =	simm.s32 $_tile_overlayer_lowered  }
0x9b: {  	s22 =	simm.s32 $0x1BFF;
	s21 =	sshll.u32 s5, $0x1;
	s2 =	sadd.s32 s19, s18  }
0x9c: {  	s6 =	simm.s32 $0x0;
	s20 =	sshll.u32 s4, $0x1;
	s4 =	sadd.s32 s21, s2  }
0x9d: {  	[timem:s6], [sflag:s22] =	dma.local [hbm:s4], s20  }
0x9e: {  	_ =	swait.ge [sflag:s22], s20  }
0x9f: {  	s3 =	ssub.s32 $0x0, s20;
	[sflag:s22] =	ssyncset.done $0x0  }
0xa0: {  	[sflag:s22] =	ssyncadd.s32 s3;
	_ =	sdelay $0x1  }
0xa1: {  	s23 =	simm.s32 $0x1B8B  }
0xa2: {  	_ =	swait.ge [sflag:s23], $0x1  }
0xa3: {  	[sflag:s23] =	ssyncset.done $0x0  }
0xa4: {  	s25 =	simm.s32 $0x1B8E;
	s24 =	sld [smem:$0x3FFE];
	[sflag:s23] =	ssyncadd.s32 $0xFFFFFFFF  }
0xa5: {  	s26 =	simm.s32 $execute0_lowered;
	[smem:$0x3FD2] =	sst s25  }
0xa6: {  	s4 =	sshll.u32 s26, $0x1;
	_ =	strace $0x80000046;
	[dreg:$0x1] =	wrdreg $0xFFFFFFFF  }
0xa7: {  	s28 =	simm.s32 $_size_execute0_lowered;
	s2 =	sadd.s32 s2, s4;
	[dreg:$0x0] =	wrdreg $0x0  }
0xa8: {  	s4 =	sshll.u32 s28, $0x1;
	[dreg:$0x2] =	wrdreg s2  }
0xa9: {  	[dreg:$0x3] =	wrdreg s4  }
0xaa: {  	[dreg:$0x4] =	wrdreg $0xC0  }
0xab: {  	_ =	task [dreg:s6], $0x5FFFF  }
0xac: {  	[dreg:$0x1] =	wrdreg $0xFFFFFFFF  }
0xad: {  	[dreg:$0x0] =	wrdreg $0x60  }
0xae: {  	[dreg:$0x2] =	wrdreg s24  }
0xaf: {  	[dreg:$0x3] =	wrdreg $0x9  }
0xb0: {  	_ =	task.clear_ibuf [dreg:s6], $0x4FFFF;
	_ =	strace $0x90000046  }
0xb1: {  	s29 =	simm.s32 $0x9;
	_ =	strace $0x80000048  }
0xb2: {  	_ =	swait.ge [sflag:s29], $0x1  }
0xb3: {  	[sflag:s29] =	ssyncadd.s32 $0xFFFFFFFF  }
0xb4: {  	_ =	strace $0x90000048  }
0xb5: {  	_ =	sfence  }
0xb6: {  	s30 =	sld [smem:$0x0];
	_ =	sdelay $0x2  }
0xb7: {  	s31 =	sshll.u32 s1, $0xD;
	s1 =	sshrl.u32 s1, $0x2  }
0xb8: {  	s3 =	sand.u32 $0x4000, s31;
	s1 =	sadd.s32 s1, s30  }
0xb9: {  	s0 =	sor.u32 s3, s0;
	s1 =	sshll.u32 s1, $0x11  }
0xba: {  	s0 =	sor.u32 s1, s0  }
0xbb: {  	s0 =	sadd.s32 $0x8F2B, s0  }
0xbc: {  	[sflag:s0] =	ssyncadd.remote.s32 $0x1  }
0xbd: {  	_ =	sfence.sel $0xFFFF  }
0xbe: {  	[dreg:$0x0] =	wrdreg $0xFFFFFFFF;
	(pc) =	sbr.abs _section_cstart, $3  }
0xbf: {  	[dreg:$0x1] =	wrdreg $0xFFFFFFFF  }
0xc0: {  	_ =	task.clear_ibuf [dreg:s6], $0x2FFFF;
	_ =	strace $0x9FFFFFFF  }
0xc1: {  	(tm) =	ssettm $0x7FFFFFFF  }
tec
execute0_lowered:
.L_overlay_start_1:
0x0: {  	(tag) =	ssettag $0x1  }
0x1: {  	s0 =	rddreg [dreg:$0x0]  }
0x2: {  	s1 =	srdreg.scid;
	s3 =	stileid.u32  }
0x3: {  	s2 =	simm.s32 $0x0;
	s12 =	simm.s32 $0x3;
	s13 =	simm.s32 $0xC8  }
0x4: {  	s20 =	simm.s32 $0x320;
	s21 =	simm.s32 $0x4;
	s22 =	simm.s32 $0xCE40  }
0x5: {  	s23 =	simm.s32 $0x3E8;
	s24 =	simm.s32 $0x10040;
	s28 =	simm.s32 $0x578  }
0x6: {  	s29 =	simm.s32 $0x16440;
	s30 =	simm.s32 $0x1;
	s31 =	simm.s32 $0x19640  }
0x7: {  	s14 =	simm.s32 $0x6;
	s15 =	simm.s32 $0x0;
	s1 =	sand.u32 $0x1, s1  }
0x8: {  	s3 =	sshll.u32 s3, $0x8;
	[smem:$0x7FF] =	sst s2;
	s4 =	sshll.u32 s1, $0x7  }
0x9: {  	_ =	strace $0x80000047;
	s1 =	ssub.s32 $0x2, s1;
	s9 =	sor.u32 s4, s3  }
0xa: {  	s3 =	sadd.s32 $0x20E00, s0;
	s4 =	sadd.s32 $0xF7C200, s0;
	s25 =	sshrl.u32 s1, $0x1  }
0xb: {  	s5 =	smul.u32 $0x19, s9;
	s6 =	sshll.u32 s9, $0x3;
	s1 =	ssub.s32 s1, s25  }
.Ltmp0:
0xc: {  	s7 =	sor.u32 $0x8, s9;
	s9 =	sor.u32 $0xC, s9;
	(pc) =	sbr.rel .LBB2_1-.Ltmp0, $4  }
0xd: {  	s25 =	simm.s32 $0x4B0;
	s0 =	sadd.s32 s6, s0;
	s1 =	smax.u32 s1, $0x1  }
0xe: {  	s5 =	sadd.s32 s3, s5;
	s8 =	sadd.s32 $0x39E00, s0;
	[dreg:$0x3] =	wrdreg s1  }
0xf: {  	s11 =	sadd.s32 $0x39E20, s0;
	s0 =	simm.s32 $0x19740;
	s26 =	sadd.s32 $0x64, s5  }
0x10: {  	s1 =	simm.s32 $0x5;
	[dreg:$0x2] =	wrdreg s26;
	s26 =	simm.s32 $0x13240  }
.LBB2_23:
0x11: {  	_ =	swait.ge [sflag:s1], $0x100  }
0x12: {  	[sflag:s1] =	ssyncset.done $0x0  }
0x13: {  	[sflag:s1] =	ssyncadd.s32 $0xFFFFFF00  }
0x14: {  	_ =	swait.ge [sflag:s14], $0x100  }
0x15: {  	s15 =	sadd.s32 $0x1, s15;
	s6 =	rddreg [dreg:$0x3]  }
0x16: {  	p0 =	sne.s32 s15, s6  }
.Ltmp1:
0x17: {  	_ = 	snop;
	(pc) =	sbr.rel @!p0 .LBB2_24-.Ltmp1, $3  }
0x18: {  	_ =	sdelay $0x1  }
0x19: {  	[sflag:s14] =	ssyncset.done $0x0  }
0x1a: {  	[sflag:s14] =	ssyncadd.s32 $0xFFFFFF00  }
.LBB2_1:
0x1b: {  	[tilespmem:s2], [sflag:$0x3] =	stream.linear.gather [hbm4b:s5+s2], $0x320, $0x38;
	[tilespmem:$0x19840] =	vst v63  }
0x1c: {  	_ =	swait.ge [sflag:s12], $0x320  }
0x1d: {  	[sflag:s12] =	ssyncset.done $0x0  }
0x1e: {  	s6 =	simm.s32 $0x640;
	[sflag:s12] =	ssyncadd.s32 $0xFFFFFCE0  }
0x1f: {  	[tilespmem:s6], [sflag:$0x1] =	stream.indirect.gather [hbm4b:s4+s13], $0x40, s2, s13, $0xb8;
	[tilespmem:$0x19840] =	vst v63  }
0x20: {  	s10 =	simm.s32 $0x3840  }
0x21: {  	[tilespmem:s10], [sflag:$0x1] =	stream.indirect.gather [hbm4b:s4+s13], $0x40, s13, s13, $0xb8;
	[tilespmem:$0x19840] =	vst v63  }
0x22: {  	s16 =	simm.s32 $0x190;
	s10 =	simm.s32 $0x6A40  }
0x23: {  	[tilespmem:s10], [sflag:$0x1] =	stream.indirect.gather [hbm4b:s4+s13], $0x40, s16, s13, $0xb8;
	[tilespmem:$0x19840] =	vst v63  }
0x24: {  	s17 =	simm.s32 $0x258;
	s18 =	simm.s32 $0x9C40  }
0x25: {  	[tilespmem:s18], [sflag:$0x1] =	stream.indirect.gather [hbm4b:s4+s13], $0x40, s17, s13, $0xb8;
	[tilespmem:$0x19840] =	vst v63  }
0x26: {  	s19 =	rddreg [dreg:$0x2]  }
0x27: {  	[tilespmem:s20], [sflag:$0x4] =	stream.linear.gather [hbm4b:s19+s2], $0x320, $0x38;
	[tilespmem:$0x19840] =	vst v63  }
0x28: {  	_ =	swait.ge [sflag:s21], $0x320  }
0x29: {  	[sflag:s21] =	ssyncset.done $0x0  }
0x2a: {  	[sflag:s21] =	ssyncadd.s32 $0xFFFFFCE0  }
0x2b: {  	[tilespmem:s22], [sflag:$0x2] =	stream.indirect.gather [hbm4b:s4+s13], $0x40, s20, s13, $0xb8;
	[tilespmem:$0x19840] =	vst v63  }
0x2c: {  	_ = 	snop  }
0x2d: {  	[tilespmem:s24], [sflag:$0x2] =	stream.indirect.gather [hbm4b:s4+s13], $0x40, s23, s13, $0xb8;
	[tilespmem:$0x19840] =	vst v63  }
0x2e: {  	_ = 	snop  }
0x2f: {  	[tilespmem:s26], [sflag:$0x2] =	stream.indirect.gather [hbm4b:s4+s13], $0x40, s25, s13, $0xb8;
	[tilespmem:$0x19840] =	vst v63  }
0x30: {  	s16 =	simm.s32 $0x0  }
0x31: {  	[tilespmem:s29], [sflag:$0x2] =	stream.indirect.gather [hbm4b:s4+s13], $0x40, s28, s13, $0xb8;
	[tilespmem:$0x19840] =	vst v63  }
.LBB2_2:
0x32: {  	p0 =	seq.s32 s16, $0xF  }
0x33: {  	p1 =	seq.s32 @!p0 s16, $0x0  }
0x34: {  	s17 =	sshll.u32 @!p0 s16, $0x3;
	p1 =	por p0, !p1  }
.Ltmp2:
0x35: {  	s17 =	sadd.s32 @!p0 s17, s7;
	(pc) =	sbr.rel @!p1 .LBB2_3-.Ltmp2, $4  }
0x36: {  	_ =	swait.ge [sflag:s30], $0xC800;
	s17 =	smul.u32 @!p0 $0x19, s17  }
0x37: {  	[sflag:s30] =	ssyncset.done $0x0  }
0x38: {  	s18 =	simm.s32 @!p0 $0x0;
	[sflag:s30] =	ssyncadd.s32 $0xFFFF3800;
	s17 =	sadd.s32 @!p0 s3, s17  }
0x39: {  	[tilespmem:s18], [sflag:$0x3] =	stream.linear.gather @!p0 [hbm4b:s17+s18], $0x320, $0x38;
	[tilespmem:$0x19840] =	vst v63  }
.Ltmp3:
0x3a: {  	(pc) =	sbr.rel .LBB2_5-.Ltmp3, $4  }
0x3b: {  	_ = 	snop  }
0x3c: {  	_ =	swait.ge [sflag:s1], $0x100  }
0x3d: {  	[sflag:s1] =	ssyncset.done $0x0  }
0x3e: {  	p1 =	por $0x0, $0x0;
	[sflag:s1] =	ssyncadd.s32 $0xFFFFFF00  }
.LBB2_3:
0x3f: {  	p1 =	por @!p0 $0x1, $0x1  }
.LBB2_5:
0x40: {  	s18 =	simm.s32 $0x740  }
0x41: {  	v0 =	vld [tilespmem:s18+$0xC0]  }
0x42: {  	v1 =	vld [tilespmem:s18+$0xD0]  }
0x43: {  	v2 =	vld [tilespmem:s18+$0x80]  }
0x44: {  	v3 =	vld [tilespmem:s18+$0x90]  }
0x45: {  	v9 =	vld [tilespmem:s18+$0x40]  }
0x46: {  	v12 =	vld [tilespmem:s18+$0x50]  }
0x47: {  	v7 =	vld [tilespmem:s18+$0x0]  }
0x48: {  	v8 =	vld [tilespmem:s18+$0x10]  }
0x49: {  	v5 =	vld [tilespmem:s18+$0xFFFFFFC0]  }
0x4a: {  	v6 =	vld [tilespmem:s18+$0xFFFFFFD0]  }
0x4b: {  	v4 =	vld [tilespmem:s18+$0xFFFFFF80]  }
0x4c: {  	v10 =	vld [tilespmem:s18+$0xFFFFFF90]  }
0x4d: {  	v11 =	vld [tilespmem:s18+$0xFFFFFF40]  }
0x4e: {  	v13 =	vld [tilespmem:s18+$0xFFFFFF50]  }
0x4f: {  	v14 =	vld [tilespmem:s18+$0xFFFFFF00]  }
0x50: {  	v15 =	vld [tilespmem:s18+$0xFFFFFF10]  }
0x51: {  	v16 =	vld [tilespmem:s18+$0xFFFFFF20]  }
0x52: {  	v17 =	vld [tilespmem:s18+$0xFFFFFF30]  }
0x53: {  	v18 =	vld [tilespmem:s18+$0xFFFFFF60]  }
0x54: {  	v19 =	vld [tilespmem:s18+$0xFFFFFF70]  }
0x55: {  	v20 =	vimm.f32 $0.0e+00;
	v21 =	vld [tilespmem:s18+$0xFFFFFFA0]  }
0x56: {  	v22 =	vld [tilespmem:s18+$0xFFFFFFB0];
	v14 =	vadd.f32 v14, v20;
	v15 =	vadd.f32 v15, v20  }
0x57: {  	v59 =	vld [tilespmem:s18+$0xFFFFFFE0];
	v16 =	vadd.f32 v16, v20;
	v17 =	vadd.f32 v17, v20  }
0x58: {  	v11 =	vadd.f32 v11, v14;
	v13 =	vadd.f32 v13, v15;
	v14 =	vld [tilespmem:s18+$0xFFFFFFF0]  }
0x59: {  	v61 =	vld [tilespmem:s18+$0x20];
	v15 =	vadd.f32 v18, v16;
	v60 =	vadd.f32 v19, v17  }
0x5a: {  	v11 =	vadd.f32 v4, v11;
	v10 =	vadd.f32 v10, v13;
	v13 =	vld [tilespmem:s18+$0x30]  }
0x5b: {  	v15 =	vadd.f32 v21, v15;
	v16 =	vadd.f32 v22, v60;
	v4 =	vld [tilespmem:s18+$0x60]  }
0x5c: {  	v11 =	vadd.f32 v5, v11;
	v10 =	vadd.f32 v6, v10;
	v6 =	vld [tilespmem:s18+$0x70]  }
0x5d: {  	v15 =	vadd.f32 v59, v15;
	v5 =	vld [tilespmem:s18+$0xA0];
	v14 =	vadd.f32 v14, v16  }
0x5e: {  	v62 =	vadd.f32 v7, v11;
	v63 =	vadd.f32 v8, v10;
	v8 =	vld [tilespmem:s18+$0xB0]  }
0x5f: {  	v11 =	vadd.f32 v61, v15;
	v7 =	vld [tilespmem:s18+$0xE0];
	v10 =	vadd.f32 v13, v14  }
0x60: {  	s17 =	simm.s32 $0x0;
	v13 =	vadd.f32 v9, v62;
	v12 =	vadd.f32 v12, v63;
	v9 =	vld [tilespmem:s18+$0xF0];
	s18 =	simm.s32 $0x940  }
.LBB2_6:
0x61: {  	v14 =	vld [tilespmem:s18+$0xC0];
	v4 =	vadd.f32 v4, v11;
	v6 =	vadd.f32 v6, v10  }
0x62: {  	v10 =	vld [tilespmem:s18+$0xD0];
	v11 =	vadd.f32 v2, v13;
	v12 =	vadd.f32 v3, v12  }
0x63: {  	v2 =	vld [tilespmem:s18+$0x80];
	v4 =	vadd.f32 v5, v4;
	v5 =	vadd.f32 v8, v6  }
0x64: {  	v3 =	vld [tilespmem:s18+$0x90];
	v6 =	vadd.f32 v0, v11;
	v8 =	vadd.f32 v1, v12  }
0x65: {  	v12 =	vld [tilespmem:s18+$0x40];
	v4 =	vadd.f32 v7, v4;
	v5 =	vadd.f32 v9, v5  }
0x66: {  	v9 =	vld [tilespmem:s18+$0x50];
	v0 =	vmov v14  }
0x67: {  	v7 =	vld [tilespmem:s18+$0x0];
	v1 =	vmov v10  }
0x68: {  	v10 =	vld [tilespmem:s18+$0x10]  }
0x69: {  	v11 =	vld [tilespmem:s18+$0xFFFFFFC0]  }
0x6a: {  	v13 =	vld [tilespmem:s18+$0xFFFFFFD0]  }
0x6b: {  	v14 =	vld [tilespmem:s18+$0xFFFFFF80]  }
0x6c: {  	v15 =	vld [tilespmem:s18+$0xFFFFFF90]  }
0x6d: {  	v16 =	vld [tilespmem:s18+$0xFFFFFF40]  }
0x6e: {  	v17 =	vld [tilespmem:s18+$0xFFFFFF50]  }
0x6f: {  	v18 =	vld [tilespmem:s18+$0xFFFFFF00]  }
0x70: {  	v19 =	vld [tilespmem:s18+$0xFFFFFF10]  }
0x71: {  	v20 =	vld [tilespmem:s18+$0xFFFFFF20]  }
0x72: {  	s17 =	sadd.s32 $0x4, s17;
	v21 =	vld [tilespmem:s18+$0xFFFFFF30]  }
0x73: {  	p2 =	slt.u32 s17, $0x60;
	v22 =	vld [tilespmem:s18+$0xFFFFFF60]  }
0x74: {  	v23 =	vld [tilespmem:s18+$0xFFFFFF70]  }
0x75: {  	v24 =	vld [tilespmem:s18+$0xFFFFFFA0]  }
0x76: {  	v6 =	vadd.f32 v18, v6;
	v8 =	vadd.f32 v19, v8;
	v18 =	vld [tilespmem:s18+$0xFFFFFFB0]  }
0x77: {  	v4 =	vadd.f32 v20, v4;
	v5 =	vadd.f32 v21, v5;
	v19 =	vld [tilespmem:s18+$0xFFFFFFE0]  }
0x78: {  	v6 =	vadd.f32 v16, v6;
	v8 =	vadd.f32 v17, v8;
	v16 =	vld [tilespmem:s18+$0xFFFFFFF0]  }
0x79: {  	v4 =	vadd.f32 v22, v4;
	v5 =	vadd.f32 v23, v5;
	v17 =	vld [tilespmem:s18+$0x20]  }
0x7a: {  	v6 =	vadd.f32 v14, v6;
	v8 =	vadd.f32 v15, v8;
	v14 =	vld [tilespmem:s18+$0x30]  }
0x7b: {  	v15 =	vadd.f32 v24, v4;
	v5 =	vadd.f32 v18, v5;
	v4 =	vld [tilespmem:s18+$0x60]  }
.Ltmp4:
0x7c: {  	v11 =	vadd.f32 v11, v6;
	v8 =	vadd.f32 v13, v8;
	v6 =	vld [tilespmem:s18+$0x70];
	(pc) =	sbr.rel @p2 .LBB2_6-.Ltmp4, $4  }
0x7d: {  	v13 =	vadd.f32 v19, v15;
	v15 =	vadd.f32 v16, v5;
	v5 =	vld [tilespmem:s18+$0xA0]  }
0x7e: {  	v16 =	vadd.f32 v7, v11;
	v18 =	vadd.f32 v10, v8;
	v8 =	vld [tilespmem:s18+$0xB0]  }
0x7f: {  	v11 =	vadd.f32 v17, v13;
	v10 =	vadd.f32 v14, v15;
	v7 =	vld [tilespmem:s18+$0xE0]  }
0x80: {  	v13 =	vadd.f32 v12, v16;
	v12 =	vadd.f32 v9, v18;
	v9 =	vld [tilespmem:s18+$0xF0];
	s18 =	sadd.s32 $0x200, s18  }
0x81: {  	_ = 	snop  }
0x82: {  	v4 =	vadd.f32 v4, v11;
	v2 =	vadd.f32 v2, v13  }
0x83: {  	v6 =	vadd.f32 v6, v10;
	v3 =	vadd.f32 v3, v12  }
0x84: {  	v4 =	vadd.f32 v5, v4;
	v0 =	vadd.f32 v0, v2  }
0x85: {  	v2 =	vadd.f32 v8, v6;
	v1 =	vadd.f32 v1, v3  }
0x86: {  	v3 =	vadd.f32 v7, v4;
	[tilespmem:$0x19640] =	vst v0  }
0x87: {  	v0 =	vadd.f32 v9, v2;
	[tilespmem:$0x19650] =	vst v1  }
0x88: {  	[tilespmem:$0x19660] =	vst v3  }
0x89: {  	s18 =	simm.s32 $0x3A30;
	[tilespmem:$0x19670] =	vst v0  }
0x8a: {  	v0 =	vld [tilespmem:s18+$0xFFFFFFD0]  }
0x8b: {  	v1 =	vld [tilespmem:s18+$0xFFFFFFE0]  }
0x8c: {  	v2 =	vld [tilespmem:s18+$0xFFFFFF90]  }
0x8d: {  	v3 =	vld [tilespmem:s18+$0xFFFFFFA0]  }
0x8e: {  	v9 =	vld [tilespmem:s18+$0xFFFFFF50]  }
0x8f: {  	v12 =	vld [tilespmem:s18+$0xFFFFFF60]  }
0x90: {  	v7 =	vld [tilespmem:s18+$0xFFFFFF10]  }
0x91: {  	v8 =	vld [tilespmem:s18+$0xFFFFFF20]  }
0x92: {  	v5 =	vld [tilespmem:s18+$0xFFFFFED0]  }
0x93: {  	v6 =	vld [tilespmem:s18+$0xFFFFFEE0]  }
0x94: {  	v4 =	vld [tilespmem:s18+$0xFFFFFE90]  }
0x95: {  	v10 =	vld [tilespmem:s18+$0xFFFFFEA0]  }
0x96: {  	v11 =	vld [tilespmem:s18+$0xFFFFFE50]  }
0x97: {  	v13 =	vld [tilespmem:s18+$0xFFFFFE60]  }
0x98: {  	v14 =	vld [tilespmem:s18+$0xFFFFFE10]  }
0x99: {  	v15 =	vld [tilespmem:s18+$0xFFFFFE20]  }
0x9a: {  	v16 =	vld [tilespmem:s18+$0xFFFFFE30]  }
0x9b: {  	v17 =	vld [tilespmem:s18+$0xFFFFFE40]  }
0x9c: {  	v18 =	vld [tilespmem:s18+$0xFFFFFE70]  }
0x9d: {  	v19 =	vld [tilespmem:s18+$0xFFFFFE80]  }
0x9e: {  	v20 =	vimm.f32 $0.0e+00;
	v21 =	vld [tilespmem:s18+$0xFFFFFEB0]  }
0x9f: {  	v22 =	vld [tilespmem:s18+$0xFFFFFEC0];
	v14 =	vadd.f32 v14, v20;
	v15 =	vadd.f32 v15, v20  }
0xa0: {  	v59 =	vld [tilespmem:s18+$0xFFFFFEF0];
	v16 =	vadd.f32 v16, v20;
	v17 =	vadd.f32 v17, v20  }
0xa1: {  	v11 =	vadd.f32 v11, v14;
	v13 =	vadd.f32 v13, v15;
	v14 =	vld [tilespmem:s18+$0xFFFFFF00]  }
0xa2: {  	v61 =	vld [tilespmem:s18+$0xFFFFFF30];
	v15 =	vadd.f32 v18, v16;
	v60 =	vadd.f32 v19, v17  }
0xa3: {  	v11 =	vadd.f32 v4, v11;
	v10 =	vadd.f32 v10, v13;
	v13 =	vld [tilespmem:s18+$0xFFFFFF40]  }
0xa4: {  	v15 =	vadd.f32 v21, v15;
	v16 =	vadd.f32 v22, v60;
	v4 =	vld [tilespmem:s18+$0xFFFFFF70]  }
0xa5: {  	v11 =	vadd.f32 v5, v11;
	v10 =	vadd.f32 v6, v10;
	v6 =	vld [tilespmem:s18+$0xFFFFFF80]  }
0xa6: {  	v15 =	vadd.f32 v59, v15;
	v5 =	vld [tilespmem:s18+$0xFFFFFFB0];
	v14 =	vadd.f32 v14, v16  }
0xa7: {  	v62 =	vadd.f32 v7, v11;
	v63 =	vadd.f32 v8, v10;
	v8 =	vld [tilespmem:s18+$0xFFFFFFC0]  }
0xa8: {  	v11 =	vadd.f32 v61, v15;
	v7 =	vld [tilespmem:s18+$0xFFFFFFF0];
	v10 =	vadd.f32 v13, v14  }
0xa9: {  	s17 =	simm.s32 $0x0;
	v13 =	vadd.f32 v9, v62;
	v12 =	vadd.f32 v12, v63;
	v9 =	vld [tilespmem:s18+$0x0];
	s18 =	simm.s32 $0x3C30  }
.LBB2_8:
0xaa: {  	v14 =	vld [tilespmem:s18+$0xFFFFFFD0];
	v4 =	vadd.f32 v4, v11;
	v6 =	vadd.f32 v6, v10  }
0xab: {  	v10 =	vld [tilespmem:s18+$0xFFFFFFE0];
	v11 =	vadd.f32 v2, v13;
	v12 =	vadd.f32 v3, v12  }
0xac: {  	v2 =	vld [tilespmem:s18+$0xFFFFFF90];
	v4 =	vadd.f32 v5, v4;
	v5 =	vadd.f32 v8, v6  }
0xad: {  	v3 =	vld [tilespmem:s18+$0xFFFFFFA0];
	v6 =	vadd.f32 v0, v11;
	v8 =	vadd.f32 v1, v12  }
0xae: {  	v12 =	vld [tilespmem:s18+$0xFFFFFF50];
	v4 =	vadd.f32 v7, v4;
	v5 =	vadd.f32 v9, v5  }
0xaf: {  	v9 =	vld [tilespmem:s18+$0xFFFFFF60];
	v0 =	vmov v14  }
0xb0: {  	v7 =	vld [tilespmem:s18+$0xFFFFFF10];
	v1 =	vmov v10  }
0xb1: {  	v10 =	vld [tilespmem:s18+$0xFFFFFF20]  }
0xb2: {  	v11 =	vld [tilespmem:s18+$0xFFFFFED0]  }
0xb3: {  	v13 =	vld [tilespmem:s18+$0xFFFFFEE0]  }
0xb4: {  	v14 =	vld [tilespmem:s18+$0xFFFFFE90]  }
0xb5: {  	v15 =	vld [tilespmem:s18+$0xFFFFFEA0]  }
0xb6: {  	v16 =	vld [tilespmem:s18+$0xFFFFFE50]  }
0xb7: {  	v17 =	vld [tilespmem:s18+$0xFFFFFE60]  }
0xb8: {  	v18 =	vld [tilespmem:s18+$0xFFFFFE10]  }
0xb9: {  	v19 =	vld [tilespmem:s18+$0xFFFFFE20]  }
0xba: {  	v20 =	vld [tilespmem:s18+$0xFFFFFE30]  }
0xbb: {  	s17 =	sadd.s32 $0x4, s17;
	v21 =	vld [tilespmem:s18+$0xFFFFFE40]  }
0xbc: {  	p2 =	slt.u32 s17, $0x60;
	v22 =	vld [tilespmem:s18+$0xFFFFFE70]  }
0xbd: {  	v23 =	vld [tilespmem:s18+$0xFFFFFE80]  }
0xbe: {  	v24 =	vld [tilespmem:s18+$0xFFFFFEB0]  }
0xbf: {  	v6 =	vadd.f32 v18, v6;
	v8 =	vadd.f32 v19, v8;
	v18 =	vld [tilespmem:s18+$0xFFFFFEC0]  }
0xc0: {  	v4 =	vadd.f32 v20, v4;
	v5 =	vadd.f32 v21, v5;
	v19 =	vld [tilespmem:s18+$0xFFFFFEF0]  }
0xc1: {  	v6 =	vadd.f32 v16, v6;
	v8 =	vadd.f32 v17, v8;
	v16 =	vld [tilespmem:s18+$0xFFFFFF00]  }
0xc2: {  	v4 =	vadd.f32 v22, v4;
	v5 =	vadd.f32 v23, v5;
	v17 =	vld [tilespmem:s18+$0xFFFFFF30]  }
0xc3: {  	v6 =	vadd.f32 v14, v6;
	v8 =	vadd.f32 v15, v8;
	v14 =	vld [tilespmem:s18+$0xFFFFFF40]  }
0xc4: {  	v15 =	vadd.f32 v24, v4;
	v5 =	vadd.f32 v18, v5;
	v4 =	vld [tilespmem:s18+$0xFFFFFF70]  }
.Ltmp5:
0xc5: {  	v11 =	vadd.f32 v11, v6;
	v8 =	vadd.f32 v13, v8;
	v6 =	vld [tilespmem:s18+$0xFFFFFF80];
	(pc) =	sbr.rel @p2 .LBB2_8-.Ltmp5, $4  }
0xc6: {  	v13 =	vadd.f32 v19, v15;
	v15 =	vadd.f32 v16, v5;
	v5 =	vld [tilespmem:s18+$0xFFFFFFB0]  }
0xc7: {  	v16 =	vadd.f32 v7, v11;
	v18 =	vadd.f32 v10, v8;
	v8 =	vld [tilespmem:s18+$0xFFFFFFC0]  }
0xc8: {  	v11 =	vadd.f32 v17, v13;
	v10 =	vadd.f32 v14, v15;
	v7 =	vld [tilespmem:s18+$0xFFFFFFF0]  }
0xc9: {  	v13 =	vadd.f32 v12, v16;
	v12 =	vadd.f32 v9, v18;
	v9 =	vld [tilespmem:s18+$0x0];
	s18 =	sadd.s32 $0x200, s18  }
0xca: {  	_ = 	snop  }
0xcb: {  	v4 =	vadd.f32 v4, v11;
	v2 =	vadd.f32 v2, v13  }
0xcc: {  	v6 =	vadd.f32 v6, v10;
	v3 =	vadd.f32 v3, v12  }
0xcd: {  	v4 =	vadd.f32 v5, v4;
	v0 =	vadd.f32 v0, v2  }
0xce: {  	v2 =	vadd.f32 v8, v6;
	v1 =	vadd.f32 v1, v3  }
0xcf: {  	v3 =	vadd.f32 v7, v4;
	[tilespmem:$0x19680] =	vst v0  }
0xd0: {  	v0 =	vadd.f32 v9, v2;
	[tilespmem:$0x19690] =	vst v1  }
0xd1: {  	[tilespmem:$0x196A0] =	vst v3  }
0xd2: {  	s18 =	simm.s32 $0x6A40;
	[tilespmem:$0x196B0] =	vst v0  }
0xd3: {  	v0 =	vld [tilespmem:s18+$0x1C0]  }
0xd4: {  	v1 =	vld [tilespmem:s18+$0x1D0]  }
0xd5: {  	v2 =	vld [tilespmem:s18+$0x180]  }
0xd6: {  	v3 =	vld [tilespmem:s18+$0x190]  }
0xd7: {  	v9 =	vld [tilespmem:s18+$0x140]  }
0xd8: {  	v12 =	vld [tilespmem:s18+$0x150]  }
0xd9: {  	v7 =	vld [tilespmem:s18+$0x100]  }
0xda: {  	v8 =	vld [tilespmem:s18+$0x110]  }
0xdb: {  	v5 =	vld [tilespmem:s18+$0xC0]  }
0xdc: {  	v6 =	vld [tilespmem:s18+$0xD0]  }
0xdd: {  	v4 =	vld [tilespmem:s18+$0x80]  }
0xde: {  	v10 =	vld [tilespmem:s18+$0x90]  }
0xdf: {  	v11 =	vld [tilespmem:s18+$0x40]  }
0xe0: {  	v13 =	vld [tilespmem:s18+$0x50]  }
0xe1: {  	v14 =	vld [tilespmem:s18+$0x0]  }
0xe2: {  	v15 =	vld [tilespmem:s18+$0x10]  }
0xe3: {  	v16 =	vld [tilespmem:s18+$0x20]  }
0xe4: {  	v17 =	vld [tilespmem:s18+$0x30]  }
0xe5: {  	v18 =	vld [tilespmem:s18+$0x60]  }
0xe6: {  	v19 =	vld [tilespmem:s18+$0x70]  }
0xe7: {  	v20 =	vimm.f32 $0.0e+00;
	v21 =	vld [tilespmem:s18+$0xA0]  }
0xe8: {  	v22 =	vld [tilespmem:s18+$0xB0];
	v14 =	vadd.f32 v14, v20;
	v15 =	vadd.f32 v15, v20  }
0xe9: {  	v59 =	vld [tilespmem:s18+$0xE0];
	v16 =	vadd.f32 v16, v20;
	v17 =	vadd.f32 v17, v20  }
0xea: {  	v11 =	vadd.f32 v11, v14;
	v13 =	vadd.f32 v13, v15;
	v14 =	vld [tilespmem:s18+$0xF0]  }
0xeb: {  	v61 =	vld [tilespmem:s18+$0x120];
	v15 =	vadd.f32 v18, v16;
	v60 =	vadd.f32 v19, v17  }
0xec: {  	v11 =	vadd.f32 v4, v11;
	v10 =	vadd.f32 v10, v13;
	v13 =	vld [tilespmem:s18+$0x130]  }
0xed: {  	v15 =	vadd.f32 v21, v15;
	v16 =	vadd.f32 v22, v60;
	v4 =	vld [tilespmem:s18+$0x160]  }
0xee: {  	v11 =	vadd.f32 v5, v11;
	v10 =	vadd.f32 v6, v10;
	v6 =	vld [tilespmem:s18+$0x170]  }
0xef: {  	v15 =	vadd.f32 v59, v15;
	v5 =	vld [tilespmem:s18+$0x1A0];
	v14 =	vadd.f32 v14, v16  }
0xf0: {  	v62 =	vadd.f32 v7, v11;
	v63 =	vadd.f32 v8, v10;
	v8 =	vld [tilespmem:s18+$0x1B0]  }
0xf1: {  	v11 =	vadd.f32 v61, v15;
	v7 =	vld [tilespmem:s18+$0x1E0];
	v10 =	vadd.f32 v13, v14  }
0xf2: {  	s17 =	simm.s32 $0x0;
	v13 =	vadd.f32 v9, v62;
	v12 =	vadd.f32 v12, v63;
	v9 =	vld [tilespmem:s18+$0x1F0];
	s18 =	simm.s32 $0x6C40  }
.LBB2_10:
0xf3: {  	v14 =	vld [tilespmem:s18+$0x1C0];
	v4 =	vadd.f32 v4, v11;
	v6 =	vadd.f32 v6, v10  }
0xf4: {  	v10 =	vld [tilespmem:s18+$0x1D0];
	v11 =	vadd.f32 v2, v13;
	v12 =	vadd.f32 v3, v12  }
0xf5: {  	v2 =	vld [tilespmem:s18+$0x180];
	v4 =	vadd.f32 v5, v4;
	v5 =	vadd.f32 v8, v6  }
0xf6: {  	v3 =	vld [tilespmem:s18+$0x190];
	v6 =	vadd.f32 v0, v11;
	v8 =	vadd.f32 v1, v12  }
0xf7: {  	v12 =	vld [tilespmem:s18+$0x140];
	v4 =	vadd.f32 v7, v4;
	v5 =	vadd.f32 v9, v5  }
0xf8: {  	v9 =	vld [tilespmem:s18+$0x150];
	v0 =	vmov v14  }
0xf9: {  	v7 =	vld [tilespmem:s18+$0x100];
	v1 =	vmov v10  }
0xfa: {  	v10 =	vld [tilespmem:s18+$0x110]  }
0xfb: {  	v11 =	vld [tilespmem:s18+$0xC0]  }
0xfc: {  	v13 =	vld [tilespmem:s18+$0xD0]  }
0xfd: {  	v14 =	vld [tilespmem:s18+$0x80]  }
0xfe: {  	v15 =	vld [tilespmem:s18+$0x90]  }
0xff: {  	v16 =	vld [tilespmem:s18+$0x40]  }
0x100: {  	v17 =	vld [tilespmem:s18+$0x50]  }
0x101: {  	v18 =	vld [tilespmem:s18+$0x0]  }
0x102: {  	v19 =	vld [tilespmem:s18+$0x10]  }
0x103: {  	v20 =	vld [tilespmem:s18+$0x20]  }
0x104: {  	s17 =	sadd.s32 $0x4, s17;
	v21 =	vld [tilespmem:s18+$0x30]  }
0x105: {  	p2 =	slt.u32 s17, $0x60;
	v22 =	vld [tilespmem:s18+$0x60]  }
0x106: {  	v23 =	vld [tilespmem:s18+$0x70]  }
0x107: {  	v24 =	vld [tilespmem:s18+$0xA0]  }
0x108: {  	v6 =	vadd.f32 v18, v6;
	v8 =	vadd.f32 v19, v8;
	v18 =	vld [tilespmem:s18+$0xB0]  }
0x109: {  	v4 =	vadd.f32 v20, v4;
	v5 =	vadd.f32 v21, v5;
	v19 =	vld [tilespmem:s18+$0xE0]  }
0x10a: {  	v6 =	vadd.f32 v16, v6;
	v8 =	vadd.f32 v17, v8;
	v16 =	vld [tilespmem:s18+$0xF0]  }
0x10b: {  	v4 =	vadd.f32 v22, v4;
	v5 =	vadd.f32 v23, v5;
	v17 =	vld [tilespmem:s18+$0x120]  }
0x10c: {  	v6 =	vadd.f32 v14, v6;
	v8 =	vadd.f32 v15, v8;
	v14 =	vld [tilespmem:s18+$0x130]  }
0x10d: {  	v15 =	vadd.f32 v24, v4;
	v5 =	vadd.f32 v18, v5;
	v4 =	vld [tilespmem:s18+$0x160]  }
.Ltmp6:
0x10e: {  	v11 =	vadd.f32 v11, v6;
	v8 =	vadd.f32 v13, v8;
	v6 =	vld [tilespmem:s18+$0x170];
	(pc) =	sbr.rel @p2 .LBB2_10-.Ltmp6, $4  }
0x10f: {  	v13 =	vadd.f32 v19, v15;
	v15 =	vadd.f32 v16, v5;
	v5 =	vld [tilespmem:s18+$0x1A0]  }
0x110: {  	v16 =	vadd.f32 v7, v11;
	v18 =	vadd.f32 v10, v8;
	v8 =	vld [tilespmem:s18+$0x1B0]  }
0x111: {  	v11 =	vadd.f32 v17, v13;
	v10 =	vadd.f32 v14, v15;
	v7 =	vld [tilespmem:s18+$0x1E0]  }
0x112: {  	v13 =	vadd.f32 v12, v16;
	v12 =	vadd.f32 v9, v18;
	v9 =	vld [tilespmem:s18+$0x1F0];
	s18 =	sadd.s32 $0x200, s18  }
0x113: {  	_ = 	snop  }
0x114: {  	v4 =	vadd.f32 v4, v11;
	v2 =	vadd.f32 v2, v13  }
0x115: {  	v6 =	vadd.f32 v6, v10;
	v3 =	vadd.f32 v3, v12  }
0x116: {  	v4 =	vadd.f32 v5, v4;
	v0 =	vadd.f32 v0, v2  }
0x117: {  	v2 =	vadd.f32 v8, v6;
	v1 =	vadd.f32 v1, v3  }
0x118: {  	v3 =	vadd.f32 v7, v4;
	[tilespmem:$0x196C0] =	vst v0  }
0x119: {  	v0 =	vadd.f32 v9, v2;
	[tilespmem:$0x196D0] =	vst v1  }
0x11a: {  	[tilespmem:$0x196E0] =	vst v3  }
0x11b: {  	s18 =	simm.s32 $0x9C40;
	[tilespmem:$0x196F0] =	vst v0  }
0x11c: {  	v0 =	vld [tilespmem:s18+$0x1C0]  }
0x11d: {  	v1 =	vld [tilespmem:s18+$0x1D0]  }
0x11e: {  	v2 =	vld [tilespmem:s18+$0x180]  }
0x11f: {  	v3 =	vld [tilespmem:s18+$0x190]  }
0x120: {  	v9 =	vld [tilespmem:s18+$0x140]  }
0x121: {  	v12 =	vld [tilespmem:s18+$0x150]  }
0x122: {  	v7 =	vld [tilespmem:s18+$0x100]  }
0x123: {  	v8 =	vld [tilespmem:s18+$0x110]  }
0x124: {  	v5 =	vld [tilespmem:s18+$0xC0]  }
0x125: {  	v6 =	vld [tilespmem:s18+$0xD0]  }
0x126: {  	v4 =	vld [tilespmem:s18+$0x80]  }
0x127: {  	v10 =	vld [tilespmem:s18+$0x90]  }
0x128: {  	v11 =	vld [tilespmem:s18+$0x40]  }
0x129: {  	v13 =	vld [tilespmem:s18+$0x50]  }
0x12a: {  	v14 =	vld [tilespmem:s18+$0x0]  }
0x12b: {  	v15 =	vld [tilespmem:s18+$0x10]  }
0x12c: {  	v16 =	vld [tilespmem:s18+$0x20]  }
0x12d: {  	v17 =	vld [tilespmem:s18+$0x30]  }
0x12e: {  	v18 =	vld [tilespmem:s18+$0x60]  }
0x12f: {  	v19 =	vld [tilespmem:s18+$0x70]  }
0x130: {  	v20 =	vimm.f32 $0.0e+00;
	v21 =	vld [tilespmem:s18+$0xA0]  }
0x131: {  	v22 =	vld [tilespmem:s18+$0xB0];
	v14 =	vadd.f32 v14, v20;
	v15 =	vadd.f32 v15, v20  }
0x132: {  	v59 =	vld [tilespmem:s18+$0xE0];
	v16 =	vadd.f32 v16, v20;
	v17 =	vadd.f32 v17, v20  }
0x133: {  	v11 =	vadd.f32 v11, v14;
	v13 =	vadd.f32 v13, v15;
	v14 =	vld [tilespmem:s18+$0xF0]  }
0x134: {  	v61 =	vld [tilespmem:s18+$0x120];
	v15 =	vadd.f32 v18, v16;
	v60 =	vadd.f32 v19, v17  }
0x135: {  	v11 =	vadd.f32 v4, v11;
	v10 =	vadd.f32 v10, v13;
	v13 =	vld [tilespmem:s18+$0x130]  }
0x136: {  	v15 =	vadd.f32 v21, v15;
	v16 =	vadd.f32 v22, v60;
	v4 =	vld [tilespmem:s18+$0x160]  }
0x137: {  	v11 =	vadd.f32 v5, v11;
	v10 =	vadd.f32 v6, v10;
	v6 =	vld [tilespmem:s18+$0x170]  }
0x138: {  	v15 =	vadd.f32 v59, v15;
	v5 =	vld [tilespmem:s18+$0x1A0];
	v14 =	vadd.f32 v14, v16  }
0x139: {  	v62 =	vadd.f32 v7, v11;
	v63 =	vadd.f32 v8, v10;
	v8 =	vld [tilespmem:s18+$0x1B0]  }
0x13a: {  	v11 =	vadd.f32 v61, v15;
	v7 =	vld [tilespmem:s18+$0x1E0];
	v10 =	vadd.f32 v13, v14  }
0x13b: {  	s17 =	simm.s32 $0x0;
	v13 =	vadd.f32 v9, v62;
	v12 =	vadd.f32 v12, v63;
	v9 =	vld [tilespmem:s18+$0x1F0];
	s18 =	simm.s32 $0x9E40  }
.LBB2_12:
0x13c: {  	v14 =	vld [tilespmem:s18+$0x1C0];
	v4 =	vadd.f32 v4, v11;
	v6 =	vadd.f32 v6, v10  }
0x13d: {  	v10 =	vld [tilespmem:s18+$0x1D0];
	v11 =	vadd.f32 v2, v13;
	v12 =	vadd.f32 v3, v12  }
0x13e: {  	v2 =	vld [tilespmem:s18+$0x180];
	v4 =	vadd.f32 v5, v4;
	v5 =	vadd.f32 v8, v6  }
0x13f: {  	v3 =	vld [tilespmem:s18+$0x190];
	v6 =	vadd.f32 v0, v11;
	v8 =	vadd.f32 v1, v12  }
0x140: {  	v12 =	vld [tilespmem:s18+$0x140];
	v4 =	vadd.f32 v7, v4;
	v5 =	vadd.f32 v9, v5  }
0x141: {  	v9 =	vld [tilespmem:s18+$0x150];
	v0 =	vmov v14  }
0x142: {  	v7 =	vld [tilespmem:s18+$0x100];
	v1 =	vmov v10  }
0x143: {  	v10 =	vld [tilespmem:s18+$0x110]  }
0x144: {  	v11 =	vld [tilespmem:s18+$0xC0]  }
0x145: {  	v13 =	vld [tilespmem:s18+$0xD0]  }
0x146: {  	v14 =	vld [tilespmem:s18+$0x80]  }
0x147: {  	v15 =	vld [tilespmem:s18+$0x90]  }
0x148: {  	v16 =	vld [tilespmem:s18+$0x40]  }
0x149: {  	v17 =	vld [tilespmem:s18+$0x50]  }
0x14a: {  	v18 =	vld [tilespmem:s18+$0x0]  }
0x14b: {  	v19 =	vld [tilespmem:s18+$0x10]  }
0x14c: {  	v20 =	vld [tilespmem:s18+$0x20]  }
0x14d: {  	s17 =	sadd.s32 $0x4, s17;
	v21 =	vld [tilespmem:s18+$0x30]  }
0x14e: {  	p2 =	slt.u32 s17, $0x60;
	v22 =	vld [tilespmem:s18+$0x60]  }
0x14f: {  	v23 =	vld [tilespmem:s18+$0x70]  }
0x150: {  	v24 =	vld [tilespmem:s18+$0xA0]  }
0x151: {  	v6 =	vadd.f32 v18, v6;
	v8 =	vadd.f32 v19, v8;
	v18 =	vld [tilespmem:s18+$0xB0]  }
0x152: {  	v4 =	vadd.f32 v20, v4;
	v5 =	vadd.f32 v21, v5;
	v19 =	vld [tilespmem:s18+$0xE0]  }
0x153: {  	v6 =	vadd.f32 v16, v6;
	v8 =	vadd.f32 v17, v8;
	v16 =	vld [tilespmem:s18+$0xF0]  }
0x154: {  	v4 =	vadd.f32 v22, v4;
	v5 =	vadd.f32 v23, v5;
	v17 =	vld [tilespmem:s18+$0x120]  }
0x155: {  	v6 =	vadd.f32 v14, v6;
	v8 =	vadd.f32 v15, v8;
	v14 =	vld [tilespmem:s18+$0x130]  }
0x156: {  	v15 =	vadd.f32 v24, v4;
	v5 =	vadd.f32 v18, v5;
	v4 =	vld [tilespmem:s18+$0x160]  }
.Ltmp7:
0x157: {  	v11 =	vadd.f32 v11, v6;
	v8 =	vadd.f32 v13, v8;
	v6 =	vld [tilespmem:s18+$0x170];
	(pc) =	sbr.rel @p2 .LBB2_12-.Ltmp7, $4  }
0x158: {  	v13 =	vadd.f32 v19, v15;
	v15 =	vadd.f32 v16, v5;
	v5 =	vld [tilespmem:s18+$0x1A0]  }
0x159: {  	v16 =	vadd.f32 v7, v11;
	v18 =	vadd.f32 v10, v8;
	v8 =	vld [tilespmem:s18+$0x1B0]  }
0x15a: {  	v11 =	vadd.f32 v17, v13;
	v10 =	vadd.f32 v14, v15;
	v7 =	vld [tilespmem:s18+$0x1E0]  }
0x15b: {  	v13 =	vadd.f32 v12, v16;
	v12 =	vadd.f32 v9, v18;
	v9 =	vld [tilespmem:s18+$0x1F0];
	s18 =	sadd.s32 $0x200, s18  }
0x15c: {  	_ = 	snop  }
0x15d: {  	v4 =	vadd.f32 v4, v11;
	v2 =	vadd.f32 v2, v13  }
0x15e: {  	v6 =	vadd.f32 v6, v10;
	v3 =	vadd.f32 v3, v12  }
0x15f: {  	v4 =	vadd.f32 v5, v4;
	v0 =	vadd.f32 v0, v2  }
0x160: {  	v2 =	vadd.f32 v8, v6;
	v1 =	vadd.f32 v1, v3  }
0x161: {  	v3 =	vadd.f32 v7, v4;
	[tilespmem:$0x19700] =	vst v0  }
0x162: {  	v0 =	vadd.f32 v9, v2;
	[tilespmem:$0x19710] =	vst v1  }
0x163: {  	s17 =	sshll.u32 s16, $0x6;
	[tilespmem:$0x19720] =	vst v3  }
0x164: {  	p2 =	sne.s32 s16, $0xF;
	s18 =	sadd.s32 s17, s8;
	[tilespmem:$0x19730] =	vst v0  }
0x165: {  	[hbm4b:s18+s2] =	stream.linear.scatter [tilespmem:s31], [sflag:$0x5], $0x100, $0x38;
	[tilespmem:$0x19840] =	vst v63  }
0x166: {  	s18 =	simm.s32 @p2 $0x3  }
0x167: {  	_ =	swait.ge @p2 [sflag:s18], $0x320  }
0x168: {  	s19 =	simm.s32 @p2 $0x0;
	[sflag:s18] =	ssyncset.done @p2 $0x0  }
0x169: {  	s6 =	simm.s32 @p2 $0x640;
	[sflag:s18] =	ssyncadd.s32 @p2 $0xFFFFFCE0;
	s18 =	simm.s32 @p2 $0xC8  }
0x16a: {  	[tilespmem:s6], [sflag:$0x1] =	stream.indirect.gather @p2 [hbm4b:s4+s18], $0x40, s19, s18, $0xb8;
	[tilespmem:$0x19840] =	vst v63  }
0x16b: {  	s6 =	simm.s32 @p2 $0x3840  }
0x16c: {  	[tilespmem:s6], [sflag:$0x1] =	stream.indirect.gather @p2 [hbm4b:s4+s18], $0x40, s18, s18, $0xb8;
	[tilespmem:$0x19840] =	vst v63  }
0x16d: {  	s10 =	simm.s32 @p2 $0x6A40;
	s6 =	simm.s32 @p2 $0x190  }
0x16e: {  	[tilespmem:s10], [sflag:$0x1] =	stream.indirect.gather @p2 [hbm4b:s4+s18], $0x40, s6, s18, $0xb8;
	[tilespmem:$0x19840] =	vst v63  }
0x16f: {  	s6 =	simm.s32 @p2 $0x258;
	s10 =	simm.s32 @p2 $0x9C40  }
0x170: {  	[tilespmem:s10], [sflag:$0x1] =	stream.indirect.gather @p2 [hbm4b:s4+s18], $0x40, s6, s18, $0xb8;
	[tilespmem:$0x19840] =	vst v63  }
0x171: {  	s6 =	sshll.u32 @p2 s16, $0x3  }
0x172: {  	s10 =	simm.s32 @p2 $0x2;
	s6 =	sadd.s32 @p2 s6, s9  }
0x173: {  	_ =	swait.ge @p2 [sflag:s10], $0xC800;
	s6 =	smul.u32 @p2 $0x19, s6  }
0x174: {  	[sflag:s10] =	ssyncset.done @p2 $0x0  }
0x175: {  	[sflag:s10] =	ssyncadd.s32 @p2 $0xFFFF3800;
	s10 =	simm.s32 @p2 $0x320;
	s6 =	sadd.s32 @p2 s3, s6  }
0x176: {  	[tilespmem:s10], [sflag:$0x4] =	stream.linear.gather @p2 [hbm4b:s6+s19], $0x320, $0x38;
	[tilespmem:$0x19840] =	vst v63  }
0x177: {  	s6 =	simm.s32 @!p2 $0x2  }
0x178: {  	_ =	swait.ge @!p2 [sflag:s6], $0xC800  }
0x179: {  	[sflag:s6] =	ssyncset.done @!p2 $0x0  }
0x17a: {  	[sflag:s6] =	ssyncadd.s32 @!p2 $0xFFFF3800;
	s6 =	simm.s32 @!p1 $0x6  }
0x17b: {  	_ =	swait.ge @!p1 [sflag:s6], $0x100  }
0x17c: {  	[sflag:s6] =	ssyncset.done @!p1 $0x0  }
0x17d: {  	s19 =	simm.s32 $0xCF40;
	[sflag:s6] =	ssyncadd.s32 @!p1 $0xFFFFFF00  }
0x17e: {  	v0 =	vld [tilespmem:s19+$0xC0]  }
0x17f: {  	v1 =	vld [tilespmem:s19+$0xD0]  }
0x180: {  	v2 =	vld [tilespmem:s19+$0x80]  }
0x181: {  	v3 =	vld [tilespmem:s19+$0x90]  }
0x182: {  	v9 =	vld [tilespmem:s19+$0x40]  }
0x183: {  	v12 =	vld [tilespmem:s19+$0x50]  }
0x184: {  	v7 =	vld [tilespmem:s19+$0x0]  }
0x185: {  	v8 =	vld [tilespmem:s19+$0x10]  }
0x186: {  	v5 =	vld [tilespmem:s19+$0xFFFFFFC0]  }
0x187: {  	v6 =	vld [tilespmem:s19+$0xFFFFFFD0]  }
0x188: {  	v4 =	vld [tilespmem:s19+$0xFFFFFF80]  }
0x189: {  	v10 =	vld [tilespmem:s19+$0xFFFFFF90]  }
0x18a: {  	v11 =	vld [tilespmem:s19+$0xFFFFFF40]  }
0x18b: {  	v13 =	vld [tilespmem:s19+$0xFFFFFF50]  }
0x18c: {  	v14 =	vld [tilespmem:s19+$0xFFFFFF00]  }
0x18d: {  	v15 =	vld [tilespmem:s19+$0xFFFFFF10]  }
0x18e: {  	v16 =	vld [tilespmem:s19+$0xFFFFFF20]  }
0x18f: {  	v17 =	vld [tilespmem:s19+$0xFFFFFF30]  }
0x190: {  	v18 =	vld [tilespmem:s19+$0xFFFFFF60]  }
0x191: {  	v19 =	vld [tilespmem:s19+$0xFFFFFF70]  }
0x192: {  	v20 =	vimm.f32 $0.0e+00;
	v21 =	vld [tilespmem:s19+$0xFFFFFFA0]  }
0x193: {  	v22 =	vld [tilespmem:s19+$0xFFFFFFB0];
	v14 =	vadd.f32 v14, v20;
	v15 =	vadd.f32 v15, v20  }
0x194: {  	v59 =	vld [tilespmem:s19+$0xFFFFFFE0];
	v16 =	vadd.f32 v16, v20;
	v17 =	vadd.f32 v17, v20  }
0x195: {  	v11 =	vadd.f32 v11, v14;
	v13 =	vadd.f32 v13, v15;
	v14 =	vld [tilespmem:s19+$0xFFFFFFF0]  }
0x196: {  	v61 =	vld [tilespmem:s19+$0x20];
	v15 =	vadd.f32 v18, v16;
	v60 =	vadd.f32 v19, v17  }
0x197: {  	v11 =	vadd.f32 v4, v11;
	v10 =	vadd.f32 v10, v13;
	v13 =	vld [tilespmem:s19+$0x30]  }
0x198: {  	v15 =	vadd.f32 v21, v15;
	v16 =	vadd.f32 v22, v60;
	v4 =	vld [tilespmem:s19+$0x60]  }
0x199: {  	v11 =	vadd.f32 v5, v11;
	v10 =	vadd.f32 v6, v10;
	v6 =	vld [tilespmem:s19+$0x70]  }
0x19a: {  	v15 =	vadd.f32 v59, v15;
	v5 =	vld [tilespmem:s19+$0xA0];
	v14 =	vadd.f32 v14, v16  }
0x19b: {  	v62 =	vadd.f32 v7, v11;
	v63 =	vadd.f32 v8, v10;
	v8 =	vld [tilespmem:s19+$0xB0]  }
0x19c: {  	v11 =	vadd.f32 v61, v15;
	v7 =	vld [tilespmem:s19+$0xE0];
	v10 =	vadd.f32 v13, v14  }
0x19d: {  	s18 =	simm.s32 $0x0;
	v13 =	vadd.f32 v9, v62;
	v12 =	vadd.f32 v12, v63;
	v9 =	vld [tilespmem:s19+$0xF0];
	s19 =	simm.s32 $0xD140  }
.LBB2_14:
0x19e: {  	v14 =	vld [tilespmem:s19+$0xC0];
	v4 =	vadd.f32 v4, v11;
	v6 =	vadd.f32 v6, v10  }
0x19f: {  	v10 =	vld [tilespmem:s19+$0xD0];
	v11 =	vadd.f32 v2, v13;
	v12 =	vadd.f32 v3, v12  }
0x1a0: {  	v2 =	vld [tilespmem:s19+$0x80];
	v4 =	vadd.f32 v5, v4;
	v5 =	vadd.f32 v8, v6  }
0x1a1: {  	v3 =	vld [tilespmem:s19+$0x90];
	v6 =	vadd.f32 v0, v11;
	v8 =	vadd.f32 v1, v12  }
0x1a2: {  	v12 =	vld [tilespmem:s19+$0x40];
	v4 =	vadd.f32 v7, v4;
	v5 =	vadd.f32 v9, v5  }
0x1a3: {  	v9 =	vld [tilespmem:s19+$0x50];
	v0 =	vmov v14  }
0x1a4: {  	v7 =	vld [tilespmem:s19+$0x0];
	v1 =	vmov v10  }
0x1a5: {  	v10 =	vld [tilespmem:s19+$0x10]  }
0x1a6: {  	v11 =	vld [tilespmem:s19+$0xFFFFFFC0]  }
0x1a7: {  	v13 =	vld [tilespmem:s19+$0xFFFFFFD0]  }
0x1a8: {  	v14 =	vld [tilespmem:s19+$0xFFFFFF80]  }
0x1a9: {  	v15 =	vld [tilespmem:s19+$0xFFFFFF90]  }
0x1aa: {  	v16 =	vld [tilespmem:s19+$0xFFFFFF40]  }
0x1ab: {  	v17 =	vld [tilespmem:s19+$0xFFFFFF50]  }
0x1ac: {  	v18 =	vld [tilespmem:s19+$0xFFFFFF00]  }
0x1ad: {  	v19 =	vld [tilespmem:s19+$0xFFFFFF10]  }
0x1ae: {  	v20 =	vld [tilespmem:s19+$0xFFFFFF20]  }
0x1af: {  	s18 =	sadd.s32 $0x4, s18;
	v21 =	vld [tilespmem:s19+$0xFFFFFF30]  }
0x1b0: {  	p1 =	slt.u32 s18, $0x60;
	v22 =	vld [tilespmem:s19+$0xFFFFFF60]  }
0x1b1: {  	v23 =	vld [tilespmem:s19+$0xFFFFFF70]  }
0x1b2: {  	v24 =	vld [tilespmem:s19+$0xFFFFFFA0]  }
0x1b3: {  	v6 =	vadd.f32 v18, v6;
	v8 =	vadd.f32 v19, v8;
	v18 =	vld [tilespmem:s19+$0xFFFFFFB0]  }
0x1b4: {  	v4 =	vadd.f32 v20, v4;
	v5 =	vadd.f32 v21, v5;
	v19 =	vld [tilespmem:s19+$0xFFFFFFE0]  }
0x1b5: {  	v6 =	vadd.f32 v16, v6;
	v8 =	vadd.f32 v17, v8;
	v16 =	vld [tilespmem:s19+$0xFFFFFFF0]  }
0x1b6: {  	v4 =	vadd.f32 v22, v4;
	v5 =	vadd.f32 v23, v5;
	v17 =	vld [tilespmem:s19+$0x20]  }
0x1b7: {  	v6 =	vadd.f32 v14, v6;
	v8 =	vadd.f32 v15, v8;
	v14 =	vld [tilespmem:s19+$0x30]  }
0x1b8: {  	v15 =	vadd.f32 v24, v4;
	v5 =	vadd.f32 v18, v5;
	v4 =	vld [tilespmem:s19+$0x60]  }
.Ltmp8:
0x1b9: {  	v11 =	vadd.f32 v11, v6;
	v8 =	vadd.f32 v13, v8;
	v6 =	vld [tilespmem:s19+$0x70];
	(pc) =	sbr.rel @p1 .LBB2_14-.Ltmp8, $4  }
0x1ba: {  	v13 =	vadd.f32 v19, v15;
	v15 =	vadd.f32 v16, v5;
	v5 =	vld [tilespmem:s19+$0xA0]  }
0x1bb: {  	v16 =	vadd.f32 v7, v11;
	v18 =	vadd.f32 v10, v8;
	v8 =	vld [tilespmem:s19+$0xB0]  }
0x1bc: {  	v11 =	vadd.f32 v17, v13;
	v10 =	vadd.f32 v14, v15;
	v7 =	vld [tilespmem:s19+$0xE0]  }
0x1bd: {  	v13 =	vadd.f32 v12, v16;
	v12 =	vadd.f32 v9, v18;
	v9 =	vld [tilespmem:s19+$0xF0];
	s19 =	sadd.s32 $0x200, s19  }
0x1be: {  	_ = 	snop  }
0x1bf: {  	v4 =	vadd.f32 v4, v11;
	v2 =	vadd.f32 v2, v13  }
0x1c0: {  	v6 =	vadd.f32 v6, v10;
	v3 =	vadd.f32 v3, v12  }
0x1c1: {  	v4 =	vadd.f32 v5, v4;
	v0 =	vadd.f32 v0, v2  }
0x1c2: {  	v2 =	vadd.f32 v8, v6;
	v1 =	vadd.f32 v1, v3  }
0x1c3: {  	v3 =	vadd.f32 v7, v4;
	[tilespmem:$0x19740] =	vst v0  }
0x1c4: {  	v0 =	vadd.f32 v9, v2;
	[tilespmem:$0x19750] =	vst v1  }
0x1c5: {  	[tilespmem:$0x19760] =	vst v3  }
0x1c6: {  	s6 =	simm.s32 $0x10230;
	[tilespmem:$0x19770] =	vst v0  }
0x1c7: {  	v0 =	vld [tilespmem:s6+$0xFFFFFFD0]  }
0x1c8: {  	v1 =	vld [tilespmem:s6+$0xFFFFFFE0]  }
0x1c9: {  	v2 =	vld [tilespmem:s6+$0xFFFFFF90]  }
0x1ca: {  	v3 =	vld [tilespmem:s6+$0xFFFFFFA0]  }
0x1cb: {  	v9 =	vld [tilespmem:s6+$0xFFFFFF50]  }
0x1cc: {  	v12 =	vld [tilespmem:s6+$0xFFFFFF60]  }
0x1cd: {  	v7 =	vld [tilespmem:s6+$0xFFFFFF10]  }
0x1ce: {  	v8 =	vld [tilespmem:s6+$0xFFFFFF20]  }
0x1cf: {  	v5 =	vld [tilespmem:s6+$0xFFFFFED0]  }
0x1d0: {  	v6 =	vld [tilespmem:s6+$0xFFFFFEE0]  }
0x1d1: {  	v4 =	vld [tilespmem:s6+$0xFFFFFE90]  }
0x1d2: {  	v10 =	vld [tilespmem:s6+$0xFFFFFEA0]  }
0x1d3: {  	v11 =	vld [tilespmem:s6+$0xFFFFFE50]  }
0x1d4: {  	v13 =	vld [tilespmem:s6+$0xFFFFFE60]  }
0x1d5: {  	v14 =	vld [tilespmem:s6+$0xFFFFFE10]  }
0x1d6: {  	v15 =	vld [tilespmem:s6+$0xFFFFFE20]  }
0x1d7: {  	v16 =	vld [tilespmem:s6+$0xFFFFFE30]  }
0x1d8: {  	v17 =	vld [tilespmem:s6+$0xFFFFFE40]  }
0x1d9: {  	v18 =	vld [tilespmem:s6+$0xFFFFFE70]  }
0x1da: {  	v19 =	vld [tilespmem:s6+$0xFFFFFE80]  }
0x1db: {  	v20 =	vimm.f32 $0.0e+00;
	v21 =	vld [tilespmem:s6+$0xFFFFFEB0]  }
0x1dc: {  	v22 =	vld [tilespmem:s6+$0xFFFFFEC0];
	v14 =	vadd.f32 v14, v20;
	v15 =	vadd.f32 v15, v20  }
0x1dd: {  	v59 =	vld [tilespmem:s6+$0xFFFFFEF0];
	v16 =	vadd.f32 v16, v20;
	v17 =	vadd.f32 v17, v20  }
0x1de: {  	v11 =	vadd.f32 v11, v14;
	v13 =	vadd.f32 v13, v15;
	v14 =	vld [tilespmem:s6+$0xFFFFFF00]  }
0x1df: {  	v61 =	vld [tilespmem:s6+$0xFFFFFF30];
	v15 =	vadd.f32 v18, v16;
	v60 =	vadd.f32 v19, v17  }
0x1e0: {  	v11 =	vadd.f32 v4, v11;
	v10 =	vadd.f32 v10, v13;
	v13 =	vld [tilespmem:s6+$0xFFFFFF40]  }
0x1e1: {  	v15 =	vadd.f32 v21, v15;
	v16 =	vadd.f32 v22, v60;
	v4 =	vld [tilespmem:s6+$0xFFFFFF70]  }
0x1e2: {  	v11 =	vadd.f32 v5, v11;
	v10 =	vadd.f32 v6, v10;
	v6 =	vld [tilespmem:s6+$0xFFFFFF80]  }
0x1e3: {  	v15 =	vadd.f32 v59, v15;
	v5 =	vld [tilespmem:s6+$0xFFFFFFB0];
	v14 =	vadd.f32 v14, v16  }
0x1e4: {  	v62 =	vadd.f32 v7, v11;
	v63 =	vadd.f32 v8, v10;
	v8 =	vld [tilespmem:s6+$0xFFFFFFC0]  }
0x1e5: {  	v11 =	vadd.f32 v61, v15;
	v7 =	vld [tilespmem:s6+$0xFFFFFFF0];
	v10 =	vadd.f32 v13, v14  }
0x1e6: {  	s18 =	simm.s32 $0x0;
	s19 =	simm.s32 $0x10430;
	v13 =	vadd.f32 v9, v62;
	v12 =	vadd.f32 v12, v63;
	v9 =	vld [tilespmem:s6+$0x0]  }
.LBB2_16:
0x1e7: {  	v14 =	vld [tilespmem:s19+$0xFFFFFFD0];
	v4 =	vadd.f32 v4, v11;
	v6 =	vadd.f32 v6, v10  }
0x1e8: {  	v10 =	vld [tilespmem:s19+$0xFFFFFFE0];
	v11 =	vadd.f32 v2, v13;
	v12 =	vadd.f32 v3, v12  }
0x1e9: {  	v2 =	vld [tilespmem:s19+$0xFFFFFF90];
	v4 =	vadd.f32 v5, v4;
	v5 =	vadd.f32 v8, v6  }
0x1ea: {  	v3 =	vld [tilespmem:s19+$0xFFFFFFA0];
	v6 =	vadd.f32 v0, v11;
	v8 =	vadd.f32 v1, v12  }
0x1eb: {  	v12 =	vld [tilespmem:s19+$0xFFFFFF50];
	v4 =	vadd.f32 v7, v4;
	v5 =	vadd.f32 v9, v5  }
0x1ec: {  	v9 =	vld [tilespmem:s19+$0xFFFFFF60];
	v0 =	vmov v14  }
0x1ed: {  	v7 =	vld [tilespmem:s19+$0xFFFFFF10];
	v1 =	vmov v10  }
0x1ee: {  	v10 =	vld [tilespmem:s19+$0xFFFFFF20]  }
0x1ef: {  	v11 =	vld [tilespmem:s19+$0xFFFFFED0]  }
0x1f0: {  	v13 =	vld [tilespmem:s19+$0xFFFFFEE0]  }
0x1f1: {  	v14 =	vld [tilespmem:s19+$0xFFFFFE90]  }
0x1f2: {  	v15 =	vld [tilespmem:s19+$0xFFFFFEA0]  }
0x1f3: {  	v16 =	vld [tilespmem:s19+$0xFFFFFE50]  }
0x1f4: {  	v17 =	vld [tilespmem:s19+$0xFFFFFE60]  }
0x1f5: {  	v18 =	vld [tilespmem:s19+$0xFFFFFE10]  }
0x1f6: {  	v19 =	vld [tilespmem:s19+$0xFFFFFE20]  }
0x1f7: {  	v20 =	vld [tilespmem:s19+$0xFFFFFE30]  }
0x1f8: {  	s18 =	sadd.s32 $0x4, s18;
	v21 =	vld [tilespmem:s19+$0xFFFFFE40]  }
0x1f9: {  	p1 =	slt.u32 s18, $0x60;
	v22 =	vld [tilespmem:s19+$0xFFFFFE70]  }
0x1fa: {  	v23 =	vld [tilespmem:s19+$0xFFFFFE80]  }
0x1fb: {  	v24 =	vld [tilespmem:s19+$0xFFFFFEB0]  }
0x1fc: {  	v6 =	vadd.f32 v18, v6;
	v8 =	vadd.f32 v19, v8;
	v18 =	vld [tilespmem:s19+$0xFFFFFEC0]  }
0x1fd: {  	v4 =	vadd.f32 v20, v4;
	v5 =	vadd.f32 v21, v5;
	v19 =	vld [tilespmem:s19+$0xFFFFFEF0]  }
0x1fe: {  	v6 =	vadd.f32 v16, v6;
	v8 =	vadd.f32 v17, v8;
	v16 =	vld [tilespmem:s19+$0xFFFFFF00]  }
0x1ff: {  	v4 =	vadd.f32 v22, v4;
	v5 =	vadd.f32 v23, v5;
	v17 =	vld [tilespmem:s19+$0xFFFFFF30]  }
0x200: {  	v6 =	vadd.f32 v14, v6;
	v8 =	vadd.f32 v15, v8;
	v14 =	vld [tilespmem:s19+$0xFFFFFF40]  }
0x201: {  	v15 =	vadd.f32 v24, v4;
	v5 =	vadd.f32 v18, v5;
	v4 =	vld [tilespmem:s19+$0xFFFFFF70]  }
.Ltmp9:
0x202: {  	v11 =	vadd.f32 v11, v6;
	v8 =	vadd.f32 v13, v8;
	v6 =	vld [tilespmem:s19+$0xFFFFFF80];
	(pc) =	sbr.rel @p1 .LBB2_16-.Ltmp9, $4  }
0x203: {  	v13 =	vadd.f32 v19, v15;
	v15 =	vadd.f32 v16, v5;
	v5 =	vld [tilespmem:s19+$0xFFFFFFB0]  }
0x204: {  	v16 =	vadd.f32 v7, v11;
	v18 =	vadd.f32 v10, v8;
	v8 =	vld [tilespmem:s19+$0xFFFFFFC0]  }
0x205: {  	v11 =	vadd.f32 v17, v13;
	v10 =	vadd.f32 v14, v15;
	v7 =	vld [tilespmem:s19+$0xFFFFFFF0]  }
0x206: {  	v13 =	vadd.f32 v12, v16;
	v12 =	vadd.f32 v9, v18;
	v9 =	vld [tilespmem:s19+$0x0];
	s19 =	sadd.s32 $0x200, s19  }
0x207: {  	_ = 	snop  }
0x208: {  	v4 =	vadd.f32 v4, v11;
	v2 =	vadd.f32 v2, v13  }
0x209: {  	v6 =	vadd.f32 v6, v10;
	v3 =	vadd.f32 v3, v12  }
0x20a: {  	v4 =	vadd.f32 v5, v4;
	v0 =	vadd.f32 v0, v2  }
0x20b: {  	v2 =	vadd.f32 v8, v6;
	v1 =	vadd.f32 v1, v3  }
0x20c: {  	v3 =	vadd.f32 v7, v4;
	[tilespmem:$0x19780] =	vst v0  }
0x20d: {  	v0 =	vadd.f32 v9, v2;
	[tilespmem:$0x19790] =	vst v1  }
0x20e: {  	[tilespmem:$0x197A0] =	vst v3  }
0x20f: {  	s6 =	simm.s32 $0x13240;
	[tilespmem:$0x197B0] =	vst v0  }
0x210: {  	v0 =	vld [tilespmem:s6+$0x1C0]  }
0x211: {  	v1 =	vld [tilespmem:s6+$0x1D0]  }
0x212: {  	v2 =	vld [tilespmem:s6+$0x180]  }
0x213: {  	v3 =	vld [tilespmem:s6+$0x190]  }
0x214: {  	v9 =	vld [tilespmem:s6+$0x140]  }
0x215: {  	v12 =	vld [tilespmem:s6+$0x150]  }
0x216: {  	v7 =	vld [tilespmem:s6+$0x100]  }
0x217: {  	v8 =	vld [tilespmem:s6+$0x110]  }
0x218: {  	v5 =	vld [tilespmem:s6+$0xC0]  }
0x219: {  	v6 =	vld [tilespmem:s6+$0xD0]  }
0x21a: {  	v4 =	vld [tilespmem:s6+$0x80]  }
0x21b: {  	v10 =	vld [tilespmem:s6+$0x90]  }
0x21c: {  	v11 =	vld [tilespmem:s6+$0x40]  }
0x21d: {  	v13 =	vld [tilespmem:s6+$0x50]  }
0x21e: {  	v14 =	vld [tilespmem:s6+$0x0]  }
0x21f: {  	v15 =	vld [tilespmem:s6+$0x10]  }
0x220: {  	v16 =	vld [tilespmem:s6+$0x20]  }
0x221: {  	v17 =	vld [tilespmem:s6+$0x30]  }
0x222: {  	v18 =	vld [tilespmem:s6+$0x60]  }
0x223: {  	v19 =	vld [tilespmem:s6+$0x70]  }
0x224: {  	v20 =	vimm.f32 $0.0e+00;
	v21 =	vld [tilespmem:s6+$0xA0]  }
0x225: {  	v22 =	vld [tilespmem:s6+$0xB0];
	v14 =	vadd.f32 v14, v20;
	v15 =	vadd.f32 v15, v20  }
0x226: {  	v59 =	vld [tilespmem:s6+$0xE0];
	v16 =	vadd.f32 v16, v20;
	v17 =	vadd.f32 v17, v20  }
0x227: {  	v11 =	vadd.f32 v11, v14;
	v13 =	vadd.f32 v13, v15;
	v14 =	vld [tilespmem:s6+$0xF0]  }
0x228: {  	v61 =	vld [tilespmem:s6+$0x120];
	v15 =	vadd.f32 v18, v16;
	v60 =	vadd.f32 v19, v17  }
0x229: {  	v11 =	vadd.f32 v4, v11;
	v10 =	vadd.f32 v10, v13;
	v13 =	vld [tilespmem:s6+$0x130]  }
0x22a: {  	v15 =	vadd.f32 v21, v15;
	v16 =	vadd.f32 v22, v60;
	v4 =	vld [tilespmem:s6+$0x160]  }
0x22b: {  	v11 =	vadd.f32 v5, v11;
	v10 =	vadd.f32 v6, v10;
	v6 =	vld [tilespmem:s6+$0x170]  }
0x22c: {  	v15 =	vadd.f32 v59, v15;
	v5 =	vld [tilespmem:s6+$0x1A0];
	v14 =	vadd.f32 v14, v16  }
0x22d: {  	v62 =	vadd.f32 v7, v11;
	v63 =	vadd.f32 v8, v10;
	v8 =	vld [tilespmem:s6+$0x1B0]  }
0x22e: {  	v11 =	vadd.f32 v61, v15;
	v7 =	vld [tilespmem:s6+$0x1E0];
	v10 =	vadd.f32 v13, v14  }
0x22f: {  	s18 =	simm.s32 $0x0;
	s19 =	simm.s32 $0x13440;
	v13 =	vadd.f32 v9, v62;
	v12 =	vadd.f32 v12, v63;
	v9 =	vld [tilespmem:s6+$0x1F0]  }
.LBB2_18:
0x230: {  	v14 =	vld [tilespmem:s19+$0x1C0];
	v4 =	vadd.f32 v4, v11;
	v6 =	vadd.f32 v6, v10  }
0x231: {  	v10 =	vld [tilespmem:s19+$0x1D0];
	v11 =	vadd.f32 v2, v13;
	v12 =	vadd.f32 v3, v12  }
0x232: {  	v2 =	vld [tilespmem:s19+$0x180];
	v4 =	vadd.f32 v5, v4;
	v5 =	vadd.f32 v8, v6  }
0x233: {  	v3 =	vld [tilespmem:s19+$0x190];
	v6 =	vadd.f32 v0, v11;
	v8 =	vadd.f32 v1, v12  }
0x234: {  	v12 =	vld [tilespmem:s19+$0x140];
	v4 =	vadd.f32 v7, v4;
	v5 =	vadd.f32 v9, v5  }
0x235: {  	v9 =	vld [tilespmem:s19+$0x150];
	v0 =	vmov v14  }
0x236: {  	v7 =	vld [tilespmem:s19+$0x100];
	v1 =	vmov v10  }
0x237: {  	v10 =	vld [tilespmem:s19+$0x110]  }
0x238: {  	v11 =	vld [tilespmem:s19+$0xC0]  }
0x239: {  	v13 =	vld [tilespmem:s19+$0xD0]  }
0x23a: {  	v14 =	vld [tilespmem:s19+$0x80]  }
0x23b: {  	v15 =	vld [tilespmem:s19+$0x90]  }
0x23c: {  	v16 =	vld [tilespmem:s19+$0x40]  }
0x23d: {  	v17 =	vld [tilespmem:s19+$0x50]  }
0x23e: {  	v18 =	vld [tilespmem:s19+$0x0]  }
0x23f: {  	v19 =	vld [tilespmem:s19+$0x10]  }
0x240: {  	v20 =	vld [tilespmem:s19+$0x20]  }
0x241: {  	s18 =	sadd.s32 $0x4, s18;
	v21 =	vld [tilespmem:s19+$0x30]  }
0x242: {  	p1 =	slt.u32 s18, $0x60;
	v22 =	vld [tilespmem:s19+$0x60]  }
0x243: {  	v23 =	vld [tilespmem:s19+$0x70]  }
0x244: {  	v24 =	vld [tilespmem:s19+$0xA0]  }
0x245: {  	v6 =	vadd.f32 v18, v6;
	v8 =	vadd.f32 v19, v8;
	v18 =	vld [tilespmem:s19+$0xB0]  }
0x246: {  	v4 =	vadd.f32 v20, v4;
	v5 =	vadd.f32 v21, v5;
	v19 =	vld [tilespmem:s19+$0xE0]  }
0x247: {  	v6 =	vadd.f32 v16, v6;
	v8 =	vadd.f32 v17, v8;
	v16 =	vld [tilespmem:s19+$0xF0]  }
0x248: {  	v4 =	vadd.f32 v22, v4;
	v5 =	vadd.f32 v23, v5;
	v17 =	vld [tilespmem:s19+$0x120]  }
0x249: {  	v6 =	vadd.f32 v14, v6;
	v8 =	vadd.f32 v15, v8;
	v14 =	vld [tilespmem:s19+$0x130]  }
0x24a: {  	v15 =	vadd.f32 v24, v4;
	v5 =	vadd.f32 v18, v5;
	v4 =	vld [tilespmem:s19+$0x160]  }
.Ltmp10:
0x24b: {  	v11 =	vadd.f32 v11, v6;
	v8 =	vadd.f32 v13, v8;
	v6 =	vld [tilespmem:s19+$0x170];
	(pc) =	sbr.rel @p1 .LBB2_18-.Ltmp10, $4  }
0x24c: {  	v13 =	vadd.f32 v19, v15;
	v15 =	vadd.f32 v16, v5;
	v5 =	vld [tilespmem:s19+$0x1A0]  }
0x24d: {  	v16 =	vadd.f32 v7, v11;
	v18 =	vadd.f32 v10, v8;
	v8 =	vld [tilespmem:s19+$0x1B0]  }
0x24e: {  	v11 =	vadd.f32 v17, v13;
	v10 =	vadd.f32 v14, v15;
	v7 =	vld [tilespmem:s19+$0x1E0]  }
0x24f: {  	v13 =	vadd.f32 v12, v16;
	v12 =	vadd.f32 v9, v18;
	v9 =	vld [tilespmem:s19+$0x1F0];
	s19 =	sadd.s32 $0x200, s19  }
0x250: {  	_ = 	snop  }
0x251: {  	v4 =	vadd.f32 v4, v11;
	v2 =	vadd.f32 v2, v13  }
0x252: {  	v6 =	vadd.f32 v6, v10;
	v3 =	vadd.f32 v3, v12  }
0x253: {  	v4 =	vadd.f32 v5, v4;
	v0 =	vadd.f32 v0, v2  }
0x254: {  	v2 =	vadd.f32 v8, v6;
	v1 =	vadd.f32 v1, v3  }
0x255: {  	v3 =	vadd.f32 v7, v4;
	[tilespmem:$0x197C0] =	vst v0  }
0x256: {  	v0 =	vadd.f32 v9, v2;
	[tilespmem:$0x197D0] =	vst v1  }
0x257: {  	[tilespmem:$0x197E0] =	vst v3  }
0x258: {  	s6 =	simm.s32 $0x16440;
	[tilespmem:$0x197F0] =	vst v0  }
0x259: {  	v0 =	vld [tilespmem:s6+$0x1C0]  }
0x25a: {  	v1 =	vld [tilespmem:s6+$0x1D0]  }
0x25b: {  	v2 =	vld [tilespmem:s6+$0x180]  }
0x25c: {  	v3 =	vld [tilespmem:s6+$0x190]  }
0x25d: {  	v9 =	vld [tilespmem:s6+$0x140]  }
0x25e: {  	v12 =	vld [tilespmem:s6+$0x150]  }
0x25f: {  	v7 =	vld [tilespmem:s6+$0x100]  }
0x260: {  	v8 =	vld [tilespmem:s6+$0x110]  }
0x261: {  	v5 =	vld [tilespmem:s6+$0xC0]  }
0x262: {  	v6 =	vld [tilespmem:s6+$0xD0]  }
0x263: {  	v4 =	vld [tilespmem:s6+$0x80]  }
0x264: {  	v10 =	vld [tilespmem:s6+$0x90]  }
0x265: {  	v11 =	vld [tilespmem:s6+$0x40]  }
0x266: {  	v13 =	vld [tilespmem:s6+$0x50]  }
0x267: {  	v14 =	vld [tilespmem:s6+$0x0]  }
0x268: {  	v15 =	vld [tilespmem:s6+$0x10]  }
0x269: {  	v16 =	vld [tilespmem:s6+$0x20]  }
0x26a: {  	v17 =	vld [tilespmem:s6+$0x30]  }
0x26b: {  	v18 =	vld [tilespmem:s6+$0x60]  }
0x26c: {  	v19 =	vld [tilespmem:s6+$0x70]  }
0x26d: {  	v20 =	vimm.f32 $0.0e+00;
	v21 =	vld [tilespmem:s6+$0xA0]  }
0x26e: {  	v22 =	vld [tilespmem:s6+$0xB0];
	v14 =	vadd.f32 v14, v20;
	v15 =	vadd.f32 v15, v20  }
0x26f: {  	v59 =	vld [tilespmem:s6+$0xE0];
	v16 =	vadd.f32 v16, v20;
	v17 =	vadd.f32 v17, v20  }
0x270: {  	v11 =	vadd.f32 v11, v14;
	v13 =	vadd.f32 v13, v15;
	v14 =	vld [tilespmem:s6+$0xF0]  }
0x271: {  	v61 =	vld [tilespmem:s6+$0x120];
	v15 =	vadd.f32 v18, v16;
	v60 =	vadd.f32 v19, v17  }
0x272: {  	v11 =	vadd.f32 v4, v11;
	v10 =	vadd.f32 v10, v13;
	v13 =	vld [tilespmem:s6+$0x130]  }
0x273: {  	v15 =	vadd.f32 v21, v15;
	v16 =	vadd.f32 v22, v60;
	v4 =	vld [tilespmem:s6+$0x160]  }
0x274: {  	v11 =	vadd.f32 v5, v11;
	v10 =	vadd.f32 v6, v10;
	v6 =	vld [tilespmem:s6+$0x170]  }
0x275: {  	v15 =	vadd.f32 v59, v15;
	v5 =	vld [tilespmem:s6+$0x1A0];
	v14 =	vadd.f32 v14, v16  }
0x276: {  	v62 =	vadd.f32 v7, v11;
	v63 =	vadd.f32 v8, v10;
	v8 =	vld [tilespmem:s6+$0x1B0]  }
0x277: {  	v11 =	vadd.f32 v61, v15;
	v7 =	vld [tilespmem:s6+$0x1E0];
	v10 =	vadd.f32 v13, v14  }
0x278: {  	s18 =	simm.s32 $0x0;
	s19 =	simm.s32 $0x16640;
	v13 =	vadd.f32 v9, v62;
	v12 =	vadd.f32 v12, v63;
	v9 =	vld [tilespmem:s6+$0x1F0]  }
.LBB2_20:
0x279: {  	v14 =	vld [tilespmem:s19+$0x1C0];
	v4 =	vadd.f32 v4, v11;
	v6 =	vadd.f32 v6, v10  }
0x27a: {  	v10 =	vld [tilespmem:s19+$0x1D0];
	v11 =	vadd.f32 v2, v13;
	v12 =	vadd.f32 v3, v12  }
0x27b: {  	v2 =	vld [tilespmem:s19+$0x180];
	v4 =	vadd.f32 v5, v4;
	v5 =	vadd.f32 v8, v6  }
0x27c: {  	v3 =	vld [tilespmem:s19+$0x190];
	v6 =	vadd.f32 v0, v11;
	v8 =	vadd.f32 v1, v12  }
0x27d: {  	v12 =	vld [tilespmem:s19+$0x140];
	v4 =	vadd.f32 v7, v4;
	v5 =	vadd.f32 v9, v5  }
0x27e: {  	v9 =	vld [tilespmem:s19+$0x150];
	v0 =	vmov v14  }
0x27f: {  	v7 =	vld [tilespmem:s19+$0x100];
	v1 =	vmov v10  }
0x280: {  	v10 =	vld [tilespmem:s19+$0x110]  }
0x281: {  	v11 =	vld [tilespmem:s19+$0xC0]  }
0x282: {  	v13 =	vld [tilespmem:s19+$0xD0]  }
0x283: {  	v14 =	vld [tilespmem:s19+$0x80]  }
0x284: {  	v15 =	vld [tilespmem:s19+$0x90]  }
0x285: {  	v16 =	vld [tilespmem:s19+$0x40]  }
0x286: {  	v17 =	vld [tilespmem:s19+$0x50]  }
0x287: {  	v18 =	vld [tilespmem:s19+$0x0]  }
0x288: {  	v19 =	vld [tilespmem:s19+$0x10]  }
0x289: {  	v20 =	vld [tilespmem:s19+$0x20]  }
0x28a: {  	s18 =	sadd.s32 $0x4, s18;
	v21 =	vld [tilespmem:s19+$0x30]  }
0x28b: {  	p1 =	slt.u32 s18, $0x60;
	v22 =	vld [tilespmem:s19+$0x60]  }
0x28c: {  	v23 =	vld [tilespmem:s19+$0x70]  }
0x28d: {  	v24 =	vld [tilespmem:s19+$0xA0]  }
0x28e: {  	v6 =	vadd.f32 v18, v6;
	v8 =	vadd.f32 v19, v8;
	v18 =	vld [tilespmem:s19+$0xB0]  }
0x28f: {  	v4 =	vadd.f32 v20, v4;
	v5 =	vadd.f32 v21, v5;
	v19 =	vld [tilespmem:s19+$0xE0]  }
0x290: {  	v6 =	vadd.f32 v16, v6;
	v8 =	vadd.f32 v17, v8;
	v16 =	vld [tilespmem:s19+$0xF0]  }
0x291: {  	v4 =	vadd.f32 v22, v4;
	v5 =	vadd.f32 v23, v5;
	v17 =	vld [tilespmem:s19+$0x120]  }
0x292: {  	v6 =	vadd.f32 v14, v6;
	v8 =	vadd.f32 v15, v8;
	v14 =	vld [tilespmem:s19+$0x130]  }
0x293: {  	v15 =	vadd.f32 v24, v4;
	v5 =	vadd.f32 v18, v5;
	v4 =	vld [tilespmem:s19+$0x160]  }
.Ltmp11:
0x294: {  	v11 =	vadd.f32 v11, v6;
	v8 =	vadd.f32 v13, v8;
	v6 =	vld [tilespmem:s19+$0x170];
	(pc) =	sbr.rel @p1 .LBB2_20-.Ltmp11, $4  }
0x295: {  	v13 =	vadd.f32 v19, v15;
	v15 =	vadd.f32 v16, v5;
	v5 =	vld [tilespmem:s19+$0x1A0]  }
0x296: {  	v16 =	vadd.f32 v7, v11;
	v18 =	vadd.f32 v10, v8;
	v8 =	vld [tilespmem:s19+$0x1B0]  }
0x297: {  	v11 =	vadd.f32 v17, v13;
	v10 =	vadd.f32 v14, v15;
	v7 =	vld [tilespmem:s19+$0x1E0]  }
0x298: {  	v13 =	vadd.f32 v12, v16;
	v12 =	vadd.f32 v9, v18;
	v9 =	vld [tilespmem:s19+$0x1F0];
	s19 =	sadd.s32 $0x200, s19  }
0x299: {  	_ = 	snop  }
0x29a: {  	v4 =	vadd.f32 v4, v11;
	v2 =	vadd.f32 v2, v13  }
0x29b: {  	v6 =	vadd.f32 v6, v10;
	v3 =	vadd.f32 v3, v12  }
0x29c: {  	v4 =	vadd.f32 v5, v4;
	v0 =	vadd.f32 v0, v2  }
0x29d: {  	v61 =	vadd.f32 v8, v6;
	v1 =	vadd.f32 v1, v3  }
.Ltmp12:
0x29e: {  	v62 =	vadd.f32 v7, v4;
	[tilespmem:$0x19800] =	vst v0;
	(pc) =	sbr.rel @p0 .LBB2_23-.Ltmp12, $4  }
0x29f: {  	v63 =	vadd.f32 v9, v61;
	[tilespmem:$0x19810] =	vst v1  }
0x2a0: {  	[tilespmem:$0x19820] =	vst v62  }
0x2a1: {  	s6 =	sadd.s32 s11, s17;
	[tilespmem:$0x19830] =	vst v63  }
0x2a2: {  	[hbm4b:s6+s2] =	stream.linear.scatter [tilespmem:s0], [sflag:$0x6], $0x100, $0x38;
	[tilespmem:$0x19840] =	vst v63  }
0x2a3: {  	_ =	swait.ge [sflag:s21], $0x320  }
0x2a4: {  	[sflag:s21] =	ssyncset.done $0x0  }
0x2a5: {  	[sflag:s21] =	ssyncadd.s32 $0xFFFFFCE0  }
0x2a6: {  	[tilespmem:s22], [sflag:$0x2] =	stream.indirect.gather [hbm4b:s4+s13], $0x40, s20, s13, $0xb8;
	[tilespmem:$0x19840] =	vst v63  }
0x2a7: {  	_ = 	snop  }
0x2a8: {  	[tilespmem:s24], [sflag:$0x2] =	stream.indirect.gather [hbm4b:s4+s13], $0x40, s23, s13, $0xb8;
	[tilespmem:$0x19840] =	vst v63  }
.Ltmp13:
0x2a9: {  	_ = 	snop;
	(pc) =	sbr.rel .LBB2_2-.Ltmp13, $4  }
0x2aa: {  	_ = 	snop  }
0x2ab: {  	[tilespmem:s26], [sflag:$0x2] =	stream.indirect.gather [hbm4b:s4+s13], $0x40, s25, s13, $0xb8;
	[tilespmem:$0x19840] =	vst v63  }
0x2ac: {  	s16 =	sadd.s32 $0x1, s16  }
0x2ad: {  	[tilespmem:s29], [sflag:$0x2] =	stream.indirect.gather [hbm4b:s4+s13], $0x40, s28, s13, $0xb8;
	[tilespmem:$0x19840] =	vst v63  }
.LBB2_24:
0x2ae: {  	_ =	sfence.sel $0x180000  }
0x2af: {  	[bflag:$0x0] =	sbarrier.arrive $0xFFFF  }
0x2b0: {  	_ =	strace $0x90000047  }
0x2b1: {  	s0 =	stileid.u32;
	[bflag:$0x2] =	sbarrier.arrive $0xFFFF  }
0x2b2: {  	p0 =	sne.s32 s0, $0x0;
	s0 =	rddreg [dreg:$0x1]  }
0x2b3: {  	s0 =	sadd.s32 @!p0 $0x100000, s0  }
0x2b4: {  	[sflag:s0] =	ssyncadd.tile.s32 @!p0 $0x1;
	_ =	shalt  }
.Lfunc_end2:
_tile_overlayer_lowered:
.L_overlay_start_2:
0x2b5: {  	(tag) =	ssettag $0x2  }
0x2b6: {  	s0 =	rddreg [dreg:$0x0];
	s2 =	stileid.u32  }
0x2b7: {  	s1 =	rddreg [dreg:$0x1];
	p0 =	sne.s32 s2, $0x0  }
0x2b8: {  	s3 =	rddreg [dreg:$0x2];
	[bflag:$0x3] =	sbarrier.arrive $0xFFFF;
	s2 =	simm.s32 @!p0 $0x1C07  }
0x2b9: {  	[timem:s3], [sflag:s2] =	dma.local @!p0 [hbm:s0], s1  }
0x2ba: {  	s0 =	simm.s32 @!p0 $0x7  }
0x2bb: {  	_ =	swait.ge @!p0 [sflag:s0], s1  }
0x2bc: {  	s1 =	ssub.s32 @!p0 $0x0, s1;
	[sflag:s0] =	ssyncset.done @!p0 $0x0  }
0x2bd: {  	[sflag:s0] =	ssyncadd.s32 @!p0 s1  }
0x2be: {  	[bflag:$0x3] =	sbarrier.arrive $0xFFFF  }
0x2bf: {  	_ =	shalt  }

</sc_bundles>
